<compile_context>
chip_gen: v7x
topology: tpu7x:2x2x1
jax: 0.10.2.dev20260603
libtpu: 0.0.44.dev20260713+nightly
codegen_flags: <defaults>
</compile_context>

<pallas_src>
import functools

import jax
import jax.numpy as jnp
from jax import lax
from jax.experimental import pallas as pl
from jax.experimental.pallas import tpu as pltpu
from jax.experimental.pallas import tpu_sc as plsc

_THRESH_NLOG = 0.35667494393873245
_N_MIN = 65536

_N, _C, _H, _W = 4, 19, 512, 512
_NPIX = _N * _H * _W

_ROWS = 256
_RGRID = _H // _ROWS


def _loss_body(logits_ref, labels_ref, loss_ref, cnt_ref, sum_ref):
    x = logits_ref[0]
    m = jnp.max(x, axis=0)
    e = jnp.exp(x - m[None])
    s = jnp.sum(e, axis=0)
    lse = m + jnp.log(s)
    lbl = labels_ref[0]
    cls = lax.broadcasted_iota(jnp.int32, x.shape, 0)
    pick = jnp.sum(jnp.where(cls == lbl[None], x, 0.0), axis=0)
    loss = jnp.maximum(lse - pick, 0.0)
    loss_ref[0] = loss
    mask = loss > _THRESH_NLOG
    c = jnp.sum(mask.astype(jnp.float32))
    sv = jnp.sum(jnp.where(mask, loss, 0.0))
    first = jnp.logical_and(pl.program_id(0) == 0, pl.program_id(1) == 0)

    @pl.when(first)
    def _():
        cnt_ref[0, 0] = c
        sum_ref[0, 0] = sv

    @pl.when(jnp.logical_not(first))
    def _():
        cnt_ref[0, 0] = cnt_ref[0, 0] + c
        sum_ref[0, 0] = sum_ref[0, 0] + sv


_loss_call = pl.pallas_call(
    _loss_body,
    grid=(_N, _RGRID),
    in_specs=[
        pl.BlockSpec((1, _C, _ROWS, _W), lambda n, r: (n, 0, r, 0)),
        pl.BlockSpec((1, _ROWS, _W), lambda n, r: (n, r, 0)),
    ],
    out_specs=[
        pl.BlockSpec((1, _ROWS, _W), lambda n, r: (n, r, 0)),
        pl.BlockSpec((1, 1), lambda n, r: (0, 0), memory_space=pltpu.SMEM),
        pl.BlockSpec((1, 1), lambda n, r: (0, 0), memory_space=pltpu.SMEM),
    ],
    out_shape=[
        jax.ShapeDtypeStruct((_N, _H, _W), jnp.float32),
        jax.ShapeDtypeStruct((1, 1), jnp.float32),
        jax.ShapeDtypeStruct((1, 1), jnp.float32),
    ],
)

_NC, _NS = 2, 16
_NW = _NC * _NS
_PER_W = _NPIX // _NW
_CH = 4096
_NCHUNK = _PER_W // _CH
_NPAIR = _NCHUNK // 2
_NBINS = 65536
_NREP = 1
_BINS_PER_TILE = _NREP * _NBINS // _NS


def _sc_hist_body(loss_hbm, param_hbm, zeros_hbm, cnt_out, psum_out,
                  pbuf, dbuf_a, dbuf_b, ibuf_a, ibuf_b, cbuf_a, cbuf_b,
                  abuf, cnt_sh, sem_a, sem_b):
    c = lax.axis_index("c")
    s = lax.axis_index("s")
    wid = s * _NC + c
    sl = pl.ds(s * _BINS_PER_TILE, _BINS_PER_TILE)
    pltpu.sync_copy(zeros_hbm.at[sl], cnt_sh.at[sl])
    pltpu.sync_copy(param_hbm, pbuf)
    plsc.subcore_barrier()

    p = pbuf[...]
    is_p1 = p < 0
    base = wid * _PER_W
    lanes = lax.iota(jnp.int32, 16)
    rep_off = (s % _NREP) * _NBINS
    abuf[...] = jnp.zeros((16,), jnp.float32)
    dbufs = (dbuf_a, dbuf_b)
    ibufs = (ibuf_a, ibuf_b)
    cbufs = (cbuf_a, cbuf_b)
    sems = (sem_a, sem_b)

    def process(off0, db, ib, cb):
        def vec_body(k, acc):
            for u in range(4):
                off = k * 64 + u * 16
                v = db[pl.ds(off, 16)]
                bits = lax.bitcast_convert_type(v, jnp.int32)
                hi = lax.shift_right_logical(bits, 16)
                lo = lax.bitwise_and(bits, jnp.int32(0xFFFF))
                match = jnp.logical_or(is_p1, hi == p)
                pos = lax.bitwise_and(off0 + off + lanes, jnp.int32(0xFFFF))
                idx = jnp.where(match, jnp.where(is_p1, hi, lo), pos) + rep_off
                ib[pl.ds(off, 16)] = idx
                cb[pl.ds(off, 16)] = jnp.where(match, 1.0, 0.0)
                acc = acc + jnp.where(hi > p, v, 0.0)
            return acc

        acc = lax.fori_loop(0, _CH // 64, vec_body, jnp.zeros((16,), jnp.float32))
        abuf[...] = abuf[...] + acc
        pltpu.sync_copy(cb, cnt_sh.at[ib], add=True)

    def start_load(ci, which):
        ci = jnp.minimum(ci, _NCHUNK - 1)
        pltpu.async_copy(loss_hbm.at[pl.ds(base + ci * _CH, _CH)],
                         dbufs[which], sems[which])

    def wait_load(which):
        pltpu.make_async_copy(loss_hbm.at[pl.ds(0, _CH)],
                              dbufs[which], sems[which]).wait()

    start_load(0, 0)

    def pair_body(i, carry):
        start_load(2 * i + 1, 1)
        wait_load(0)
        process(base + (2 * i) * _CH, dbuf_a, ibuf_a, cbuf_a)
        start_load(2 * i + 2, 0)
        wait_load(1)
        process(base + (2 * i + 1) * _CH, dbuf_b, ibuf_b, cbuf_b)
        return carry

    lax.fori_loop(0, _NPAIR, pair_body, 0)
    wait_load(0)
    pltpu.sync_copy(abuf, psum_out.at[c, s])
    plsc.subcore_barrier()

    @pl.when(s == 0)
    def _():
        pltpu.sync_copy(cnt_sh, cnt_out.at[c])


def _sc_sum_body(loss_hbm, param_hbm, psum_out,
                 pbuf, dbuf_a, dbuf_b, abuf, sem_a, sem_b):
    c = lax.axis_index("c")
    s = lax.axis_index("s")
    wid = s * _NC + c
    pltpu.sync_copy(param_hbm, pbuf)
    b1 = pbuf[pl.ds(0, 16)]
    b2 = pbuf[pl.ds(16, 16)]
    base = wid * _PER_W
    dbufs = (dbuf_a, dbuf_b)
    sems = (sem_a, sem_b)

    def process(db, acc0):
        def vec_body(k, acc):
            for u in range(4):
                off = k * 64 + u * 16
                v = db[pl.ds(off, 16)]
                bits = lax.bitcast_convert_type(v, jnp.int32)
                hi = lax.shift_right_logical(bits, 16)
                lo = lax.bitwise_and(bits, jnp.int32(0xFFFF))
                m = jnp.logical_and(hi == b1, lo > b2)
                acc = acc + jnp.where(m, v, 0.0)
            return acc

        return lax.fori_loop(0, _CH // 64, vec_body, acc0)

    def start_load(ci, which):
        ci = jnp.minimum(ci, _NCHUNK - 1)
        pltpu.async_copy(loss_hbm.at[pl.ds(base + ci * _CH, _CH)],
                         dbufs[which], sems[which])

    def wait_load(which):
        pltpu.make_async_copy(loss_hbm.at[pl.ds(0, _CH)],
                              dbufs[which], sems[which]).wait()

    start_load(0, 0)

    def pair_body(i, acc):
        start_load(2 * i + 1, 1)
        wait_load(0)
        acc = process(dbuf_a, acc)
        start_load(2 * i + 2, 0)
        wait_load(1)
        acc = process(dbuf_b, acc)
        return acc

    acc = lax.fori_loop(0, _NPAIR, pair_body, jnp.zeros((16,), jnp.float32))
    wait_load(0)
    abuf[...] = acc
    pltpu.sync_copy(abuf, psum_out.at[c, s])


@functools.lru_cache(maxsize=1)
def _get_hist_call():
    return pl.kernel(
        _sc_hist_body,
        mesh=plsc.VectorSubcoreMesh(core_axis_name="c", subcore_axis_name="s",
                                    num_cores=_NC, num_subcores=_NS),
        out_type=[
            jax.ShapeDtypeStruct((_NC, _NREP * _NBINS), jnp.float32),
            jax.ShapeDtypeStruct((_NC, _NS, 16), jnp.float32),
        ],
        scratch_types=[
            pltpu.VMEM((16,), jnp.int32),
            pltpu.VMEM((_CH,), jnp.float32),
            pltpu.VMEM((_CH,), jnp.float32),
            pltpu.VMEM((_CH,), jnp.int32),
            pltpu.VMEM((_CH,), jnp.int32),
            pltpu.VMEM((_CH,), jnp.float32),
            pltpu.VMEM((_CH,), jnp.float32),
            pltpu.VMEM((16,), jnp.float32),
            pltpu.VMEM_SHARED((_NREP * _NBINS,), jnp.float32),
            pltpu.SemaphoreType.DMA,
            pltpu.SemaphoreType.DMA,
        ],
    )


@functools.lru_cache(maxsize=1)
def _get_sum_call():
    return pl.kernel(
        _sc_sum_body,
        mesh=plsc.VectorSubcoreMesh(core_axis_name="c", subcore_axis_name="s",
                                    num_cores=_NC, num_subcores=_NS),
        out_type=jax.ShapeDtypeStruct((_NC, _NS, 16), jnp.float32),
        scratch_types=[
            pltpu.VMEM((32,), jnp.int32),
            pltpu.VMEM((_CH,), jnp.float32),
            pltpu.VMEM((_CH,), jnp.float32),
            pltpu.VMEM((16,), jnp.float32),
            pltpu.SemaphoreType.DMA,
            pltpu.SemaphoreType.DMA,
        ],
    )

_HR, _HCOL = 512, 128


def _scan_body(cnt_ref, k_ref, b_ref, above_ref):
    C = jnp.sum(cnt_ref[...], axis=0)
    rr = lax.broadcasted_iota(jnp.int32, (_HCOL, _HCOL), 0)
    cc = lax.broadcasted_iota(jnp.int32, (_HCOL, _HCOL), 1)
    t_strict = (rr < cc).astype(jnp.float32)
    r2 = lax.broadcasted_iota(jnp.int32, (_HR, _HR), 0)
    c2 = lax.broadcasted_iota(jnp.int32, (_HR, _HR), 1)
    l_strict = (c2 < r2).astype(jnp.float32)
    m1 = lax.dot(l_strict, C, precision=lax.Precision.HIGHEST)
    rowpre = jnp.sum(m1, axis=1, keepdims=True)
    rowcum_excl = lax.dot(C, t_strict, precision=lax.Precision.HIGHEST)
    p_excl = rowpre + rowcum_excl
    total = jnp.sum(C)
    k = k_ref[0, 0]
    mask_le = (p_excl <= (total - k)).astype(jnp.float32)
    b_ref[0, 0] = jnp.sum(mask_le) - 1.0
    above_ref[0, 0] = jnp.sum(C * (1.0 - mask_le))


_scan_call = pl.pallas_call(
    _scan_body,
    in_specs=[
        pl.BlockSpec((_NC * _NREP, _HR, _HCOL), lambda: (0, 0, 0)),
        pl.BlockSpec((1, 1), lambda: (0, 0), memory_space=pltpu.SMEM),
    ],
    out_specs=[
        pl.BlockSpec((1, 1), lambda: (0, 0), memory_space=pltpu.SMEM),
        pl.BlockSpec((1, 1), lambda: (0, 0), memory_space=pltpu.SMEM),
    ],
    out_shape=[
        jax.ShapeDtypeStruct((1, 1), jnp.float32),
        jax.ShapeDtypeStruct((1, 1), jnp.float32),
    ],
)



def kernel(logits, labels):
    labels = labels.astype(jnp.int32)
    loss, cnt_gt, sum_gt = _loss_call(logits, labels)
    loss_flat = loss.reshape(_NPIX)

    p1 = jnp.full((16,), -1, dtype=jnp.int32)
    zeros_h = jnp.zeros((_NREP * _NBINS,), dtype=jnp.float32)
    hist = _get_hist_call()
    cnt1, _ = hist(loss_flat, p1, zeros_h)
    k1 = jnp.full((1, 1), float(_N_MIN), dtype=jnp.float32)
    b1f, above1 = _scan_call(cnt1.reshape(_NC * _NREP, _HR, _HCOL), k1)
    b1 = b1f[0, 0].astype(jnp.int32)
    k2 = _N_MIN - above1

    p2 = jnp.full((16,), 1, dtype=jnp.int32) * b1
    cnt2, psum1 = hist(loss_flat, p2, zeros_h)
    sumab1 = jnp.sum(psum1)
    b2f, above2 = _scan_call(cnt2.reshape(_NC * _NREP, _HR, _HCOL), k2)
    b2 = b2f[0, 0].astype(jnp.int32)

    p3 = jnp.concatenate([p2, jnp.full((16,), 1, dtype=jnp.int32) * b2])
    psum2 = _get_sum_call()(loss_flat, p3)
    sumab2 = jnp.sum(psum2)

    v_cut = lax.bitcast_convert_type(
        jnp.left_shift(b1, 16) | b2, jnp.float32)
    remaining = k2[0, 0] - above2[0, 0]
    sum_top = sumab1 + sumab2 + remaining * v_cut
    mean_b = sum_top / jnp.float32(_N_MIN)

    cg = cnt_gt[0, 0]
    mean_a = sum_gt[0, 0] / jnp.maximum(cg, 1.0)
    return jnp.where(cg > jnp.float32(_N_MIN), mean_a, mean_b)

# --- scband reference (transcript-rebuilt; emitter-appended) ---
"""Pipeline reference for scband-ohem-celoss-62319975465455 (READ-ONLY COPY).

The authoritative reference and input builder live on the scoring server;
editing this copy changes nothing except your own understanding.
"""

import jax, jax.numpy as jnp
import numpy as np

THRESH = 0.7
N_MIN = 65536

def setup_inputs(seed: int = 0) -> dict:
    key = jax.random.key(seed)
    k1, k2 = jax.random.split(key)
    logits = jax.random.normal(k1, (4, 19, 512, 512), dtype=jnp.float32)
    labels = jax.random.randint(k2, (4, 512, 512), 0, 19, dtype=jnp.int64 if jax.config.jax_enable_x64 else jnp.int32)
    return {"logits": logits, "labels": labels}

def reference(logits, labels):
    N, C, H, W = logits.shape
    # per-pixel cross entropy, reduction='none'
    logp = jax.nn.log_softmax(logits, axis=1)
    logp_flat = jnp.transpose(logp, (0, 2, 3, 1)).reshape(-1, C)
    labels_flat = labels.reshape(-1)
    loss = -jnp.take_along_axis(logp_flat, labels_flat[:, None].astype(jnp.int32), axis=1)[:, 0]
    # sort descending
    loss_sorted = jnp.sort(loss)[::-1]
    thresh = -jnp.log(jnp.float32(THRESH))
    cond = loss_sorted[N_MIN] > thresh
    # branch A: mean of losses strictly greater than thresh
    mask = loss_sorted > thresh
    cnt = jnp.maximum(jnp.sum(mask), 1)
    mean_a = jnp.sum(jnp.where(mask, loss_sorted, 0.0)) / cnt.astype(loss_sorted.dtype)
    # branch B: mean of top n_min losses
    mean_b = jnp.mean(loss_sorted[:N_MIN])
    return jnp.where(cond, mean_a, mean_b)

if __name__ == "__main__":
    import jax
    _d = setup_inputs()
    print(jax.jit(kernel)(*tuple(_d.values())))

</pallas_src>

<mosaic_0001>
#map = affine_map<(d0, d1) -> (0)>
#map1 = affine_map<(d0, d1) -> (0, 0, 0)>
module attributes {stable_mosaic.version = 14 : i64} {
  func.func @_sc_sum_body(%arg0: i32, %arg1: i32, %arg2: memref<1048576xf32, #tpu.memory_space<hbm>>, %arg3: memref<32xi32, #tpu.memory_space<hbm>>, %arg4: memref<2x16x16xf32, #tpu.memory_space<hbm>>, %arg5: memref<32xi32, #tpu.memory_space<vmem>>, %arg6: memref<4096xf32, #tpu.memory_space<vmem>>, %arg7: memref<4096xf32, #tpu.memory_space<vmem>>, %arg8: memref<16xf32, #tpu.memory_space<vmem>>, %arg9: memref<!tpu.dma_semaphore, #tpu.memory_space<semaphore_mem>>, %arg10: memref<!tpu.dma_semaphore, #tpu.memory_space<semaphore_mem>>) attributes {dimension_semantics = [#tpu.dimension_semantics<core_parallel>, #tpu.dimension_semantics<subcore_parallel>], iteration_bounds = array<i64: 2, 16>, scalar_prefetch = 0 : i64, scratch_operands = 6 : i64, tpu.core_type = #tpu.core_type<sc_vector_subcore>, window_params = [{transform_indices = #map}, {transform_indices = #map}, {transform_indices = #map1}]} {
    %mul3A = arith.constant 2 : i32
    %mul3A_0 = arith.muli %arg1, %mul3A : i32
    %add3A = arith.addi %mul3A_0, %arg0 : i32
    "tpu.region"() ({
      %run_scoped3A = tpu.sem_alloc : memref<!tpu.dma_semaphore, #tpu.memory_space<semaphore_mem>>
      tpu.enqueue_dma source(%arg3 : memref<32xi32, #tpu.memory_space<hbm>>) target(%arg5 : memref<32xi32, #tpu.memory_space<vmem>>) target_semaphore(%run_scoped3A : memref<!tpu.dma_semaphore, #tpu.memory_space<semaphore_mem>>)
      tpu.wait_dma2 semaphore(%run_scoped3A : memref<!tpu.dma_semaphore, #tpu.memory_space<semaphore_mem>>) src(%arg3 : memref<32xi32, #tpu.memory_space<hbm>>) dst(%arg5 : memref<32xi32, #tpu.memory_space<vmem>>)
      tpu.yield
    }) : () -> ()
    %get3A = arith.constant 0 : index
    %get3A_1 = tpu.vector_load %arg5[%get3A] {strides = array<i32>} : memref<32xi32, #tpu.memory_space<vmem>>, vector<16xi32>,
    %get3A_2 = vector.shape_cast %get3A_1 : vector<16xi32> to vector<16xi32>
    %get3A_3 = arith.constant 16 : index
    %get3A_4 = tpu.vector_load %arg5[%get3A_3] {strides = array<i32>} : memref<32xi32, #tpu.memory_space<vmem>>, vector<16xi32>,
    %get3A_5 = vector.shape_cast %get3A_4 : vector<16xi32> to vector<16xi32>
    %mul3A_6 = arith.constant 32768 : i32
    %mul3A_7 = arith.muli %add3A, %mul3A_6 : i32
    %min3A = arith.constant 0 : i32
    %min3A_8 = arith.constant 7 : i32
    %min3A_9 = arith.minsi %min3A, %min3A_8 : i32
    %mul3A_10 = arith.constant 4096 : i32
    %mul3A_11 = arith.muli %min3A_9, %mul3A_10 : i32
    %add3A_12 = arith.addi %mul3A_7, %mul3A_11 : i32
    %dma_start3A = tpu.memref_slice %arg2[%add3A_12] : memref<1048576xf32, #tpu.memory_space<hbm>> -> memref<4096xf32, #tpu.memory_space<hbm>>
    %dma_start3A_13 = tpu.memref_slice %arg2[%add3A_12] : memref<1048576xf32, #tpu.memory_space<hbm>> -> memref<4096xf32, #tpu.memory_space<hbm>>
    tpu.enqueue_dma source(%dma_start3A_13 : memref<4096xf32, #tpu.memory_space<hbm>>) target(%arg6 : memref<4096xf32, #tpu.memory_space<vmem>>) target_semaphore(%arg9 : memref<!tpu.dma_semaphore, #tpu.memory_space<semaphore_mem>>)
    %broadcast_in_dim3A = arith.constant 0.000000e+00 : f32
    %broadcast_in_dim3A_14 = vector.broadcast %broadcast_in_dim3A : f32 to vector<16xf32>
    %scan3A = arith.constant 0 : i32
    %scan3A_15 = arith.constant 4 : i32
    %scan3A_16 = arith.addi %scan3A, %scan3A_15 : i32
    %scan3A_17 = arith.constant 1 : i32
    %scan3A_18 = scf.for %scan3A_26 = %scan3A to %scan3A_16 step %scan3A_17 iter_args(%scan3A_27 = %broadcast_in_dim3A_14) -> (vector<16xf32>)  : i32 {
      %mul3A_28 = arith.constant 2 : i32
      %mul3A_29 = arith.muli %mul3A_28, %scan3A_26 : i32
      %add3A_30 = arith.constant 1 : i32
      %add3A_31 = arith.addi %mul3A_29, %add3A_30 : i32
      %min3A_32 = arith.constant 7 : i32
      %min3A_33 = arith.minsi %add3A_31, %min3A_32 : i32
      %mul3A_34 = arith.constant 4096 : i32
      %mul3A_35 = arith.muli %min3A_33, %mul3A_34 : i32
      %add3A_36 = arith.addi %mul3A_7, %mul3A_35 : i32
      %dma_start3A_37 = tpu.memref_slice %arg2[%add3A_36] : memref<1048576xf32, #tpu.memory_space<hbm>> -> memref<4096xf32, #tpu.memory_space<hbm>>
      %dma_start3A_38 = tpu.memref_slice %arg2[%add3A_36] : memref<1048576xf32, #tpu.memory_space<hbm>> -> memref<4096xf32, #tpu.memory_space<hbm>>
      tpu.enqueue_dma source(%dma_start3A_38 : memref<4096xf32, #tpu.memory_space<hbm>>) target(%arg7 : memref<4096xf32, #tpu.memory_space<vmem>>) target_semaphore(%arg10 : memref<!tpu.dma_semaphore, #tpu.memory_space<semaphore_mem>>)
      %dma_wait3A_39 = arith.constant 0 : i32
      %dma_wait3A_40 = tpu.memref_slice %arg2[%dma_wait3A_39] : memref<1048576xf32, #tpu.memory_space<hbm>> -> memref<4096xf32, #tpu.memory_space<hbm>>
      %dma_wait3A_41 = arith.constant 0 : i32
      %dma_wait3A_42 = tpu.memref_slice %arg2[%dma_wait3A_41] : memref<1048576xf32, #tpu.memory_space<hbm>> -> memref<4096xf32, #tpu.memory_space<hbm>>
      tpu.wait_dma2 semaphore(%arg9 : memref<!tpu.dma_semaphore, #tpu.memory_space<semaphore_mem>>) src(%dma_wait3A_42 : memref<4096xf32, #tpu.memory_space<hbm>>) dst(%arg6 : memref<4096xf32, #tpu.memory_space<vmem>>)
      %scan3A_43 = arith.constant 0 : i32
      %scan3A_44 = arith.constant 64 : i32
      %scan3A_45 = arith.addi %scan3A_43, %scan3A_44 : i32
      %scan3A_46 = arith.constant 1 : i32
      %scan3A_47 = scf.for %scan3A_70 = %scan3A_43 to %scan3A_45 step %scan3A_46 iter_args(%scan3A_71 = %scan3A_27) -> (vector<16xf32>)  : i32 {
        %mul3A_72 = arith.constant 64 : i32
        %mul3A_73 = arith.muli %scan3A_70, %mul3A_72 : i32
        %add3A_74 = arith.constant 0 : i32
        %add3A_75 = arith.addi %mul3A_73, %add3A_74 : i32
        %get3A_76 = arith.index_cast %add3A_75 : i32 to index
        %get3A_77 = tpu.vector_load %arg6[%get3A_76] {strides = array<i32>} : memref<4096xf32, #tpu.memory_space<vmem>>, vector<16xf32>,
        %get3A_78 = vector.shape_cast %get3A_77 : vector<16xf32> to vector<16xf32>
        %bitcast_convert_type3A = tpu.bitcast %get3A_78 : vector<16xf32> -> vector<16xi32>
        %shift_right_logical3A = arith.constant 16 : i32
        %shift_right_logical3A_79 = vector.broadcast %shift_right_logical3A : i32 to vector<16xi32>
        %shift_right_logical3A_80 = arith.shrui %bitcast_convert_type3A, %shift_right_logical3A_79 : vector<16xi32>
        %and3A = arith.constant 65535 : i32
        %and3A_81 = vector.broadcast %and3A : i32 to vector<16xi32>
        %and3A_82 = arith.andi %bitcast_convert_type3A, %and3A_81 : vector<16xi32>
        %eq3A = arith.cmpi eq, %shift_right_logical3A_80, %get3A_2 : vector<16xi32>
        %gt3A = arith.cmpi sgt, %and3A_82, %get3A_5 : vector<16xi32>
        %and3A_83 = arith.andi %eq3A, %gt3A : vector<16xi1>
        %jit3A = arith.constant 0.000000e+00 : f32
        %broadcast_in_dim3A_84 = vector.broadcast %jit3A : f32 to vector<16xf32>
        %select_n3A = arith.select %and3A_83, %get3A_78, %broadcast_in_dim3A_84 : vector<16xi1>, vector<16xf32>
        %add3A_85 = arith.addf %scan3A_71, %select_n3A : vector<16xf32>
        %mul3A_86 = arith.constant 64 : i32
        %mul3A_87 = arith.muli %scan3A_70, %mul3A_86 : i32
        %add3A_88 = arith.constant 16 : i32
        %add3A_89 = arith.addi %mul3A_87, %add3A_88 : i32
        %get3A_90 = arith.index_cast %add3A_89 : i32 to index
        %get3A_91 = tpu.vector_load %arg6[%get3A_90] {strides = array<i32>} : memref<4096xf32, #tpu.memory_space<vmem>>, vector<16xf32>,
        %get3A_92 = vector.shape_cast %get3A_91 : vector<16xf32> to vector<16xf32>
        %bitcast_convert_type3A_93 = tpu.bitcast %get3A_92 : vector<16xf32> -> vector<16xi32>
        %shift_right_logical3A_94 = arith.constant 16 : i32
        %shift_right_logical3A_95 = vector.broadcast %shift_right_logical3A_94 : i32 to vector<16xi32>
        %shift_right_logical3A_96 = arith.shrui %bitcast_convert_type3A_93, %shift_right_logical3A_95 : vector<16xi32>
        %and3A_97 = arith.constant 65535 : i32
        %and3A_98 = vector.broadcast %and3A_97 : i32 to vector<16xi32>
        %and3A_99 = arith.andi %bitcast_convert_type3A_93, %and3A_98 : vector<16xi32>
        %eq3A_100 = arith.cmpi eq, %shift_right_logical3A_96, %get3A_2 : vector<16xi32>
        %gt3A_101 = arith.cmpi sgt, %and3A_99, %get3A_5 : vector<16xi32>
        %and3A_102 = arith.andi %eq3A_100, %gt3A_101 : vector<16xi1>
        %jit3A_103 = arith.constant 0.000000e+00 : f32
        %broadcast_in_dim3A_104 = vector.broadcast %jit3A_103 : f32 to vector<16xf32>
        %select_n3A_105 = arith.select %and3A_102, %get3A_92, %broadcast_in_dim3A_104 : vector<16xi1>, vector<16xf32>
        %add3A_106 = arith.addf %add3A_85, %select_n3A_105 : vector<16xf32>
        %mul3A_107 = arith.constant 64 : i32
        %mul3A_108 = arith.muli %scan3A_70, %mul3A_107 : i32
        %add3A_109 = arith.constant 32 : i32
        %add3A_110 = arith.addi %mul3A_108, %add3A_109 : i32
        %get3A_111 = arith.index_cast %add3A_110 : i32 to index
        %get3A_112 = tpu.vector_load %arg6[%get3A_111] {strides = array<i32>} : memref<4096xf32, #tpu.memory_space<vmem>>, vector<16xf32>,
        %get3A_113 = vector.shape_cast %get3A_112 : vector<16xf32> to vector<16xf32>
        %bitcast_convert_type3A_114 = tpu.bitcast %get3A_113 : vector<16xf32> -> vector<16xi32>
        %shift_right_logical3A_115 = arith.constant 16 : i32
        %shift_right_logical3A_116 = vector.broadcast %shift_right_logical3A_115 : i32 to vector<16xi32>
        %shift_right_logical3A_117 = arith.shrui %bitcast_convert_type3A_114, %shift_right_logical3A_116 : vector<16xi32>
        %and3A_118 = arith.constant 65535 : i32
        %and3A_119 = vector.broadcast %and3A_118 : i32 to vector<16xi32>
        %and3A_120 = arith.andi %bitcast_convert_type3A_114, %and3A_119 : vector<16xi32>
        %eq3A_121 = arith.cmpi eq, %shift_right_logical3A_117, %get3A_2 : vector<16xi32>
        %gt3A_122 = arith.cmpi sgt, %and3A_120, %get3A_5 : vector<16xi32>
        %and3A_123 = arith.andi %eq3A_121, %gt3A_122 : vector<16xi1>
        %jit3A_124 = arith.constant 0.000000e+00 : f32
        %broadcast_in_dim3A_125 = vector.broadcast %jit3A_124 : f32 to vector<16xf32>
        %select_n3A_126 = arith.select %and3A_123, %get3A_113, %broadcast_in_dim3A_125 : vector<16xi1>, vector<16xf32>
        %add3A_127 = arith.addf %add3A_106, %select_n3A_126 : vector<16xf32>
        %mul3A_128 = arith.constant 64 : i32
        %mul3A_129 = arith.muli %scan3A_70, %mul3A_128 : i32
        %add3A_130 = arith.constant 48 : i32
        %add3A_131 = arith.addi %mul3A_129, %add3A_130 : i32
        %get3A_132 = arith.index_cast %add3A_131 : i32 to index
        %get3A_133 = tpu.vector_load %arg6[%get3A_132] {strides = array<i32>} : memref<4096xf32, #tpu.memory_space<vmem>>, vector<16xf32>,
        %get3A_134 = vector.shape_cast %get3A_133 : vector<16xf32> to vector<16xf32>
        %bitcast_convert_type3A_135 = tpu.bitcast %get3A_134 : vector<16xf32> -> vector<16xi32>
        %shift_right_logical3A_136 = arith.constant 16 : i32
        %shift_right_logical3A_137 = vector.broadcast %shift_right_logical3A_136 : i32 to vector<16xi32>
        %shift_right_logical3A_138 = arith.shrui %bitcast_convert_type3A_135, %shift_right_logical3A_137 : vector<16xi32>
        %and3A_139 = arith.constant 65535 : i32
        %and3A_140 = vector.broadcast %and3A_139 : i32 to vector<16xi32>
        %and3A_141 = arith.andi %bitcast_convert_type3A_135, %and3A_140 : vector<16xi32>
        %eq3A_142 = arith.cmpi eq, %shift_right_logical3A_138, %get3A_2 : vector<16xi32>
        %gt3A_143 = arith.cmpi sgt, %and3A_141, %get3A_5 : vector<16xi32>
        %and3A_144 = arith.andi %eq3A_142, %gt3A_143 : vector<16xi1>
        %jit3A_145 = arith.constant 0.000000e+00 : f32
        %broadcast_in_dim3A_146 = vector.broadcast %jit3A_145 : f32 to vector<16xf32>
        %select_n3A_147 = arith.select %and3A_144, %get3A_134, %broadcast_in_dim3A_146 : vector<16xi1>, vector<16xf32>
        %add3A_148 = arith.addf %add3A_127, %select_n3A_147 : vector<16xf32>
        scf.yield %add3A_148 : vector<16xf32>
      }
      %scan3A_48 = arith.constant 64 : i32
      %mul3A_49 = arith.constant 2 : i32
      %mul3A_50 = arith.muli %mul3A_49, %scan3A_26 : i32
      %add3A_51 = arith.constant 2 : i32
      %add3A_52 = arith.addi %mul3A_50, %add3A_51 : i32
      %min3A_53 = arith.constant 7 : i32
      %min3A_54 = arith.minsi %add3A_52, %min3A_53 : i32
      %mul3A_55 = arith.constant 4096 : i32
      %mul3A_56 = arith.muli %min3A_54, %mul3A_55 : i32
      %add3A_57 = arith.addi %mul3A_7, %mul3A_56 : i32
      %dma_start3A_58 = tpu.memref_slice %arg2[%add3A_57] : memref<1048576xf32, #tpu.memory_space<hbm>> -> memref<4096xf32, #tpu.memory_space<hbm>>
      %dma_start3A_59 = tpu.memref_slice %arg2[%add3A_57] : memref<1048576xf32, #tpu.memory_space<hbm>> -> memref<4096xf32, #tpu.memory_space<hbm>>
      tpu.enqueue_dma source(%dma_start3A_59 : memref<4096xf32, #tpu.memory_space<hbm>>) target(%arg6 : memref<4096xf32, #tpu.memory_space<vmem>>) target_semaphore(%arg9 : memref<!tpu.dma_semaphore, #tpu.memory_space<semaphore_mem>>)
      %dma_wait3A_60 = arith.constant 0 : i32
      %dma_wait3A_61 = tpu.memref_slice %arg2[%dma_wait3A_60] : memref<1048576xf32, #tpu.memory_space<hbm>> -> memref<4096xf32, #tpu.memory_space<hbm>>
      %dma_wait3A_62 = arith.constant 0 : i32
      %dma_wait3A_63 = tpu.memref_slice %arg2[%dma_wait3A_62] : memref<1048576xf32, #tpu.memory_space<hbm>> -> memref<4096xf32, #tpu.memory_space<hbm>>
      tpu.wait_dma2 semaphore(%arg10 : memref<!tpu.dma_semaphore, #tpu.memory_space<semaphore_mem>>) src(%dma_wait3A_63 : memref<4096xf32, #tpu.memory_space<hbm>>) dst(%arg7 : memref<4096xf32, #tpu.memory_space<vmem>>)
      %scan3A_64 = arith.constant 0 : i32
      %scan3A_65 = arith.constant 64 : i32
      %scan3A_66 = arith.addi %scan3A_64, %scan3A_65 : i32
      %scan3A_67 = arith.constant 1 : i32
      %scan3A_68 = scf.for %scan3A_70 = %scan3A_64 to %scan3A_66 step %scan3A_67 iter_args(%scan3A_71 = %scan3A_47) -> (vector<16xf32>)  : i32 {
        %mul3A_72 = arith.constant 64 : i32
        %mul3A_73 = arith.muli %scan3A_70, %mul3A_72 : i32
        %add3A_74 = arith.constant 0 : i32
        %add3A_75 = arith.addi %mul3A_73, %add3A_74 : i32
        %get3A_76 = arith.index_cast %add3A_75 : i32 to index
        %get3A_77 = tpu.vector_load %arg7[%get3A_76] {strides = array<i32>} : memref<4096xf32, #tpu.memory_space<vmem>>, vector<16xf32>,
        %get3A_78 = vector.shape_cast %get3A_77 : vector<16xf32> to vector<16xf32>
        %bitcast_convert_type3A = tpu.bitcast %get3A_78 : vector<16xf32> -> vector<16xi32>
        %shift_right_logical3A = arith.constant 16 : i32
        %shift_right_logical3A_79 = vector.broadcast %shift_right_logical3A : i32 to vector<16xi32>
        %shift_right_logical3A_80 = arith.shrui %bitcast_convert_type3A, %shift_right_logical3A_79 : vector<16xi32>
        %and3A = arith.constant 65535 : i32
        %and3A_81 = vector.broadcast %and3A : i32 to vector<16xi32>
        %and3A_82 = arith.andi %bitcast_convert_type3A, %and3A_81 : vector<16xi32>
        %eq3A = arith.cmpi eq, %shift_right_logical3A_80, %get3A_2 : vector<16xi32>
        %gt3A = arith.cmpi sgt, %and3A_82, %get3A_5 : vector<16xi32>
        %and3A_83 = arith.andi %eq3A, %gt3A : vector<16xi1>
        %jit3A = arith.constant 0.000000e+00 : f32
        %broadcast_in_dim3A_84 = vector.broadcast %jit3A : f32 to vector<16xf32>
        %select_n3A = arith.select %and3A_83, %get3A_78, %broadcast_in_dim3A_84 : vector<16xi1>, vector<16xf32>
        %add3A_85 = arith.addf %scan3A_71, %select_n3A : vector<16xf32>
        %mul3A_86 = arith.constant 64 : i32
        %mul3A_87 = arith.muli %scan3A_70, %mul3A_86 : i32
        %add3A_88 = arith.constant 16 : i32
        %add3A_89 = arith.addi %mul3A_87, %add3A_88 : i32
        %get3A_90 = arith.index_cast %add3A_89 : i32 to index
        %get3A_91 = tpu.vector_load %arg7[%get3A_90] {strides = array<i32>} : memref<4096xf32, #tpu.memory_space<vmem>>, vector<16xf32>,
        %get3A_92 = vector.shape_cast %get3A_91 : vector<16xf32> to vector<16xf32>
        %bitcast_convert_type3A_93 = tpu.bitcast %get3A_92 : vector<16xf32> -> vector<16xi32>
        %shift_right_logical3A_94 = arith.constant 16 : i32
        %shift_right_logical3A_95 = vector.broadcast %shift_right_logical3A_94 : i32 to vector<16xi32>
        %shift_right_logical3A_96 = arith.shrui %bitcast_convert_type3A_93, %shift_right_logical3A_95 : vector<16xi32>
        %and3A_97 = arith.constant 65535 : i32
        %and3A_98 = vector.broadcast %and3A_97 : i32 to vector<16xi32>
        %and3A_99 = arith.andi %bitcast_convert_type3A_93, %and3A_98 : vector<16xi32>
        %eq3A_100 = arith.cmpi eq, %shift_right_logical3A_96, %get3A_2 : vector<16xi32>
        %gt3A_101 = arith.cmpi sgt, %and3A_99, %get3A_5 : vector<16xi32>
        %and3A_102 = arith.andi %eq3A_100, %gt3A_101 : vector<16xi1>
        %jit3A_103 = arith.constant 0.000000e+00 : f32
        %broadcast_in_dim3A_104 = vector.broadcast %jit3A_103 : f32 to vector<16xf32>
        %select_n3A_105 = arith.select %and3A_102, %get3A_92, %broadcast_in_dim3A_104 : vector<16xi1>, vector<16xf32>
        %add3A_106 = arith.addf %add3A_85, %select_n3A_105 : vector<16xf32>
        %mul3A_107 = arith.constant 64 : i32
        %mul3A_108 = arith.muli %scan3A_70, %mul3A_107 : i32
        %add3A_109 = arith.constant 32 : i32
        %add3A_110 = arith.addi %mul3A_108, %add3A_109 : i32
        %get3A_111 = arith.index_cast %add3A_110 : i32 to index
        %get3A_112 = tpu.vector_load %arg7[%get3A_111] {strides = array<i32>} : memref<4096xf32, #tpu.memory_space<vmem>>, vector<16xf32>,
        %get3A_113 = vector.shape_cast %get3A_112 : vector<16xf32> to vector<16xf32>
        %bitcast_convert_type3A_114 = tpu.bitcast %get3A_113 : vector<16xf32> -> vector<16xi32>
        %shift_right_logical3A_115 = arith.constant 16 : i32
        %shift_right_logical3A_116 = vector.broadcast %shift_right_logical3A_115 : i32 to vector<16xi32>
        %shift_right_logical3A_117 = arith.shrui %bitcast_convert_type3A_114, %shift_right_logical3A_116 : vector<16xi32>
        %and3A_118 = arith.constant 65535 : i32
        %and3A_119 = vector.broadcast %and3A_118 : i32 to vector<16xi32>
        %and3A_120 = arith.andi %bitcast_convert_type3A_114, %and3A_119 : vector<16xi32>
        %eq3A_121 = arith.cmpi eq, %shift_right_logical3A_117, %get3A_2 : vector<16xi32>
        %gt3A_122 = arith.cmpi sgt, %and3A_120, %get3A_5 : vector<16xi32>
        %and3A_123 = arith.andi %eq3A_121, %gt3A_122 : vector<16xi1>
        %jit3A_124 = arith.constant 0.000000e+00 : f32
        %broadcast_in_dim3A_125 = vector.broadcast %jit3A_124 : f32 to vector<16xf32>
        %select_n3A_126 = arith.select %and3A_123, %get3A_113, %broadcast_in_dim3A_125 : vector<16xi1>, vector<16xf32>
        %add3A_127 = arith.addf %add3A_106, %select_n3A_126 : vector<16xf32>
        %mul3A_128 = arith.constant 64 : i32
        %mul3A_129 = arith.muli %scan3A_70, %mul3A_128 : i32
        %add3A_130 = arith.constant 48 : i32
        %add3A_131 = arith.addi %mul3A_129, %add3A_130 : i32
        %get3A_132 = arith.index_cast %add3A_131 : i32 to index
        %get3A_133 = tpu.vector_load %arg7[%get3A_132] {strides = array<i32>} : memref<4096xf32, #tpu.memory_space<vmem>>, vector<16xf32>,
        %get3A_134 = vector.shape_cast %get3A_133 : vector<16xf32> to vector<16xf32>
        %bitcast_convert_type3A_135 = tpu.bitcast %get3A_134 : vector<16xf32> -> vector<16xi32>
        %shift_right_logical3A_136 = arith.constant 16 : i32
        %shift_right_logical3A_137 = vector.broadcast %shift_right_logical3A_136 : i32 to vector<16xi32>
        %shift_right_logical3A_138 = arith.shrui %bitcast_convert_type3A_135, %shift_right_logical3A_137 : vector<16xi32>
        %and3A_139 = arith.constant 65535 : i32
        %and3A_140 = vector.broadcast %and3A_139 : i32 to vector<16xi32>
        %and3A_141 = arith.andi %bitcast_convert_type3A_135, %and3A_140 : vector<16xi32>
        %eq3A_142 = arith.cmpi eq, %shift_right_logical3A_138, %get3A_2 : vector<16xi32>
        %gt3A_143 = arith.cmpi sgt, %and3A_141, %get3A_5 : vector<16xi32>
        %and3A_144 = arith.andi %eq3A_142, %gt3A_143 : vector<16xi1>
        %jit3A_145 = arith.constant 0.000000e+00 : f32
        %broadcast_in_dim3A_146 = vector.broadcast %jit3A_145 : f32 to vector<16xf32>
        %select_n3A_147 = arith.select %and3A_144, %get3A_134, %broadcast_in_dim3A_146 : vector<16xi1>, vector<16xf32>
        %add3A_148 = arith.addf %add3A_127, %select_n3A_147 : vector<16xf32>
        scf.yield %add3A_148 : vector<16xf32>
      }
      %scan3A_69 = arith.constant 64 : i32
      scf.yield %scan3A_68 : vector<16xf32>
    }
    %scan3A_19 = arith.constant 4 : i32
    %dma_wait3A = arith.constant 0 : i32
    %dma_wait3A_20 = tpu.memref_slice %arg2[%dma_wait3A] : memref<1048576xf32, #tpu.memory_space<hbm>> -> memref<4096xf32, #tpu.memory_space<hbm>>
    %dma_wait3A_21 = arith.constant 0 : i32
    %dma_wait3A_22 = tpu.memref_slice %arg2[%dma_wait3A_21] : memref<1048576xf32, #tpu.memory_space<hbm>> -> memref<4096xf32, #tpu.memory_space<hbm>>
    tpu.wait_dma2 semaphore(%arg9 : memref<!tpu.dma_semaphore, #tpu.memory_space<semaphore_mem>>) src(%dma_wait3A_22 : memref<4096xf32, #tpu.memory_space<hbm>>) dst(%arg6 : memref<4096xf32, #tpu.memory_space<vmem>>)
    %swap3A = arith.constant 0 : index
    %swap3A_23 = tpu.vector_load %arg8[%swap3A] {strides = array<i32>} : memref<16xf32, #tpu.memory_space<vmem>>, vector<16xf32>,
    %swap3A_24 = vector.shape_cast %swap3A_23 : vector<16xf32> to vector<16xf32>
    %swap3A_25 = vector.shape_cast %scan3A_18 : vector<16xf32> to vector<16xf32>
    tpu.vector_store %arg8[%swap3A], %swap3A_25 {strides = array<i32>} : memref<16xf32, #tpu.memory_space<vmem>>, vector<16xf32>,
    "tpu.region"() ({
      %run_scoped3A = tpu.sem_alloc : memref<!tpu.dma_semaphore, #tpu.memory_space<semaphore_mem>>
      %dma_start3A_26 = arith.constant 0 : i32
      %dma_start3A_27 = tpu.memref_slice %arg4[%arg0, %arg1, %dma_start3A_26] : memref<2x16x16xf32, #tpu.memory_space<hbm>> -> memref<1x1x16xf32, #tpu.memory_space<hbm>>
      %dma_start3A_28 = tpu.memref_squeeze %dma_start3A_27 : memref<1x1x16xf32, #tpu.memory_space<hbm>> -> memref<16xf32, #tpu.memory_space<hbm>>
      %dma_start3A_29 = arith.constant 0 : i32
      %dma_start3A_30 = tpu.memref_slice %arg4[%arg0, %arg1, %dma_start3A_29] : memref<2x16x16xf32, #tpu.memory_space<hbm>> -> memref<1x1x16xf32, #tpu.memory_space<hbm>>
      %dma_start3A_31 = tpu.memref_squeeze %dma_start3A_30 : memref<1x1x16xf32, #tpu.memory_space<hbm>> -> memref<16xf32, #tpu.memory_space<hbm>>
      tpu.enqueue_dma source(%arg8 : memref<16xf32, #tpu.memory_space<vmem>>) target(%dma_start3A_31 : memref<16xf32, #tpu.memory_space<hbm>>) target_semaphore(%run_scoped3A : memref<!tpu.dma_semaphore, #tpu.memory_space<semaphore_mem>>)
      %dma_wait3A_32 = arith.constant 0 : i32
      %dma_wait3A_33 = tpu.memref_slice %arg4[%arg0, %arg1, %dma_wait3A_32] : memref<2x16x16xf32, #tpu.memory_space<hbm>> -> memref<1x1x16xf32, #tpu.memory_space<hbm>>
      %dma_wait3A_34 = tpu.memref_squeeze %dma_wait3A_33 : memref<1x1x16xf32, #tpu.memory_space<hbm>> -> memref<16xf32, #tpu.memory_space<hbm>>
      %dma_wait3A_35 = arith.constant 0 : i32
      %dma_wait3A_36 = tpu.memref_slice %arg4[%arg0, %arg1, %dma_wait3A_35] : memref<2x16x16xf32, #tpu.memory_space<hbm>> -> memref<1x1x16xf32, #tpu.memory_space<hbm>>
      %dma_wait3A_37 = tpu.memref_squeeze %dma_wait3A_36 : memref<1x1x16xf32, #tpu.memory_space<hbm>> -> memref<16xf32, #tpu.memory_space<hbm>>
      tpu.wait_dma2 semaphore(%run_scoped3A : memref<!tpu.dma_semaphore, #tpu.memory_space<semaphore_mem>>) src(%arg8 : memref<16xf32, #tpu.memory_space<vmem>>) dst(%dma_wait3A_37 : memref<16xf32, #tpu.memory_space<hbm>>)
      tpu.yield
    }) : () -> ()
    return
  }
}

#map = affine_map<(d0, d1) -> (0)>
#map1 = affine_map<(d0, d1) -> (0, 0)>
#map2 = affine_map<(d0, d1) -> (0, 0, 0)>
module attributes {stable_mosaic.version = 14 : i64} {
  func.func @_sc_hist_body(%arg0: i32, %arg1: i32, %arg2: memref<1048576xf32, #tpu.memory_space<hbm>>, %arg3: memref<16xi32, #tpu.memory_space<hbm>>, %arg4: memref<65536xf32, #tpu.memory_space<hbm>>, %arg5: memref<2x65536xf32, #tpu.memory_space<hbm>>, %arg6: memref<2x16x16xf32, #tpu.memory_space<hbm>>, %arg7: memref<16xi32, #tpu.memory_space<vmem>>, %arg8: memref<4096xf32, #tpu.memory_space<vmem>>, %arg9: memref<4096xf32, #tpu.memory_space<vmem>>, %arg10: memref<4096xi32, #tpu.memory_space<vmem>>, %arg11: memref<4096xi32, #tpu.memory_space<vmem>>, %arg12: memref<4096xf32, #tpu.memory_space<vmem>>, %arg13: memref<4096xf32, #tpu.memory_space<vmem>>, %arg14: memref<16xf32, #tpu.memory_space<vmem>>, %arg15: memref<65536xf32, #tpu.memory_space<vmem_shared>>, %arg16: memref<!tpu.dma_semaphore, #tpu.memory_space<semaphore_mem>>, %arg17: memref<!tpu.dma_semaphore, #tpu.memory_space<semaphore_mem>>) attributes {dimension_semantics = [#tpu.dimension_semantics<core_parallel>, #tpu.dimension_semantics<subcore_parallel>], iteration_bounds = array<i64: 2, 16>, scalar_prefetch = 0 : i64, scratch_operands = 11 : i64, tpu.core_type = #tpu.core_type<sc_vector_subcore>, window_params = [{transform_indices = #map}, {transform_indices = #map}, {transform_indices = #map}, {transform_indices = #map1}, {transform_indices = #map2}]} {
    %mul3A = arith.constant 2 : i32
    %mul3A_0 = arith.muli %arg1, %mul3A : i32
    %add3A = arith.addi %mul3A_0, %arg0 : i32
    %mul3A_1 = arith.constant 4096 : i32
    %mul3A_2 = arith.muli %arg1, %mul3A_1 : i32
    "tpu.region"() ({
      %run_scoped3A = tpu.sem_alloc : memref<!tpu.dma_semaphore, #tpu.memory_space<semaphore_mem>>
      %dma_start3A_43 = tpu.memref_slice %arg15[%mul3A_2] : memref<65536xf32, #tpu.memory_space<vmem_shared>> -> memref<4096xf32, #tpu.memory_space<vmem_shared>>
      %dma_start3A_44 = tpu.memref_slice %arg4[%mul3A_2] : memref<65536xf32, #tpu.memory_space<hbm>> -> memref<4096xf32, #tpu.memory_space<hbm>>
      tpu.enqueue_dma source(%dma_start3A_44 : memref<4096xf32, #tpu.memory_space<hbm>>) target(%dma_start3A_43 : memref<4096xf32, #tpu.memory_space<vmem_shared>>) target_semaphore(%run_scoped3A : memref<!tpu.dma_semaphore, #tpu.memory_space<semaphore_mem>>)
      %dma_wait3A_45 = tpu.memref_slice %arg15[%mul3A_2] : memref<65536xf32, #tpu.memory_space<vmem_shared>> -> memref<4096xf32, #tpu.memory_space<vmem_shared>>
      %dma_wait3A_46 = tpu.memref_slice %arg4[%mul3A_2] : memref<65536xf32, #tpu.memory_space<hbm>> -> memref<4096xf32, #tpu.memory_space<hbm>>
      tpu.wait_dma2 semaphore(%run_scoped3A : memref<!tpu.dma_semaphore, #tpu.memory_space<semaphore_mem>>) src(%dma_wait3A_46 : memref<4096xf32, #tpu.memory_space<hbm>>) dst(%dma_wait3A_45 : memref<4096xf32, #tpu.memory_space<vmem_shared>>)
      tpu.yield
    }) : () -> ()
    "tpu.region"() ({
      %run_scoped3A = tpu.sem_alloc : memref<!tpu.dma_semaphore, #tpu.memory_space<semaphore_mem>>
      tpu.enqueue_dma source(%arg3 : memref<16xi32, #tpu.memory_space<hbm>>) target(%arg7 : memref<16xi32, #tpu.memory_space<vmem>>) target_semaphore(%run_scoped3A : memref<!tpu.dma_semaphore, #tpu.memory_space<semaphore_mem>>)
      tpu.wait_dma2 semaphore(%run_scoped3A : memref<!tpu.dma_semaphore, #tpu.memory_space<semaphore_mem>>) src(%arg3 : memref<16xi32, #tpu.memory_space<hbm>>) dst(%arg7 : memref<16xi32, #tpu.memory_space<vmem>>)
      tpu.yield
    }) : () -> ()
    %barrier3A = arith.constant 0 : index
    tpu.barrier barrier_id(%barrier3A)
    %get3A = arith.constant 0 : index
    %get3A_3 = tpu.vector_load %arg7[%get3A] {strides = array<i32>} : memref<16xi32, #tpu.memory_space<vmem>>, vector<16xi32>,
    %get3A_4 = vector.shape_cast %get3A_3 : vector<16xi32> to vector<16xi32>
    %lt3A = arith.constant 0 : i32
    %lt3A_5 = vector.broadcast %lt3A : i32 to vector<16xi32>
    %lt3A_6 = arith.cmpi slt, %get3A_4, %lt3A_5 : vector<16xi32>
    %mul3A_7 = arith.constant 32768 : i32
    %mul3A_8 = arith.muli %add3A, %mul3A_7 : i32
    %iota3A = tpu.iota {dimensions = array<i32: 0>} : vector<16xi32>
    %jit3A = arith.constant 1 : i32
    %eq3A = arith.constant 0 : i32
    %eq3A_9 = arith.cmpi eq, %jit3A, %eq3A : i32
    %jit3A_10 = arith.constant 1 : i32
    %select_n3A = arith.select %eq3A_9, %jit3A_10, %jit3A : i32
    %rem3A = arith.remsi %arg1, %select_n3A : i32
    %ne3A = arith.constant 0 : i32
    %ne3A_11 = arith.cmpi ne, %rem3A, %ne3A : i32
    %lt3A_12 = arith.constant 0 : i32
    %lt3A_13 = arith.cmpi slt, %rem3A, %lt3A_12 : i32
    %lt3A_14 = arith.constant 0 : i32
    %lt3A_15 = arith.cmpi slt, %select_n3A, %lt3A_14 : i32
    %ne3A_16 = arith.xori %lt3A_13, %lt3A_15 : i1
    %and3A = arith.andi %ne3A_16, %ne3A_11 : i1
    %add3A_17 = arith.addi %rem3A, %select_n3A : i32
    %select_n3A_18 = arith.select %and3A, %add3A_17, %rem3A : i32
    %mul3A_19 = arith.constant 65536 : i32
    %mul3A_20 = arith.muli %select_n3A_18, %mul3A_19 : i32
    %broadcast_in_dim3A = arith.constant 0.000000e+00 : f32
    %broadcast_in_dim3A_21 = vector.broadcast %broadcast_in_dim3A : f32 to vector<16xf32>
    %swap3A = arith.constant 0 : index
    %swap3A_22 = tpu.vector_load %arg14[%swap3A] {strides = array<i32>} : memref<16xf32, #tpu.memory_space<vmem>>, vector<16xf32>,
    %swap3A_23 = vector.shape_cast %swap3A_22 : vector<16xf32> to vector<16xf32>
    %swap3A_24 = vector.shape_cast %broadcast_in_dim3A_21 : vector<16xf32> to vector<16xf32>
    tpu.vector_store %arg14[%swap3A], %swap3A_24 {strides = array<i32>} : memref<16xf32, #tpu.memory_space<vmem>>, vector<16xf32>,
    %min3A = arith.constant 0 : i32
    %min3A_25 = arith.constant 7 : i32
    %min3A_26 = arith.minsi %min3A, %min3A_25 : i32
    %mul3A_27 = arith.constant 4096 : i32
    %mul3A_28 = arith.muli %min3A_26, %mul3A_27 : i32
    %add3A_29 = arith.addi %mul3A_8, %mul3A_28 : i32
    %dma_start3A = tpu.memref_slice %arg2[%add3A_29] : memref<1048576xf32, #tpu.memory_space<hbm>> -> memref<4096xf32, #tpu.memory_space<hbm>>
    %dma_start3A_30 = tpu.memref_slice %arg2[%add3A_29] : memref<1048576xf32, #tpu.memory_space<hbm>> -> memref<4096xf32, #tpu.memory_space<hbm>>
    tpu.enqueue_dma source(%dma_start3A_30 : memref<4096xf32, #tpu.memory_space<hbm>>) target(%arg8 : memref<4096xf32, #tpu.memory_space<vmem>>) target_semaphore(%arg16 : memref<!tpu.dma_semaphore, #tpu.memory_space<semaphore_mem>>)
    %scan3A = arith.constant 0 : i32
    %scan3A_31 = arith.constant 0 : i32
    %scan3A_32 = arith.constant 4 : i32
    %scan3A_33 = arith.addi %scan3A_31, %scan3A_32 : i32
    %scan3A_34 = arith.constant 1 : i32
    scf.for %scan3A_43 = %scan3A_31 to %scan3A_33 step %scan3A_34  : i32 {
      %mul3A_44 = arith.constant 2 : i32
      %mul3A_45 = arith.muli %mul3A_44, %scan3A_43 : i32
      %add3A_46 = arith.constant 1 : i32
      %add3A_47 = arith.addi %mul3A_45, %add3A_46 : i32
      %min3A_48 = arith.constant 7 : i32
      %min3A_49 = arith.minsi %add3A_47, %min3A_48 : i32
      %mul3A_50 = arith.constant 4096 : i32
      %mul3A_51 = arith.muli %min3A_49, %mul3A_50 : i32
      %add3A_52 = arith.addi %mul3A_8, %mul3A_51 : i32
      %dma_start3A_53 = tpu.memref_slice %arg2[%add3A_52] : memref<1048576xf32, #tpu.memory_space<hbm>> -> memref<4096xf32, #tpu.memory_space<hbm>>
      %dma_start3A_54 = tpu.memref_slice %arg2[%add3A_52] : memref<1048576xf32, #tpu.memory_space<hbm>> -> memref<4096xf32, #tpu.memory_space<hbm>>
      tpu.enqueue_dma source(%dma_start3A_54 : memref<4096xf32, #tpu.memory_space<hbm>>) target(%arg9 : memref<4096xf32, #tpu.memory_space<vmem>>) target_semaphore(%arg17 : memref<!tpu.dma_semaphore, #tpu.memory_space<semaphore_mem>>)
      %dma_wait3A_55 = arith.constant 0 : i32
      %dma_wait3A_56 = tpu.memref_slice %arg2[%dma_wait3A_55] : memref<1048576xf32, #tpu.memory_space<hbm>> -> memref<4096xf32, #tpu.memory_space<hbm>>
      %dma_wait3A_57 = arith.constant 0 : i32
      %dma_wait3A_58 = tpu.memref_slice %arg2[%dma_wait3A_57] : memref<1048576xf32, #tpu.memory_space<hbm>> -> memref<4096xf32, #tpu.memory_space<hbm>>
      tpu.wait_dma2 semaphore(%arg16 : memref<!tpu.dma_semaphore, #tpu.memory_space<semaphore_mem>>) src(%dma_wait3A_58 : memref<4096xf32, #tpu.memory_space<hbm>>) dst(%arg8 : memref<4096xf32, #tpu.memory_space<vmem>>)
      %mul3A_59 = arith.constant 2 : i32
      %mul3A_60 = arith.muli %mul3A_59, %scan3A_43 : i32
      %mul3A_61 = arith.constant 4096 : i32
      %mul3A_62 = arith.muli %mul3A_60, %mul3A_61 : i32
      %add3A_63 = arith.addi %mul3A_8, %mul3A_62 : i32
      %broadcast_in_dim3A_64 = arith.constant 0.000000e+00 : f32
      %broadcast_in_dim3A_65 = vector.broadcast %broadcast_in_dim3A_64 : f32 to vector<16xf32>
      %scan3A_66 = arith.constant 0 : i32
      %scan3A_67 = arith.constant 64 : i32
      %scan3A_68 = arith.addi %scan3A_66, %scan3A_67 : i32
      %scan3A_69 = arith.constant 1 : i32
      %scan3A_70 = scf.for %scan3A_118 = %scan3A_66 to %scan3A_68 step %scan3A_69 iter_args(%scan3A_119 = %broadcast_in_dim3A_65) -> (vector<16xf32>)  : i32 {
        %mul3A_120 = arith.constant 64 : i32
        %mul3A_121 = arith.muli %scan3A_118, %mul3A_120 : i32
        %add3A_122 = arith.constant 0 : i32
        %add3A_123 = arith.addi %mul3A_121, %add3A_122 : i32
        %get3A_124 = arith.index_cast %add3A_123 : i32 to index
        %get3A_125 = tpu.vector_load %arg8[%get3A_124] {strides = array<i32>} : memref<4096xf32, #tpu.memory_space<vmem>>, vector<16xf32>,
        %get3A_126 = vector.shape_cast %get3A_125 : vector<16xf32> to vector<16xf32>
        %bitcast_convert_type3A = tpu.bitcast %get3A_126 : vector<16xf32> -> vector<16xi32>
        %shift_right_logical3A = arith.constant 16 : i32
        %shift_right_logical3A_127 = vector.broadcast %shift_right_logical3A : i32 to vector<16xi32>
        %shift_right_logical3A_128 = arith.shrui %bitcast_convert_type3A, %shift_right_logical3A_127 : vector<16xi32>
        %and3A_129 = arith.constant 65535 : i32
        %and3A_130 = vector.broadcast %and3A_129 : i32 to vector<16xi32>
        %and3A_131 = arith.andi %bitcast_convert_type3A, %and3A_130 : vector<16xi32>
        %eq3A_132 = arith.cmpi eq, %shift_right_logical3A_128, %get3A_4 : vector<16xi32>
        %or3A = arith.ori %lt3A_6, %eq3A_132 : vector<16xi1>
        %add3A_133 = arith.addi %add3A_63, %add3A_123 : i32
        %add3A_134 = vector.broadcast %add3A_133 : i32 to vector<16xi32>
        %add3A_135 = arith.addi %add3A_134, %iota3A : vector<16xi32>
        %and3A_136 = arith.constant 65535 : i32
        %and3A_137 = vector.broadcast %and3A_136 : i32 to vector<16xi32>
        %and3A_138 = arith.andi %add3A_135, %and3A_137 : vector<16xi32>
        %select_n3A_139 = arith.select %lt3A_6, %shift_right_logical3A_128, %and3A_131 : vector<16xi1>, vector<16xi32>
        %select_n3A_140 = arith.select %or3A, %select_n3A_139, %and3A_138 : vector<16xi1>, vector<16xi32>
        %add3A_141 = vector.broadcast %mul3A_20 : i32 to vector<16xi32>
        %add3A_142 = arith.addi %select_n3A_140, %add3A_141 : vector<16xi32>
        %swap3A_143 = arith.index_cast %add3A_123 : i32 to index
        %swap3A_144 = tpu.vector_load %arg10[%swap3A_143] {strides = array<i32>} : memref<4096xi32, #tpu.memory_space<vmem>>, vector<16xi32>,
        %swap3A_145 = vector.shape_cast %swap3A_144 : vector<16xi32> to vector<16xi32>
        %swap3A_146 = vector.shape_cast %add3A_142 : vector<16xi32> to vector<16xi32>
        tpu.vector_store %arg10[%swap3A_143], %swap3A_146 {strides = array<i32>} : memref<4096xi32, #tpu.memory_space<vmem>>, vector<16xi32>,
        %jit3A_147 = arith.constant 1.000000e+00 : f32
        %jit3A_148 = arith.constant 0.000000e+00 : f32
        %broadcast_in_dim3A_149 = vector.broadcast %jit3A_147 : f32 to vector<16xf32>
        %broadcast_in_dim3A_150 = vector.broadcast %jit3A_148 : f32 to vector<16xf32>
        %select_n3A_151 = arith.select %or3A, %broadcast_in_dim3A_149, %broadcast_in_dim3A_150 : vector<16xi1>, vector<16xf32>
        %swap3A_152 = arith.index_cast %add3A_123 : i32 to index
        %swap3A_153 = tpu.vector_load %arg12[%swap3A_152] {strides = array<i32>} : memref<4096xf32, #tpu.memory_space<vmem>>, vector<16xf32>,
        %swap3A_154 = vector.shape_cast %swap3A_153 : vector<16xf32> to vector<16xf32>
        %swap3A_155 = vector.shape_cast %select_n3A_151 : vector<16xf32> to vector<16xf32>
        tpu.vector_store %arg12[%swap3A_152], %swap3A_155 {strides = array<i32>} : memref<4096xf32, #tpu.memory_space<vmem>>, vector<16xf32>,
        %gt3A = arith.cmpi sgt, %shift_right_logical3A_128, %get3A_4 : vector<16xi32>
        %jit3A_156 = arith.constant 0.000000e+00 : f32
        %broadcast_in_dim3A_157 = vector.broadcast %jit3A_156 : f32 to vector<16xf32>
        %select_n3A_158 = arith.select %gt3A, %get3A_126, %broadcast_in_dim3A_157 : vector<16xi1>, vector<16xf32>
        %add3A_159 = arith.addf %scan3A_119, %select_n3A_158 : vector<16xf32>
        %mul3A_160 = arith.constant 64 : i32
        %mul3A_161 = arith.muli %scan3A_118, %mul3A_160 : i32
        %add3A_162 = arith.constant 16 : i32
        %add3A_163 = arith.addi %mul3A_161, %add3A_162 : i32
        %get3A_164 = arith.index_cast %add3A_163 : i32 to index
        %get3A_165 = tpu.vector_load %arg8[%get3A_164] {strides = array<i32>} : memref<4096xf32, #tpu.memory_space<vmem>>, vector<16xf32>,
        %get3A_166 = vector.shape_cast %get3A_165 : vector<16xf32> to vector<16xf32>
        %bitcast_convert_type3A_167 = tpu.bitcast %get3A_166 : vector<16xf32> -> vector<16xi32>
        %shift_right_logical3A_168 = arith.constant 16 : i32
        %shift_right_logical3A_169 = vector.broadcast %shift_right_logical3A_168 : i32 to vector<16xi32>
        %shift_right_logical3A_170 = arith.shrui %bitcast_convert_type3A_167, %shift_right_logical3A_169 : vector<16xi32>
        %and3A_171 = arith.constant 65535 : i32
        %and3A_172 = vector.broadcast %and3A_171 : i32 to vector<16xi32>
        %and3A_173 = arith.andi %bitcast_convert_type3A_167, %and3A_172 : vector<16xi32>
        %eq3A_174 = arith.cmpi eq, %shift_right_logical3A_170, %get3A_4 : vector<16xi32>
        %or3A_175 = arith.ori %lt3A_6, %eq3A_174 : vector<16xi1>
        %add3A_176 = arith.addi %add3A_63, %add3A_163 : i32
        %add3A_177 = vector.broadcast %add3A_176 : i32 to vector<16xi32>
        %add3A_178 = arith.addi %add3A_177, %iota3A : vector<16xi32>
        %and3A_179 = arith.constant 65535 : i32
        %and3A_180 = vector.broadcast %and3A_179 : i32 to vector<16xi32>
        %and3A_181 = arith.andi %add3A_178, %and3A_180 : vector<16xi32>
        %select_n3A_182 = arith.select %lt3A_6, %shift_right_logical3A_170, %and3A_173 : vector<16xi1>, vector<16xi32>
        %select_n3A_183 = arith.select %or3A_175, %select_n3A_182, %and3A_181 : vector<16xi1>, vector<16xi32>
        %add3A_184 = vector.broadcast %mul3A_20 : i32 to vector<16xi32>
        %add3A_185 = arith.addi %select_n3A_183, %add3A_184 : vector<16xi32>
        %swap3A_186 = arith.index_cast %add3A_163 : i32 to index
        %swap3A_187 = tpu.vector_load %arg10[%swap3A_186] {strides = array<i32>} : memref<4096xi32, #tpu.memory_space<vmem>>, vector<16xi32>,
        %swap3A_188 = vector.shape_cast %swap3A_187 : vector<16xi32> to vector<16xi32>
        %swap3A_189 = vector.shape_cast %add3A_185 : vector<16xi32> to vector<16xi32>
        tpu.vector_store %arg10[%swap3A_186], %swap3A_189 {strides = array<i32>} : memref<4096xi32, #tpu.memory_space<vmem>>, vector<16xi32>,
        %jit3A_190 = arith.constant 1.000000e+00 : f32
        %jit3A_191 = arith.constant 0.000000e+00 : f32
        %broadcast_in_dim3A_192 = vector.broadcast %jit3A_190 : f32 to vector<16xf32>
        %broadcast_in_dim3A_193 = vector.broadcast %jit3A_191 : f32 to vector<16xf32>
        %select_n3A_194 = arith.select %or3A_175, %broadcast_in_dim3A_192, %broadcast_in_dim3A_193 : vector<16xi1>, vector<16xf32>
        %swap3A_195 = arith.index_cast %add3A_163 : i32 to index
        %swap3A_196 = tpu.vector_load %arg12[%swap3A_195] {strides = array<i32>} : memref<4096xf32, #tpu.memory_space<vmem>>, vector<16xf32>,
        %swap3A_197 = vector.shape_cast %swap3A_196 : vector<16xf32> to vector<16xf32>
        %swap3A_198 = vector.shape_cast %select_n3A_194 : vector<16xf32> to vector<16xf32>
        tpu.vector_store %arg12[%swap3A_195], %swap3A_198 {strides = array<i32>} : memref<4096xf32, #tpu.memory_space<vmem>>, vector<16xf32>,
        %gt3A_199 = arith.cmpi sgt, %shift_right_logical3A_170, %get3A_4 : vector<16xi32>
        %jit3A_200 = arith.constant 0.000000e+00 : f32
        %broadcast_in_dim3A_201 = vector.broadcast %jit3A_200 : f32 to vector<16xf32>
        %select_n3A_202 = arith.select %gt3A_199, %get3A_166, %broadcast_in_dim3A_201 : vector<16xi1>, vector<16xf32>
        %add3A_203 = arith.addf %add3A_159, %select_n3A_202 : vector<16xf32>
        %mul3A_204 = arith.constant 64 : i32
        %mul3A_205 = arith.muli %scan3A_118, %mul3A_204 : i32
        %add3A_206 = arith.constant 32 : i32
        %add3A_207 = arith.addi %mul3A_205, %add3A_206 : i32
        %get3A_208 = arith.index_cast %add3A_207 : i32 to index
        %get3A_209 = tpu.vector_load %arg8[%get3A_208] {strides = array<i32>} : memref<4096xf32, #tpu.memory_space<vmem>>, vector<16xf32>,
        %get3A_210 = vector.shape_cast %get3A_209 : vector<16xf32> to vector<16xf32>
        %bitcast_convert_type3A_211 = tpu.bitcast %get3A_210 : vector<16xf32> -> vector<16xi32>
        %shift_right_logical3A_212 = arith.constant 16 : i32
        %shift_right_logical3A_213 = vector.broadcast %shift_right_logical3A_212 : i32 to vector<16xi32>
        %shift_right_logical3A_214 = arith.shrui %bitcast_convert_type3A_211, %shift_right_logical3A_213 : vector<16xi32>
        %and3A_215 = arith.constant 65535 : i32
        %and3A_216 = vector.broadcast %and3A_215 : i32 to vector<16xi32>
        %and3A_217 = arith.andi %bitcast_convert_type3A_211, %and3A_216 : vector<16xi32>
        %eq3A_218 = arith.cmpi eq, %shift_right_logical3A_214, %get3A_4 : vector<16xi32>
        %or3A_219 = arith.ori %lt3A_6, %eq3A_218 : vector<16xi1>
        %add3A_220 = arith.addi %add3A_63, %add3A_207 : i32
        %add3A_221 = vector.broadcast %add3A_220 : i32 to vector<16xi32>
        %add3A_222 = arith.addi %add3A_221, %iota3A : vector<16xi32>
        %and3A_223 = arith.constant 65535 : i32
        %and3A_224 = vector.broadcast %and3A_223 : i32 to vector<16xi32>
        %and3A_225 = arith.andi %add3A_222, %and3A_224 : vector<16xi32>
        %select_n3A_226 = arith.select %lt3A_6, %shift_right_logical3A_214, %and3A_217 : vector<16xi1>, vector<16xi32>
        %select_n3A_227 = arith.select %or3A_219, %select_n3A_226, %and3A_225 : vector<16xi1>, vector<16xi32>
        %add3A_228 = vector.broadcast %mul3A_20 : i32 to vector<16xi32>
        %add3A_229 = arith.addi %select_n3A_227, %add3A_228 : vector<16xi32>
        %swap3A_230 = arith.index_cast %add3A_207 : i32 to index
        %swap3A_231 = tpu.vector_load %arg10[%swap3A_230] {strides = array<i32>} : memref<4096xi32, #tpu.memory_space<vmem>>, vector<16xi32>,
        %swap3A_232 = vector.shape_cast %swap3A_231 : vector<16xi32> to vector<16xi32>
        %swap3A_233 = vector.shape_cast %add3A_229 : vector<16xi32> to vector<16xi32>
        tpu.vector_store %arg10[%swap3A_230], %swap3A_233 {strides = array<i32>} : memref<4096xi32, #tpu.memory_space<vmem>>, vector<16xi32>,
        %jit3A_234 = arith.constant 1.000000e+00 : f32
        %jit3A_235 = arith.constant 0.000000e+00 : f32
        %broadcast_in_dim3A_236 = vector.broadcast %jit3A_234 : f32 to vector<16xf32>
        %broadcast_in_dim3A_237 = vector.broadcast %jit3A_235 : f32 to vector<16xf32>
        %select_n3A_238 = arith.select %or3A_219, %broadcast_in_dim3A_236, %broadcast_in_dim3A_237 : vector<16xi1>, vector<16xf32>
        %swap3A_239 = arith.index_cast %add3A_207 : i32 to index
        %swap3A_240 = tpu.vector_load %arg12[%swap3A_239] {strides = array<i32>} : memref<4096xf32, #tpu.memory_space<vmem>>, vector<16xf32>,
        %swap3A_241 = vector.shape_cast %swap3A_240 : vector<16xf32> to vector<16xf32>
        %swap3A_242 = vector.shape_cast %select_n3A_238 : vector<16xf32> to vector<16xf32>
        tpu.vector_store %arg12[%swap3A_239], %swap3A_242 {strides = array<i32>} : memref<4096xf32, #tpu.memory_space<vmem>>, vector<16xf32>,
        %gt3A_243 = arith.cmpi sgt, %shift_right_logical3A_214, %get3A_4 : vector<16xi32>
        %jit3A_244 = arith.constant 0.000000e+00 : f32
        %broadcast_in_dim3A_245 = vector.broadcast %jit3A_244 : f32 to vector<16xf32>
        %select_n3A_246 = arith.select %gt3A_243, %get3A_210, %broadcast_in_dim3A_245 : vector<16xi1>, vector<16xf32>
        %add3A_247 = arith.addf %add3A_203, %select_n3A_246 : vector<16xf32>
        %mul3A_248 = arith.constant 64 : i32
        %mul3A_249 = arith.muli %scan3A_118, %mul3A_248 : i32
        %add3A_250 = arith.constant 48 : i32
        %add3A_251 = arith.addi %mul3A_249, %add3A_250 : i32
        %get3A_252 = arith.index_cast %add3A_251 : i32 to index
        %get3A_253 = tpu.vector_load %arg8[%get3A_252] {strides = array<i32>} : memref<4096xf32, #tpu.memory_space<vmem>>, vector<16xf32>,
        %get3A_254 = vector.shape_cast %get3A_253 : vector<16xf32> to vector<16xf32>
        %bitcast_convert_type3A_255 = tpu.bitcast %get3A_254 : vector<16xf32> -> vector<16xi32>
        %shift_right_logical3A_256 = arith.constant 16 : i32
        %shift_right_logical3A_257 = vector.broadcast %shift_right_logical3A_256 : i32 to vector<16xi32>
        %shift_right_logical3A_258 = arith.shrui %bitcast_convert_type3A_255, %shift_right_logical3A_257 : vector<16xi32>
        %and3A_259 = arith.constant 65535 : i32
        %and3A_260 = vector.broadcast %and3A_259 : i32 to vector<16xi32>
        %and3A_261 = arith.andi %bitcast_convert_type3A_255, %and3A_260 : vector<16xi32>
        %eq3A_262 = arith.cmpi eq, %shift_right_logical3A_258, %get3A_4 : vector<16xi32>
        %or3A_263 = arith.ori %lt3A_6, %eq3A_262 : vector<16xi1>
        %add3A_264 = arith.addi %add3A_63, %add3A_251 : i32
        %add3A_265 = vector.broadcast %add3A_264 : i32 to vector<16xi32>
        %add3A_266 = arith.addi %add3A_265, %iota3A : vector<16xi32>
        %and3A_267 = arith.constant 65535 : i32
        %and3A_268 = vector.broadcast %and3A_267 : i32 to vector<16xi32>
        %and3A_269 = arith.andi %add3A_266, %and3A_268 : vector<16xi32>
        %select_n3A_270 = arith.select %lt3A_6, %shift_right_logical3A_258, %and3A_261 : vector<16xi1>, vector<16xi32>
        %select_n3A_271 = arith.select %or3A_263, %select_n3A_270, %and3A_269 : vector<16xi1>, vector<16xi32>
        %add3A_272 = vector.broadcast %mul3A_20 : i32 to vector<16xi32>
        %add3A_273 = arith.addi %select_n3A_271, %add3A_272 : vector<16xi32>
        %swap3A_274 = arith.index_cast %add3A_251 : i32 to index
        %swap3A_275 = tpu.vector_load %arg10[%swap3A_274] {strides = array<i32>} : memref<4096xi32, #tpu.memory_space<vmem>>, vector<16xi32>,
        %swap3A_276 = vector.shape_cast %swap3A_275 : vector<16xi32> to vector<16xi32>
        %swap3A_277 = vector.shape_cast %add3A_273 : vector<16xi32> to vector<16xi32>
        tpu.vector_store %arg10[%swap3A_274], %swap3A_277 {strides = array<i32>} : memref<4096xi32, #tpu.memory_space<vmem>>, vector<16xi32>,
        %jit3A_278 = arith.constant 1.000000e+00 : f32
        %jit3A_279 = arith.constant 0.000000e+00 : f32
        %broadcast_in_dim3A_280 = vector.broadcast %jit3A_278 : f32 to vector<16xf32>
        %broadcast_in_dim3A_281 = vector.broadcast %jit3A_279 : f32 to vector<16xf32>
        %select_n3A_282 = arith.select %or3A_263, %broadcast_in_dim3A_280, %broadcast_in_dim3A_281 : vector<16xi1>, vector<16xf32>
        %swap3A_283 = arith.index_cast %add3A_251 : i32 to index
        %swap3A_284 = tpu.vector_load %arg12[%swap3A_283] {strides = array<i32>} : memref<4096xf32, #tpu.memory_space<vmem>>, vector<16xf32>,
        %swap3A_285 = vector.shape_cast %swap3A_284 : vector<16xf32> to vector<16xf32>
        %swap3A_286 = vector.shape_cast %select_n3A_282 : vector<16xf32> to vector<16xf32>
        tpu.vector_store %arg12[%swap3A_283], %swap3A_286 {strides = array<i32>} : memref<4096xf32, #tpu.memory_space<vmem>>, vector<16xf32>,
        %gt3A_287 = arith.cmpi sgt, %shift_right_logical3A_258, %get3A_4 : vector<16xi32>
        %jit3A_288 = arith.constant 0.000000e+00 : f32
        %broadcast_in_dim3A_289 = vector.broadcast %jit3A_288 : f32 to vector<16xf32>
        %select_n3A_290 = arith.select %gt3A_287, %get3A_254, %broadcast_in_dim3A_289 : vector<16xi1>, vector<16xf32>
        %add3A_291 = arith.addf %add3A_247, %select_n3A_290 : vector<16xf32>
        scf.yield %add3A_291 : vector<16xf32>
      }
      %scan3A_71 = arith.constant 64 : i32
      %get3A_72 = arith.constant 0 : index
      %get3A_73 = tpu.vector_load %arg14[%get3A_72] {strides = array<i32>} : memref<16xf32, #tpu.memory_space<vmem>>, vector<16xf32>,
      %get3A_74 = vector.shape_cast %get3A_73 : vector<16xf32> to vector<16xf32>
      %add3A_75 = arith.addf %get3A_74, %scan3A_70 : vector<16xf32>
      %swap3A_76 = arith.constant 0 : index
      %swap3A_77 = tpu.vector_load %arg14[%swap3A_76] {strides = array<i32>} : memref<16xf32, #tpu.memory_space<vmem>>, vector<16xf32>,
      %swap3A_78 = vector.shape_cast %swap3A_77 : vector<16xf32> to vector<16xf32>
      %swap3A_79 = vector.shape_cast %add3A_75 : vector<16xf32> to vector<16xf32>
      tpu.vector_store %arg14[%swap3A_76], %swap3A_79 {strides = array<i32>} : memref<16xf32, #tpu.memory_space<vmem>>, vector<16xf32>,
      "tpu.region"() ({
        %run_scoped3A = tpu.sem_alloc : memref<!tpu.dma_semaphore, #tpu.memory_space<semaphore_mem>>
        %dma_start3A_118 = arith.constant 0 : i32
        %dma_start3A_119 = tpu.memref_slice %arg15[%dma_start3A_118] : memref<65536xf32, #tpu.memory_space<vmem_shared>> -> memref<65536xf32, #tpu.memory_space<vmem_shared>>
        tpu.enqueue_indirect_dma source(%arg12 : memref<4096xf32, #tpu.memory_space<vmem>>) target(%dma_start3A_119 : memref<65536xf32, #tpu.memory_space<vmem_shared>>) offsets(%arg10 : memref<4096xi32, #tpu.memory_space<vmem>>) semaphore(%run_scoped3A : memref<!tpu.dma_semaphore, #tpu.memory_space<semaphore_mem>>) {add = true}
        %dma_wait3A_120 = arith.constant 0 : i32
        %dma_wait3A_121 = tpu.memref_slice %arg15[%dma_wait3A_120] : memref<65536xf32, #tpu.memory_space<vmem_shared>> -> memref<65536xf32, #tpu.memory_space<vmem_shared>>
        tpu.wait_indirect_dma semaphore(%run_scoped3A : memref<!tpu.dma_semaphore, #tpu.memory_space<semaphore_mem>>) src(%arg12 : memref<4096xf32, #tpu.memory_space<vmem>>) dst(%dma_wait3A_121 : memref<65536xf32, #tpu.memory_space<vmem_shared>>)
        tpu.yield
      }) : () -> ()
      %mul3A_80 = arith.constant 2 : i32
      %mul3A_81 = arith.muli %mul3A_80, %scan3A_43 : i32
      %add3A_82 = arith.constant 2 : i32
      %add3A_83 = arith.addi %mul3A_81, %add3A_82 : i32
      %min3A_84 = arith.constant 7 : i32
      %min3A_85 = arith.minsi %add3A_83, %min3A_84 : i32
      %mul3A_86 = arith.constant 4096 : i32
      %mul3A_87 = arith.muli %min3A_85, %mul3A_86 : i32
      %add3A_88 = arith.addi %mul3A_8, %mul3A_87 : i32
      %dma_start3A_89 = tpu.memref_slice %arg2[%add3A_88] : memref<1048576xf32, #tpu.memory_space<hbm>> -> memref<4096xf32, #tpu.memory_space<hbm>>
      %dma_start3A_90 = tpu.memref_slice %arg2[%add3A_88] : memref<1048576xf32, #tpu.memory_space<hbm>> -> memref<4096xf32, #tpu.memory_space<hbm>>
      tpu.enqueue_dma source(%dma_start3A_90 : memref<4096xf32, #tpu.memory_space<hbm>>) target(%arg8 : memref<4096xf32, #tpu.memory_space<vmem>>) target_semaphore(%arg16 : memref<!tpu.dma_semaphore, #tpu.memory_space<semaphore_mem>>)
      %dma_wait3A_91 = arith.constant 0 : i32
      %dma_wait3A_92 = tpu.memref_slice %arg2[%dma_wait3A_91] : memref<1048576xf32, #tpu.memory_space<hbm>> -> memref<4096xf32, #tpu.memory_space<hbm>>
      %dma_wait3A_93 = arith.constant 0 : i32
      %dma_wait3A_94 = tpu.memref_slice %arg2[%dma_wait3A_93] : memref<1048576xf32, #tpu.memory_space<hbm>> -> memref<4096xf32, #tpu.memory_space<hbm>>
      tpu.wait_dma2 semaphore(%arg17 : memref<!tpu.dma_semaphore, #tpu.memory_space<semaphore_mem>>) src(%dma_wait3A_94 : memref<4096xf32, #tpu.memory_space<hbm>>) dst(%arg9 : memref<4096xf32, #tpu.memory_space<vmem>>)
      %mul3A_95 = arith.constant 2 : i32
      %mul3A_96 = arith.muli %mul3A_95, %scan3A_43 : i32
      %add3A_97 = arith.constant 1 : i32
      %add3A_98 = arith.addi %mul3A_96, %add3A_97 : i32
      %mul3A_99 = arith.constant 4096 : i32
      %mul3A_100 = arith.muli %add3A_98, %mul3A_99 : i32
      %add3A_101 = arith.addi %mul3A_8, %mul3A_100 : i32
      %broadcast_in_dim3A_102 = arith.constant 0.000000e+00 : f32
      %broadcast_in_dim3A_103 = vector.broadcast %broadcast_in_dim3A_102 : f32 to vector<16xf32>
      %scan3A_104 = arith.constant 0 : i32
      %scan3A_105 = arith.constant 64 : i32
      %scan3A_106 = arith.addi %scan3A_104, %scan3A_105 : i32
      %scan3A_107 = arith.constant 1 : i32
      %scan3A_108 = scf.for %scan3A_118 = %scan3A_104 to %scan3A_106 step %scan3A_107 iter_args(%scan3A_119 = %broadcast_in_dim3A_103) -> (vector<16xf32>)  : i32 {
        %mul3A_120 = arith.constant 64 : i32
        %mul3A_121 = arith.muli %scan3A_118, %mul3A_120 : i32
        %add3A_122 = arith.constant 0 : i32
        %add3A_123 = arith.addi %mul3A_121, %add3A_122 : i32
        %get3A_124 = arith.index_cast %add3A_123 : i32 to index
        %get3A_125 = tpu.vector_load %arg9[%get3A_124] {strides = array<i32>} : memref<4096xf32, #tpu.memory_space<vmem>>, vector<16xf32>,
        %get3A_126 = vector.shape_cast %get3A_125 : vector<16xf32> to vector<16xf32>
        %bitcast_convert_type3A = tpu.bitcast %get3A_126 : vector<16xf32> -> vector<16xi32>
        %shift_right_logical3A = arith.constant 16 : i32
        %shift_right_logical3A_127 = vector.broadcast %shift_right_logical3A : i32 to vector<16xi32>
        %shift_right_logical3A_128 = arith.shrui %bitcast_convert_type3A, %shift_right_logical3A_127 : vector<16xi32>
        %and3A_129 = arith.constant 65535 : i32
        %and3A_130 = vector.broadcast %and3A_129 : i32 to vector<16xi32>
        %and3A_131 = arith.andi %bitcast_convert_type3A, %and3A_130 : vector<16xi32>
        %eq3A_132 = arith.cmpi eq, %shift_right_logical3A_128, %get3A_4 : vector<16xi32>
        %or3A = arith.ori %lt3A_6, %eq3A_132 : vector<16xi1>
        %add3A_133 = arith.addi %add3A_101, %add3A_123 : i32
        %add3A_134 = vector.broadcast %add3A_133 : i32 to vector<16xi32>
        %add3A_135 = arith.addi %add3A_134, %iota3A : vector<16xi32>
        %and3A_136 = arith.constant 65535 : i32
        %and3A_137 = vector.broadcast %and3A_136 : i32 to vector<16xi32>
        %and3A_138 = arith.andi %add3A_135, %and3A_137 : vector<16xi32>
        %select_n3A_139 = arith.select %lt3A_6, %shift_right_logical3A_128, %and3A_131 : vector<16xi1>, vector<16xi32>
        %select_n3A_140 = arith.select %or3A, %select_n3A_139, %and3A_138 : vector<16xi1>, vector<16xi32>
        %add3A_141 = vector.broadcast %mul3A_20 : i32 to vector<16xi32>
        %add3A_142 = arith.addi %select_n3A_140, %add3A_141 : vector<16xi32>
        %swap3A_143 = arith.index_cast %add3A_123 : i32 to index
        %swap3A_144 = tpu.vector_load %arg11[%swap3A_143] {strides = array<i32>} : memref<4096xi32, #tpu.memory_space<vmem>>, vector<16xi32>,
        %swap3A_145 = vector.shape_cast %swap3A_144 : vector<16xi32> to vector<16xi32>
        %swap3A_146 = vector.shape_cast %add3A_142 : vector<16xi32> to vector<16xi32>
        tpu.vector_store %arg11[%swap3A_143], %swap3A_146 {strides = array<i32>} : memref<4096xi32, #tpu.memory_space<vmem>>, vector<16xi32>,
        %jit3A_147 = arith.constant 1.000000e+00 : f32
        %jit3A_148 = arith.constant 0.000000e+00 : f32
        %broadcast_in_dim3A_149 = vector.broadcast %jit3A_147 : f32 to vector<16xf32>
        %broadcast_in_dim3A_150 = vector.broadcast %jit3A_148 : f32 to vector<16xf32>
        %select_n3A_151 = arith.select %or3A, %broadcast_in_dim3A_149, %broadcast_in_dim3A_150 : vector<16xi1>, vector<16xf32>
        %swap3A_152 = arith.index_cast %add3A_123 : i32 to index
        %swap3A_153 = tpu.vector_load %arg13[%swap3A_152] {strides = array<i32>} : memref<4096xf32, #tpu.memory_space<vmem>>, vector<16xf32>,
        %swap3A_154 = vector.shape_cast %swap3A_153 : vector<16xf32> to vector<16xf32>
        %swap3A_155 = vector.shape_cast %select_n3A_151 : vector<16xf32> to vector<16xf32>
        tpu.vector_store %arg13[%swap3A_152], %swap3A_155 {strides = array<i32>} : memref<4096xf32, #tpu.memory_space<vmem>>, vector<16xf32>,
        %gt3A = arith.cmpi sgt, %shift_right_logical3A_128, %get3A_4 : vector<16xi32>
        %jit3A_156 = arith.constant 0.000000e+00 : f32
        %broadcast_in_dim3A_157 = vector.broadcast %jit3A_156 : f32 to vector<16xf32>
        %select_n3A_158 = arith.select %gt3A, %get3A_126, %broadcast_in_dim3A_157 : vector<16xi1>, vector<16xf32>
        %add3A_159 = arith.addf %scan3A_119, %select_n3A_158 : vector<16xf32>
        %mul3A_160 = arith.constant 64 : i32
        %mul3A_161 = arith.muli %scan3A_118, %mul3A_160 : i32
        %add3A_162 = arith.constant 16 : i32
        %add3A_163 = arith.addi %mul3A_161, %add3A_162 : i32
        %get3A_164 = arith.index_cast %add3A_163 : i32 to index
        %get3A_165 = tpu.vector_load %arg9[%get3A_164] {strides = array<i32>} : memref<4096xf32, #tpu.memory_space<vmem>>, vector<16xf32>,
        %get3A_166 = vector.shape_cast %get3A_165 : vector<16xf32> to vector<16xf32>
        %bitcast_convert_type3A_167 = tpu.bitcast %get3A_166 : vector<16xf32> -> vector<16xi32>
        %shift_right_logical3A_168 = arith.constant 16 : i32
        %shift_right_logical3A_169 = vector.broadcast %shift_right_logical3A_168 : i32 to vector<16xi32>
        %shift_right_logical3A_170 = arith.shrui %bitcast_convert_type3A_167, %shift_right_logical3A_169 : vector<16xi32>
        %and3A_171 = arith.constant 65535 : i32
        %and3A_172 = vector.broadcast %and3A_171 : i32 to vector<16xi32>
        %and3A_173 = arith.andi %bitcast_convert_type3A_167, %and3A_172 : vector<16xi32>
        %eq3A_174 = arith.cmpi eq, %shift_right_logical3A_170, %get3A_4 : vector<16xi32>
        %or3A_175 = arith.ori %lt3A_6, %eq3A_174 : vector<16xi1>
        %add3A_176 = arith.addi %add3A_101, %add3A_163 : i32
        %add3A_177 = vector.broadcast %add3A_176 : i32 to vector<16xi32>
        %add3A_178 = arith.addi %add3A_177, %iota3A : vector<16xi32>
        %and3A_179 = arith.constant 65535 : i32
        %and3A_180 = vector.broadcast %and3A_179 : i32 to vector<16xi32>
        %and3A_181 = arith.andi %add3A_178, %and3A_180 : vector<16xi32>
        %select_n3A_182 = arith.select %lt3A_6, %shift_right_logical3A_170, %and3A_173 : vector<16xi1>, vector<16xi32>
        %select_n3A_183 = arith.select %or3A_175, %select_n3A_182, %and3A_181 : vector<16xi1>, vector<16xi32>
        %add3A_184 = vector.broadcast %mul3A_20 : i32 to vector<16xi32>
        %add3A_185 = arith.addi %select_n3A_183, %add3A_184 : vector<16xi32>
        %swap3A_186 = arith.index_cast %add3A_163 : i32 to index
        %swap3A_187 = tpu.vector_load %arg11[%swap3A_186] {strides = array<i32>} : memref<4096xi32, #tpu.memory_space<vmem>>, vector<16xi32>,
        %swap3A_188 = vector.shape_cast %swap3A_187 : vector<16xi32> to vector<16xi32>
        %swap3A_189 = vector.shape_cast %add3A_185 : vector<16xi32> to vector<16xi32>
        tpu.vector_store %arg11[%swap3A_186], %swap3A_189 {strides = array<i32>} : memref<4096xi32, #tpu.memory_space<vmem>>, vector<16xi32>,
        %jit3A_190 = arith.constant 1.000000e+00 : f32
        %jit3A_191 = arith.constant 0.000000e+00 : f32
        %broadcast_in_dim3A_192 = vector.broadcast %jit3A_190 : f32 to vector<16xf32>
        %broadcast_in_dim3A_193 = vector.broadcast %jit3A_191 : f32 to vector<16xf32>
        %select_n3A_194 = arith.select %or3A_175, %broadcast_in_dim3A_192, %broadcast_in_dim3A_193 : vector<16xi1>, vector<16xf32>
        %swap3A_195 = arith.index_cast %add3A_163 : i32 to index
        %swap3A_196 = tpu.vector_load %arg13[%swap3A_195] {strides = array<i32>} : memref<4096xf32, #tpu.memory_space<vmem>>, vector<16xf32>,
        %swap3A_197 = vector.shape_cast %swap3A_196 : vector<16xf32> to vector<16xf32>
        %swap3A_198 = vector.shape_cast %select_n3A_194 : vector<16xf32> to vector<16xf32>
        tpu.vector_store %arg13[%swap3A_195], %swap3A_198 {strides = array<i32>} : memref<4096xf32, #tpu.memory_space<vmem>>, vector<16xf32>,
        %gt3A_199 = arith.cmpi sgt, %shift_right_logical3A_170, %get3A_4 : vector<16xi32>
        %jit3A_200 = arith.constant 0.000000e+00 : f32
        %broadcast_in_dim3A_201 = vector.broadcast %jit3A_200 : f32 to vector<16xf32>
        %select_n3A_202 = arith.select %gt3A_199, %get3A_166, %broadcast_in_dim3A_201 : vector<16xi1>, vector<16xf32>
        %add3A_203 = arith.addf %add3A_159, %select_n3A_202 : vector<16xf32>
        %mul3A_204 = arith.constant 64 : i32
        %mul3A_205 = arith.muli %scan3A_118, %mul3A_204 : i32
        %add3A_206 = arith.constant 32 : i32
        %add3A_207 = arith.addi %mul3A_205, %add3A_206 : i32
        %get3A_208 = arith.index_cast %add3A_207 : i32 to index
        %get3A_209 = tpu.vector_load %arg9[%get3A_208] {strides = array<i32>} : memref<4096xf32, #tpu.memory_space<vmem>>, vector<16xf32>,
        %get3A_210 = vector.shape_cast %get3A_209 : vector<16xf32> to vector<16xf32>
        %bitcast_convert_type3A_211 = tpu.bitcast %get3A_210 : vector<16xf32> -> vector<16xi32>
        %shift_right_logical3A_212 = arith.constant 16 : i32
        %shift_right_logical3A_213 = vector.broadcast %shift_right_logical3A_212 : i32 to vector<16xi32>
        %shift_right_logical3A_214 = arith.shrui %bitcast_convert_type3A_211, %shift_right_logical3A_213 : vector<16xi32>
        %and3A_215 = arith.constant 65535 : i32
        %and3A_216 = vector.broadcast %and3A_215 : i32 to vector<16xi32>
        %and3A_217 = arith.andi %bitcast_convert_type3A_211, %and3A_216 : vector<16xi32>
        %eq3A_218 = arith.cmpi eq, %shift_right_logical3A_214, %get3A_4 : vector<16xi32>
        %or3A_219 = arith.ori %lt3A_6, %eq3A_218 : vector<16xi1>
        %add3A_220 = arith.addi %add3A_101, %add3A_207 : i32
        %add3A_221 = vector.broadcast %add3A_220 : i32 to vector<16xi32>
        %add3A_222 = arith.addi %add3A_221, %iota3A : vector<16xi32>
        %and3A_223 = arith.constant 65535 : i32
        %and3A_224 = vector.broadcast %and3A_223 : i32 to vector<16xi32>
        %and3A_225 = arith.andi %add3A_222, %and3A_224 : vector<16xi32>
        %select_n3A_226 = arith.select %lt3A_6, %shift_right_logical3A_214, %and3A_217 : vector<16xi1>, vector<16xi32>
        %select_n3A_227 = arith.select %or3A_219, %select_n3A_226, %and3A_225 : vector<16xi1>, vector<16xi32>
        %add3A_228 = vector.broadcast %mul3A_20 : i32 to vector<16xi32>
        %add3A_229 = arith.addi %select_n3A_227, %add3A_228 : vector<16xi32>
        %swap3A_230 = arith.index_cast %add3A_207 : i32 to index
        %swap3A_231 = tpu.vector_load %arg11[%swap3A_230] {strides = array<i32>} : memref<4096xi32, #tpu.memory_space<vmem>>, vector<16xi32>,
        %swap3A_232 = vector.shape_cast %swap3A_231 : vector<16xi32> to vector<16xi32>
        %swap3A_233 = vector.shape_cast %add3A_229 : vector<16xi32> to vector<16xi32>
        tpu.vector_store %arg11[%swap3A_230], %swap3A_233 {strides = array<i32>} : memref<4096xi32, #tpu.memory_space<vmem>>, vector<16xi32>,
        %jit3A_234 = arith.constant 1.000000e+00 : f32
        %jit3A_235 = arith.constant 0.000000e+00 : f32
        %broadcast_in_dim3A_236 = vector.broadcast %jit3A_234 : f32 to vector<16xf32>
        %broadcast_in_dim3A_237 = vector.broadcast %jit3A_235 : f32 to vector<16xf32>
        %select_n3A_238 = arith.select %or3A_219, %broadcast_in_dim3A_236, %broadcast_in_dim3A_237 : vector<16xi1>, vector<16xf32>
        %swap3A_239 = arith.index_cast %add3A_207 : i32 to index
        %swap3A_240 = tpu.vector_load %arg13[%swap3A_239] {strides = array<i32>} : memref<4096xf32, #tpu.memory_space<vmem>>, vector<16xf32>,
        %swap3A_241 = vector.shape_cast %swap3A_240 : vector<16xf32> to vector<16xf32>
        %swap3A_242 = vector.shape_cast %select_n3A_238 : vector<16xf32> to vector<16xf32>
        tpu.vector_store %arg13[%swap3A_239], %swap3A_242 {strides = array<i32>} : memref<4096xf32, #tpu.memory_space<vmem>>, vector<16xf32>,
        %gt3A_243 = arith.cmpi sgt, %shift_right_logical3A_214, %get3A_4 : vector<16xi32>
        %jit3A_244 = arith.constant 0.000000e+00 : f32
        %broadcast_in_dim3A_245 = vector.broadcast %jit3A_244 : f32 to vector<16xf32>
        %select_n3A_246 = arith.select %gt3A_243, %get3A_210, %broadcast_in_dim3A_245 : vector<16xi1>, vector<16xf32>
        %add3A_247 = arith.addf %add3A_203, %select_n3A_246 : vector<16xf32>
        %mul3A_248 = arith.constant 64 : i32
        %mul3A_249 = arith.muli %scan3A_118, %mul3A_248 : i32
        %add3A_250 = arith.constant 48 : i32
        %add3A_251 = arith.addi %mul3A_249, %add3A_250 : i32
        %get3A_252 = arith.index_cast %add3A_251 : i32 to index
        %get3A_253 = tpu.vector_load %arg9[%get3A_252] {strides = array<i32>} : memref<4096xf32, #tpu.memory_space<vmem>>, vector<16xf32>,
        %get3A_254 = vector.shape_cast %get3A_253 : vector<16xf32> to vector<16xf32>
        %bitcast_convert_type3A_255 = tpu.bitcast %get3A_254 : vector<16xf32> -> vector<16xi32>
        %shift_right_logical3A_256 = arith.constant 16 : i32
        %shift_right_logical3A_257 = vector.broadcast %shift_right_logical3A_256 : i32 to vector<16xi32>
        %shift_right_logical3A_258 = arith.shrui %bitcast_convert_type3A_255, %shift_right_logical3A_257 : vector<16xi32>
        %and3A_259 = arith.constant 65535 : i32
        %and3A_260 = vector.broadcast %and3A_259 : i32 to vector<16xi32>
        %and3A_261 = arith.andi %bitcast_convert_type3A_255, %and3A_260 : vector<16xi32>
        %eq3A_262 = arith.cmpi eq, %shift_right_logical3A_258, %get3A_4 : vector<16xi32>
        %or3A_263 = arith.ori %lt3A_6, %eq3A_262 : vector<16xi1>
        %add3A_264 = arith.addi %add3A_101, %add3A_251 : i32
        %add3A_265 = vector.broadcast %add3A_264 : i32 to vector<16xi32>
        %add3A_266 = arith.addi %add3A_265, %iota3A : vector<16xi32>
        %and3A_267 = arith.constant 65535 : i32
        %and3A_268 = vector.broadcast %and3A_267 : i32 to vector<16xi32>
        %and3A_269 = arith.andi %add3A_266, %and3A_268 : vector<16xi32>
        %select_n3A_270 = arith.select %lt3A_6, %shift_right_logical3A_258, %and3A_261 : vector<16xi1>, vector<16xi32>
        %select_n3A_271 = arith.select %or3A_263, %select_n3A_270, %and3A_269 : vector<16xi1>, vector<16xi32>
        %add3A_272 = vector.broadcast %mul3A_20 : i32 to vector<16xi32>
        %add3A_273 = arith.addi %select_n3A_271, %add3A_272 : vector<16xi32>
        %swap3A_274 = arith.index_cast %add3A_251 : i32 to index
        %swap3A_275 = tpu.vector_load %arg11[%swap3A_274] {strides = array<i32>} : memref<4096xi32, #tpu.memory_space<vmem>>, vector<16xi32>,
        %swap3A_276 = vector.shape_cast %swap3A_275 : vector<16xi32> to vector<16xi32>
        %swap3A_277 = vector.shape_cast %add3A_273 : vector<16xi32> to vector<16xi32>
        tpu.vector_store %arg11[%swap3A_274], %swap3A_277 {strides = array<i32>} : memref<4096xi32, #tpu.memory_space<vmem>>, vector<16xi32>,
        %jit3A_278 = arith.constant 1.000000e+00 : f32
        %jit3A_279 = arith.constant 0.000000e+00 : f32
        %broadcast_in_dim3A_280 = vector.broadcast %jit3A_278 : f32 to vector<16xf32>
        %broadcast_in_dim3A_281 = vector.broadcast %jit3A_279 : f32 to vector<16xf32>
        %select_n3A_282 = arith.select %or3A_263, %broadcast_in_dim3A_280, %broadcast_in_dim3A_281 : vector<16xi1>, vector<16xf32>
        %swap3A_283 = arith.index_cast %add3A_251 : i32 to index
        %swap3A_284 = tpu.vector_load %arg13[%swap3A_283] {strides = array<i32>} : memref<4096xf32, #tpu.memory_space<vmem>>, vector<16xf32>,
        %swap3A_285 = vector.shape_cast %swap3A_284 : vector<16xf32> to vector<16xf32>
        %swap3A_286 = vector.shape_cast %select_n3A_282 : vector<16xf32> to vector<16xf32>
        tpu.vector_store %arg13[%swap3A_283], %swap3A_286 {strides = array<i32>} : memref<4096xf32, #tpu.memory_space<vmem>>, vector<16xf32>,
        %gt3A_287 = arith.cmpi sgt, %shift_right_logical3A_258, %get3A_4 : vector<16xi32>
        %jit3A_288 = arith.constant 0.000000e+00 : f32
        %broadcast_in_dim3A_289 = vector.broadcast %jit3A_288 : f32 to vector<16xf32>
        %select_n3A_290 = arith.select %gt3A_287, %get3A_254, %broadcast_in_dim3A_289 : vector<16xi1>, vector<16xf32>
        %add3A_291 = arith.addf %add3A_247, %select_n3A_290 : vector<16xf32>
        scf.yield %add3A_291 : vector<16xf32>
      }
      %scan3A_109 = arith.constant 64 : i32
      %get3A_110 = arith.constant 0 : index
      %get3A_111 = tpu.vector_load %arg14[%get3A_110] {strides = array<i32>} : memref<16xf32, #tpu.memory_space<vmem>>, vector<16xf32>,
      %get3A_112 = vector.shape_cast %get3A_111 : vector<16xf32> to vector<16xf32>
      %add3A_113 = arith.addf %get3A_112, %scan3A_108 : vector<16xf32>
      %swap3A_114 = arith.constant 0 : index
      %swap3A_115 = tpu.vector_load %arg14[%swap3A_114] {strides = array<i32>} : memref<16xf32, #tpu.memory_space<vmem>>, vector<16xf32>,
      %swap3A_116 = vector.shape_cast %swap3A_115 : vector<16xf32> to vector<16xf32>
      %swap3A_117 = vector.shape_cast %add3A_113 : vector<16xf32> to vector<16xf32>
      tpu.vector_store %arg14[%swap3A_114], %swap3A_117 {strides = array<i32>} : memref<16xf32, #tpu.memory_space<vmem>>, vector<16xf32>,
      "tpu.region"() ({
        %run_scoped3A = tpu.sem_alloc : memref<!tpu.dma_semaphore, #tpu.memory_space<semaphore_mem>>
        %dma_start3A_118 = arith.constant 0 : i32
        %dma_start3A_119 = tpu.memref_slice %arg15[%dma_start3A_118] : memref<65536xf32, #tpu.memory_space<vmem_shared>> -> memref<65536xf32, #tpu.memory_space<vmem_shared>>
        tpu.enqueue_indirect_dma source(%arg13 : memref<4096xf32, #tpu.memory_space<vmem>>) target(%dma_start3A_119 : memref<65536xf32, #tpu.memory_space<vmem_shared>>) offsets(%arg11 : memref<4096xi32, #tpu.memory_space<vmem>>) semaphore(%run_scoped3A : memref<!tpu.dma_semaphore, #tpu.memory_space<semaphore_mem>>) {add = true}
        %dma_wait3A_120 = arith.constant 0 : i32
        %dma_wait3A_121 = tpu.memref_slice %arg15[%dma_wait3A_120] : memref<65536xf32, #tpu.memory_space<vmem_shared>> -> memref<65536xf32, #tpu.memory_space<vmem_shared>>
        tpu.wait_indirect_dma semaphore(%run_scoped3A : memref<!tpu.dma_semaphore, #tpu.memory_space<semaphore_mem>>) src(%arg13 : memref<4096xf32, #tpu.memory_space<vmem>>) dst(%dma_wait3A_121 : memref<65536xf32, #tpu.memory_space<vmem_shared>>)
        tpu.yield
      }) : () -> ()
    }
    %scan3A_35 = arith.constant 4 : i32
    %dma_wait3A = arith.constant 0 : i32
    %dma_wait3A_36 = tpu.memref_slice %arg2[%dma_wait3A] : memref<1048576xf32, #tpu.memory_space<hbm>> -> memref<4096xf32, #tpu.memory_space<hbm>>
    %dma_wait3A_37 = arith.constant 0 : i32
    %dma_wait3A_38 = tpu.memref_slice %arg2[%dma_wait3A_37] : memref<1048576xf32, #tpu.memory_space<hbm>> -> memref<4096xf32, #tpu.memory_space<hbm>>
    tpu.wait_dma2 semaphore(%arg16 : memref<!tpu.dma_semaphore, #tpu.memory_space<semaphore_mem>>) src(%dma_wait3A_38 : memref<4096xf32, #tpu.memory_space<hbm>>) dst(%arg8 : memref<4096xf32, #tpu.memory_space<vmem>>)
    "tpu.region"() ({
      %run_scoped3A = tpu.sem_alloc : memref<!tpu.dma_semaphore, #tpu.memory_space<semaphore_mem>>
      %dma_start3A_43 = arith.constant 0 : i32
      %dma_start3A_44 = tpu.memref_slice %arg6[%arg0, %arg1, %dma_start3A_43] : memref<2x16x16xf32, #tpu.memory_space<hbm>> -> memref<1x1x16xf32, #tpu.memory_space<hbm>>
      %dma_start3A_45 = tpu.memref_squeeze %dma_start3A_44 : memref<1x1x16xf32, #tpu.memory_space<hbm>> -> memref<16xf32, #tpu.memory_space<hbm>>
      %dma_start3A_46 = arith.constant 0 : i32
      %dma_start3A_47 = tpu.memref_slice %arg6[%arg0, %arg1, %dma_start3A_46] : memref<2x16x16xf32, #tpu.memory_space<hbm>> -> memref<1x1x16xf32, #tpu.memory_space<hbm>>
      %dma_start3A_48 = tpu.memref_squeeze %dma_start3A_47 : memref<1x1x16xf32, #tpu.memory_space<hbm>> -> memref<16xf32, #tpu.memory_space<hbm>>
      tpu.enqueue_dma source(%arg14 : memref<16xf32, #tpu.memory_space<vmem>>) target(%dma_start3A_48 : memref<16xf32, #tpu.memory_space<hbm>>) target_semaphore(%run_scoped3A : memref<!tpu.dma_semaphore, #tpu.memory_space<semaphore_mem>>)
      %dma_wait3A_49 = arith.constant 0 : i32
      %dma_wait3A_50 = tpu.memref_slice %arg6[%arg0, %arg1, %dma_wait3A_49] : memref<2x16x16xf32, #tpu.memory_space<hbm>> -> memref<1x1x16xf32, #tpu.memory_space<hbm>>
      %dma_wait3A_51 = tpu.memref_squeeze %dma_wait3A_50 : memref<1x1x16xf32, #tpu.memory_space<hbm>> -> memref<16xf32, #tpu.memory_space<hbm>>
      %dma_wait3A_52 = arith.constant 0 : i32
      %dma_wait3A_53 = tpu.memref_slice %arg6[%arg0, %arg1, %dma_wait3A_52] : memref<2x16x16xf32, #tpu.memory_space<hbm>> -> memref<1x1x16xf32, #tpu.memory_space<hbm>>
      %dma_wait3A_54 = tpu.memref_squeeze %dma_wait3A_53 : memref<1x1x16xf32, #tpu.memory_space<hbm>> -> memref<16xf32, #tpu.memory_space<hbm>>
      tpu.wait_dma2 semaphore(%run_scoped3A : memref<!tpu.dma_semaphore, #tpu.memory_space<semaphore_mem>>) src(%arg14 : memref<16xf32, #tpu.memory_space<vmem>>) dst(%dma_wait3A_54 : memref<16xf32, #tpu.memory_space<hbm>>)
      tpu.yield
    }) : () -> ()
    %barrier3A_39 = arith.constant 0 : index
    tpu.barrier barrier_id(%barrier3A_39)
    %eq3A_40 = arith.constant 0 : i32
    %eq3A_41 = arith.cmpi eq, %arg1, %eq3A_40 : i32
    %convert_element_type3A = arith.extui %eq3A_41 : i1 to i32
    %cond3A = arith.constant 0 : i32
    %cond3A_42 = arith.cmpi ne, %convert_element_type3A, %cond3A : i32
    scf.if %cond3A_42 {
      "tpu.region"() ({
        %run_scoped3A = tpu.sem_alloc : memref<!tpu.dma_semaphore, #tpu.memory_space<semaphore_mem>>
        %dma_start3A_43 = arith.constant 0 : i32
        %dma_start3A_44 = tpu.memref_slice %arg5[%arg0, %dma_start3A_43] : memref<2x65536xf32, #tpu.memory_space<hbm>> -> memref<1x65536xf32, #tpu.memory_space<hbm>>
        %dma_start3A_45 = tpu.memref_squeeze %dma_start3A_44 : memref<1x65536xf32, #tpu.memory_space<hbm>> -> memref<65536xf32, #tpu.memory_space<hbm>>
        tpu.enqueue_dma source(%arg15 : memref<65536xf32, #tpu.memory_space<vmem_shared>>) target(%dma_start3A_45 : memref<65536xf32, #tpu.memory_space<hbm>>) target_semaphore(%run_scoped3A : memref<!tpu.dma_semaphore, #tpu.memory_space<semaphore_mem>>)
        %dma_wait3A_46 = arith.constant 0 : i32
        %dma_wait3A_47 = tpu.memref_slice %arg5[%arg0, %dma_wait3A_46] : memref<2x65536xf32, #tpu.memory_space<hbm>> -> memref<1x65536xf32, #tpu.memory_space<hbm>>
        %dma_wait3A_48 = tpu.memref_squeeze %dma_wait3A_47 : memref<1x65536xf32, #tpu.memory_space<hbm>> -> memref<65536xf32, #tpu.memory_space<hbm>>
        tpu.wait_dma2 semaphore(%run_scoped3A : memref<!tpu.dma_semaphore, #tpu.memory_space<semaphore_mem>>) src(%arg15 : memref<65536xf32, #tpu.memory_space<vmem_shared>>) dst(%dma_wait3A_48 : memref<65536xf32, #tpu.memory_space<hbm>>)
        tpu.yield
      }) : () -> ()
    } else {
    }
    return
  }
}

#map = affine_map<(d0, d1) -> (0)>
#map1 = affine_map<(d0, d1) -> (0, 0)>
#map2 = affine_map<(d0, d1) -> (0, 0, 0)>
module attributes {stable_mosaic.version = 14 : i64} {
  func.func @_sc_hist_body(%arg0: i32, %arg1: i32, %arg2: memref<1048576xf32, #tpu.memory_space<hbm>>, %arg3: memref<16xi32, #tpu.memory_space<hbm>>, %arg4: memref<65536xf32, #tpu.memory_space<hbm>>, %arg5: memref<2x65536xf32, #tpu.memory_space<hbm>>, %arg6: memref<2x16x16xf32, #tpu.memory_space<hbm>>, %arg7: memref<16xi32, #tpu.memory_space<vmem>>, %arg8: memref<4096xf32, #tpu.memory_space<vmem>>, %arg9: memref<4096xf32, #tpu.memory_space<vmem>>, %arg10: memref<4096xi32, #tpu.memory_space<vmem>>, %arg11: memref<4096xi32, #tpu.memory_space<vmem>>, %arg12: memref<4096xf32, #tpu.memory_space<vmem>>, %arg13: memref<4096xf32, #tpu.memory_space<vmem>>, %arg14: memref<16xf32, #tpu.memory_space<vmem>>, %arg15: memref<65536xf32, #tpu.memory_space<vmem_shared>>, %arg16: memref<!tpu.dma_semaphore, #tpu.memory_space<semaphore_mem>>, %arg17: memref<!tpu.dma_semaphore, #tpu.memory_space<semaphore_mem>>) attributes {dimension_semantics = [#tpu.dimension_semantics<core_parallel>, #tpu.dimension_semantics<subcore_parallel>], iteration_bounds = array<i64: 2, 16>, scalar_prefetch = 0 : i64, scratch_operands = 11 : i64, tpu.core_type = #tpu.core_type<sc_vector_subcore>, window_params = [{transform_indices = #map}, {transform_indices = #map}, {transform_indices = #map}, {transform_indices = #map1}, {transform_indices = #map2}]} {
    %mul3A = arith.constant 2 : i32
    %mul3A_0 = arith.muli %arg1, %mul3A : i32
    %add3A = arith.addi %mul3A_0, %arg0 : i32
    %mul3A_1 = arith.constant 4096 : i32
    %mul3A_2 = arith.muli %arg1, %mul3A_1 : i32
    "tpu.region"() ({
      %run_scoped3A = tpu.sem_alloc : memref<!tpu.dma_semaphore, #tpu.memory_space<semaphore_mem>>
      %dma_start3A_43 = tpu.memref_slice %arg15[%mul3A_2] : memref<65536xf32, #tpu.memory_space<vmem_shared>> -> memref<4096xf32, #tpu.memory_space<vmem_shared>>
      %dma_start3A_44 = tpu.memref_slice %arg4[%mul3A_2] : memref<65536xf32, #tpu.memory_space<hbm>> -> memref<4096xf32, #tpu.memory_space<hbm>>
      tpu.enqueue_dma source(%dma_start3A_44 : memref<4096xf32, #tpu.memory_space<hbm>>) target(%dma_start3A_43 : memref<4096xf32, #tpu.memory_space<vmem_shared>>) target_semaphore(%run_scoped3A : memref<!tpu.dma_semaphore, #tpu.memory_space<semaphore_mem>>)
      %dma_wait3A_45 = tpu.memref_slice %arg15[%mul3A_2] : memref<65536xf32, #tpu.memory_space<vmem_shared>> -> memref<4096xf32, #tpu.memory_space<vmem_shared>>
      %dma_wait3A_46 = tpu.memref_slice %arg4[%mul3A_2] : memref<65536xf32, #tpu.memory_space<hbm>> -> memref<4096xf32, #tpu.memory_space<hbm>>
      tpu.wait_dma2 semaphore(%run_scoped3A : memref<!tpu.dma_semaphore, #tpu.memory_space<semaphore_mem>>) src(%dma_wait3A_46 : memref<4096xf32, #tpu.memory_space<hbm>>) dst(%dma_wait3A_45 : memref<4096xf32, #tpu.memory_space<vmem_shared>>)
      tpu.yield
    }) : () -> ()
    "tpu.region"() ({
      %run_scoped3A = tpu.sem_alloc : memref<!tpu.dma_semaphore, #tpu.memory_space<semaphore_mem>>
      tpu.enqueue_dma source(%arg3 : memref<16xi32, #tpu.memory_space<hbm>>) target(%arg7 : memref<16xi32, #tpu.memory_space<vmem>>) target_semaphore(%run_scoped3A : memref<!tpu.dma_semaphore, #tpu.memory_space<semaphore_mem>>)
      tpu.wait_dma2 semaphore(%run_scoped3A : memref<!tpu.dma_semaphore, #tpu.memory_space<semaphore_mem>>) src(%arg3 : memref<16xi32, #tpu.memory_space<hbm>>) dst(%arg7 : memref<16xi32, #tpu.memory_space<vmem>>)
      tpu.yield
    }) : () -> ()
    %barrier3A = arith.constant 0 : index
    tpu.barrier barrier_id(%barrier3A)
    %get3A = arith.constant 0 : index
    %get3A_3 = tpu.vector_load %arg7[%get3A] {strides = array<i32>} : memref<16xi32, #tpu.memory_space<vmem>>, vector<16xi32>,
    %get3A_4 = vector.shape_cast %get3A_3 : vector<16xi32> to vector<16xi32>
    %lt3A = arith.constant 0 : i32
    %lt3A_5 = vector.broadcast %lt3A : i32 to vector<16xi32>
    %lt3A_6 = arith.cmpi slt, %get3A_4, %lt3A_5 : vector<16xi32>
    %mul3A_7 = arith.constant 32768 : i32
    %mul3A_8 = arith.muli %add3A, %mul3A_7 : i32
    %iota3A = tpu.iota {dimensions = array<i32: 0>} : vector<16xi32>
    %jit3A = arith.constant 1 : i32
    %eq3A = arith.constant 0 : i32
    %eq3A_9 = arith.cmpi eq, %jit3A, %eq3A : i32
    %jit3A_10 = arith.constant 1 : i32
    %select_n3A = arith.select %eq3A_9, %jit3A_10, %jit3A : i32
    %rem3A = arith.remsi %arg1, %select_n3A : i32
    %ne3A = arith.constant 0 : i32
    %ne3A_11 = arith.cmpi ne, %rem3A, %ne3A : i32
    %lt3A_12 = arith.constant 0 : i32
    %lt3A_13 = arith.cmpi slt, %rem3A, %lt3A_12 : i32
    %lt3A_14 = arith.constant 0 : i32
    %lt3A_15 = arith.cmpi slt, %select_n3A, %lt3A_14 : i32
    %ne3A_16 = arith.xori %lt3A_13, %lt3A_15 : i1
    %and3A = arith.andi %ne3A_16, %ne3A_11 : i1
    %add3A_17 = arith.addi %rem3A, %select_n3A : i32
    %select_n3A_18 = arith.select %and3A, %add3A_17, %rem3A : i32
    %mul3A_19 = arith.constant 65536 : i32
    %mul3A_20 = arith.muli %select_n3A_18, %mul3A_19 : i32
    %broadcast_in_dim3A = arith.constant 0.000000e+00 : f32
    %broadcast_in_dim3A_21 = vector.broadcast %broadcast_in_dim3A : f32 to vector<16xf32>
    %swap3A = arith.constant 0 : index
    %swap3A_22 = tpu.vector_load %arg14[%swap3A] {strides = array<i32>} : memref<16xf32, #tpu.memory_space<vmem>>, vector<16xf32>,
    %swap3A_23 = vector.shape_cast %swap3A_22 : vector<16xf32> to vector<16xf32>
    %swap3A_24 = vector.shape_cast %broadcast_in_dim3A_21 : vector<16xf32> to vector<16xf32>
    tpu.vector_store %arg14[%swap3A], %swap3A_24 {strides = array<i32>} : memref<16xf32, #tpu.memory_space<vmem>>, vector<16xf32>,
    %min3A = arith.constant 0 : i32
    %min3A_25 = arith.constant 7 : i32
    %min3A_26 = arith.minsi %min3A, %min3A_25 : i32
    %mul3A_27 = arith.constant 4096 : i32
    %mul3A_28 = arith.muli %min3A_26, %mul3A_27 : i32
    %add3A_29 = arith.addi %mul3A_8, %mul3A_28 : i32
    %dma_start3A = tpu.memref_slice %arg2[%add3A_29] : memref<1048576xf32, #tpu.memory_space<hbm>> -> memref<4096xf32, #tpu.memory_space<hbm>>
    %dma_start3A_30 = tpu.memref_slice %arg2[%add3A_29] : memref<1048576xf32, #tpu.memory_space<hbm>> -> memref<4096xf32, #tpu.memory_space<hbm>>
    tpu.enqueue_dma source(%dma_start3A_30 : memref<4096xf32, #tpu.memory_space<hbm>>) target(%arg8 : memref<4096xf32, #tpu.memory_space<vmem>>) target_semaphore(%arg16 : memref<!tpu.dma_semaphore, #tpu.memory_space<semaphore_mem>>)
    %scan3A = arith.constant 0 : i32
    %scan3A_31 = arith.constant 0 : i32
    %scan3A_32 = arith.constant 4 : i32
    %scan3A_33 = arith.addi %scan3A_31, %scan3A_32 : i32
    %scan3A_34 = arith.constant 1 : i32
    scf.for %scan3A_43 = %scan3A_31 to %scan3A_33 step %scan3A_34  : i32 {
      %mul3A_44 = arith.constant 2 : i32
      %mul3A_45 = arith.muli %mul3A_44, %scan3A_43 : i32
      %add3A_46 = arith.constant 1 : i32
      %add3A_47 = arith.addi %mul3A_45, %add3A_46 : i32
      %min3A_48 = arith.constant 7 : i32
      %min3A_49 = arith.minsi %add3A_47, %min3A_48 : i32
      %mul3A_50 = arith.constant 4096 : i32
      %mul3A_51 = arith.muli %min3A_49, %mul3A_50 : i32
      %add3A_52 = arith.addi %mul3A_8, %mul3A_51 : i32
      %dma_start3A_53 = tpu.memref_slice %arg2[%add3A_52] : memref<1048576xf32, #tpu.memory_space<hbm>> -> memref<4096xf32, #tpu.memory_space<hbm>>
      %dma_start3A_54 = tpu.memref_slice %arg2[%add3A_52] : memref<1048576xf32, #tpu.memory_space<hbm>> -> memref<4096xf32, #tpu.memory_space<hbm>>
      tpu.enqueue_dma source(%dma_start3A_54 : memref<4096xf32, #tpu.memory_space<hbm>>) target(%arg9 : memref<4096xf32, #tpu.memory_space<vmem>>) target_semaphore(%arg17 : memref<!tpu.dma_semaphore, #tpu.memory_space<semaphore_mem>>)
      %dma_wait3A_55 = arith.constant 0 : i32
      %dma_wait3A_56 = tpu.memref_slice %arg2[%dma_wait3A_55] : memref<1048576xf32, #tpu.memory_space<hbm>> -> memref<4096xf32, #tpu.memory_space<hbm>>
      %dma_wait3A_57 = arith.constant 0 : i32
      %dma_wait3A_58 = tpu.memref_slice %arg2[%dma_wait3A_57] : memref<1048576xf32, #tpu.memory_space<hbm>> -> memref<4096xf32, #tpu.memory_space<hbm>>
      tpu.wait_dma2 semaphore(%arg16 : memref<!tpu.dma_semaphore, #tpu.memory_space<semaphore_mem>>) src(%dma_wait3A_58 : memref<4096xf32, #tpu.memory_space<hbm>>) dst(%arg8 : memref<4096xf32, #tpu.memory_space<vmem>>)
      %mul3A_59 = arith.constant 2 : i32
      %mul3A_60 = arith.muli %mul3A_59, %scan3A_43 : i32
      %mul3A_61 = arith.constant 4096 : i32
      %mul3A_62 = arith.muli %mul3A_60, %mul3A_61 : i32
      %add3A_63 = arith.addi %mul3A_8, %mul3A_62 : i32
      %broadcast_in_dim3A_64 = arith.constant 0.000000e+00 : f32
      %broadcast_in_dim3A_65 = vector.broadcast %broadcast_in_dim3A_64 : f32 to vector<16xf32>
      %scan3A_66 = arith.constant 0 : i32
      %scan3A_67 = arith.constant 64 : i32
      %scan3A_68 = arith.addi %scan3A_66, %scan3A_67 : i32
      %scan3A_69 = arith.constant 1 : i32
      %scan3A_70 = scf.for %scan3A_118 = %scan3A_66 to %scan3A_68 step %scan3A_69 iter_args(%scan3A_119 = %broadcast_in_dim3A_65) -> (vector<16xf32>)  : i32 {
        %mul3A_120 = arith.constant 64 : i32
        %mul3A_121 = arith.muli %scan3A_118, %mul3A_120 : i32
        %add3A_122 = arith.constant 0 : i32
        %add3A_123 = arith.addi %mul3A_121, %add3A_122 : i32
        %get3A_124 = arith.index_cast %add3A_123 : i32 to index
        %get3A_125 = tpu.vector_load %arg8[%get3A_124] {strides = array<i32>} : memref<4096xf32, #tpu.memory_space<vmem>>, vector<16xf32>,
        %get3A_126 = vector.shape_cast %get3A_125 : vector<16xf32> to vector<16xf32>
        %bitcast_convert_type3A = tpu.bitcast %get3A_126 : vector<16xf32> -> vector<16xi32>
        %shift_right_logical3A = arith.constant 16 : i32
        %shift_right_logical3A_127 = vector.broadcast %shift_right_logical3A : i32 to vector<16xi32>
        %shift_right_logical3A_128 = arith.shrui %bitcast_convert_type3A, %shift_right_logical3A_127 : vector<16xi32>
        %and3A_129 = arith.constant 65535 : i32
        %and3A_130 = vector.broadcast %and3A_129 : i32 to vector<16xi32>
        %and3A_131 = arith.andi %bitcast_convert_type3A, %and3A_130 : vector<16xi32>
        %eq3A_132 = arith.cmpi eq, %shift_right_logical3A_128, %get3A_4 : vector<16xi32>
        %or3A = arith.ori %lt3A_6, %eq3A_132 : vector<16xi1>
        %add3A_133 = arith.addi %add3A_63, %add3A_123 : i32
        %add3A_134 = vector.broadcast %add3A_133 : i32 to vector<16xi32>
        %add3A_135 = arith.addi %add3A_134, %iota3A : vector<16xi32>
        %and3A_136 = arith.constant 65535 : i32
        %and3A_137 = vector.broadcast %and3A_136 : i32 to vector<16xi32>
        %and3A_138 = arith.andi %add3A_135, %and3A_137 : vector<16xi32>
        %select_n3A_139 = arith.select %lt3A_6, %shift_right_logical3A_128, %and3A_131 : vector<16xi1>, vector<16xi32>
        %select_n3A_140 = arith.select %or3A, %select_n3A_139, %and3A_138 : vector<16xi1>, vector<16xi32>
        %add3A_141 = vector.broadcast %mul3A_20 : i32 to vector<16xi32>
        %add3A_142 = arith.addi %select_n3A_140, %add3A_141 : vector<16xi32>
        %swap3A_143 = arith.index_cast %add3A_123 : i32 to index
        %swap3A_144 = tpu.vector_load %arg10[%swap3A_143] {strides = array<i32>} : memref<4096xi32, #tpu.memory_space<vmem>>, vector<16xi32>,
        %swap3A_145 = vector.shape_cast %swap3A_144 : vector<16xi32> to vector<16xi32>
        %swap3A_146 = vector.shape_cast %add3A_142 : vector<16xi32> to vector<16xi32>
        tpu.vector_store %arg10[%swap3A_143], %swap3A_146 {strides = array<i32>} : memref<4096xi32, #tpu.memory_space<vmem>>, vector<16xi32>,
        %jit3A_147 = arith.constant 1.000000e+00 : f32
        %jit3A_148 = arith.constant 0.000000e+00 : f32
        %broadcast_in_dim3A_149 = vector.broadcast %jit3A_147 : f32 to vector<16xf32>
        %broadcast_in_dim3A_150 = vector.broadcast %jit3A_148 : f32 to vector<16xf32>
        %select_n3A_151 = arith.select %or3A, %broadcast_in_dim3A_149, %broadcast_in_dim3A_150 : vector<16xi1>, vector<16xf32>
        %swap3A_152 = arith.index_cast %add3A_123 : i32 to index
        %swap3A_153 = tpu.vector_load %arg12[%swap3A_152] {strides = array<i32>} : memref<4096xf32, #tpu.memory_space<vmem>>, vector<16xf32>,
        %swap3A_154 = vector.shape_cast %swap3A_153 : vector<16xf32> to vector<16xf32>
        %swap3A_155 = vector.shape_cast %select_n3A_151 : vector<16xf32> to vector<16xf32>
        tpu.vector_store %arg12[%swap3A_152], %swap3A_155 {strides = array<i32>} : memref<4096xf32, #tpu.memory_space<vmem>>, vector<16xf32>,
        %gt3A = arith.cmpi sgt, %shift_right_logical3A_128, %get3A_4 : vector<16xi32>
        %jit3A_156 = arith.constant 0.000000e+00 : f32
        %broadcast_in_dim3A_157 = vector.broadcast %jit3A_156 : f32 to vector<16xf32>
        %select_n3A_158 = arith.select %gt3A, %get3A_126, %broadcast_in_dim3A_157 : vector<16xi1>, vector<16xf32>
        %add3A_159 = arith.addf %scan3A_119, %select_n3A_158 : vector<16xf32>
        %mul3A_160 = arith.constant 64 : i32
        %mul3A_161 = arith.muli %scan3A_118, %mul3A_160 : i32
        %add3A_162 = arith.constant 16 : i32
        %add3A_163 = arith.addi %mul3A_161, %add3A_162 : i32
        %get3A_164 = arith.index_cast %add3A_163 : i32 to index
        %get3A_165 = tpu.vector_load %arg8[%get3A_164] {strides = array<i32>} : memref<4096xf32, #tpu.memory_space<vmem>>, vector<16xf32>,
        %get3A_166 = vector.shape_cast %get3A_165 : vector<16xf32> to vector<16xf32>
        %bitcast_convert_type3A_167 = tpu.bitcast %get3A_166 : vector<16xf32> -> vector<16xi32>
        %shift_right_logical3A_168 = arith.constant 16 : i32
        %shift_right_logical3A_169 = vector.broadcast %shift_right_logical3A_168 : i32 to vector<16xi32>
        %shift_right_logical3A_170 = arith.shrui %bitcast_convert_type3A_167, %shift_right_logical3A_169 : vector<16xi32>
        %and3A_171 = arith.constant 65535 : i32
        %and3A_172 = vector.broadcast %and3A_171 : i32 to vector<16xi32>
        %and3A_173 = arith.andi %bitcast_convert_type3A_167, %and3A_172 : vector<16xi32>
        %eq3A_174 = arith.cmpi eq, %shift_right_logical3A_170, %get3A_4 : vector<16xi32>
        %or3A_175 = arith.ori %lt3A_6, %eq3A_174 : vector<16xi1>
        %add3A_176 = arith.addi %add3A_63, %add3A_163 : i32
        %add3A_177 = vector.broadcast %add3A_176 : i32 to vector<16xi32>
        %add3A_178 = arith.addi %add3A_177, %iota3A : vector<16xi32>
        %and3A_179 = arith.constant 65535 : i32
        %and3A_180 = vector.broadcast %and3A_179 : i32 to vector<16xi32>
        %and3A_181 = arith.andi %add3A_178, %and3A_180 : vector<16xi32>
        %select_n3A_182 = arith.select %lt3A_6, %shift_right_logical3A_170, %and3A_173 : vector<16xi1>, vector<16xi32>
        %select_n3A_183 = arith.select %or3A_175, %select_n3A_182, %and3A_181 : vector<16xi1>, vector<16xi32>
        %add3A_184 = vector.broadcast %mul3A_20 : i32 to vector<16xi32>
        %add3A_185 = arith.addi %select_n3A_183, %add3A_184 : vector<16xi32>
        %swap3A_186 = arith.index_cast %add3A_163 : i32 to index
        %swap3A_187 = tpu.vector_load %arg10[%swap3A_186] {strides = array<i32>} : memref<4096xi32, #tpu.memory_space<vmem>>, vector<16xi32>,
        %swap3A_188 = vector.shape_cast %swap3A_187 : vector<16xi32> to vector<16xi32>
        %swap3A_189 = vector.shape_cast %add3A_185 : vector<16xi32> to vector<16xi32>
        tpu.vector_store %arg10[%swap3A_186], %swap3A_189 {strides = array<i32>} : memref<4096xi32, #tpu.memory_space<vmem>>, vector<16xi32>,
        %jit3A_190 = arith.constant 1.000000e+00 : f32
        %jit3A_191 = arith.constant 0.000000e+00 : f32
        %broadcast_in_dim3A_192 = vector.broadcast %jit3A_190 : f32 to vector<16xf32>
        %broadcast_in_dim3A_193 = vector.broadcast %jit3A_191 : f32 to vector<16xf32>
        %select_n3A_194 = arith.select %or3A_175, %broadcast_in_dim3A_192, %broadcast_in_dim3A_193 : vector<16xi1>, vector<16xf32>
        %swap3A_195 = arith.index_cast %add3A_163 : i32 to index
        %swap3A_196 = tpu.vector_load %arg12[%swap3A_195] {strides = array<i32>} : memref<4096xf32, #tpu.memory_space<vmem>>, vector<16xf32>,
        %swap3A_197 = vector.shape_cast %swap3A_196 : vector<16xf32> to vector<16xf32>
        %swap3A_198 = vector.shape_cast %select_n3A_194 : vector<16xf32> to vector<16xf32>
        tpu.vector_store %arg12[%swap3A_195], %swap3A_198 {strides = array<i32>} : memref<4096xf32, #tpu.memory_space<vmem>>, vector<16xf32>,
        %gt3A_199 = arith.cmpi sgt, %shift_right_logical3A_170, %get3A_4 : vector<16xi32>
        %jit3A_200 = arith.constant 0.000000e+00 : f32
        %broadcast_in_dim3A_201 = vector.broadcast %jit3A_200 : f32 to vector<16xf32>
        %select_n3A_202 = arith.select %gt3A_199, %get3A_166, %broadcast_in_dim3A_201 : vector<16xi1>, vector<16xf32>
        %add3A_203 = arith.addf %add3A_159, %select_n3A_202 : vector<16xf32>
        %mul3A_204 = arith.constant 64 : i32
        %mul3A_205 = arith.muli %scan3A_118, %mul3A_204 : i32
        %add3A_206 = arith.constant 32 : i32
        %add3A_207 = arith.addi %mul3A_205, %add3A_206 : i32
        %get3A_208 = arith.index_cast %add3A_207 : i32 to index
        %get3A_209 = tpu.vector_load %arg8[%get3A_208] {strides = array<i32>} : memref<4096xf32, #tpu.memory_space<vmem>>, vector<16xf32>,
        %get3A_210 = vector.shape_cast %get3A_209 : vector<16xf32> to vector<16xf32>
        %bitcast_convert_type3A_211 = tpu.bitcast %get3A_210 : vector<16xf32> -> vector<16xi32>
        %shift_right_logical3A_212 = arith.constant 16 : i32
        %shift_right_logical3A_213 = vector.broadcast %shift_right_logical3A_212 : i32 to vector<16xi32>
        %shift_right_logical3A_214 = arith.shrui %bitcast_convert_type3A_211, %shift_right_logical3A_213 : vector<16xi32>
        %and3A_215 = arith.constant 65535 : i32
        %and3A_216 = vector.broadcast %and3A_215 : i32 to vector<16xi32>
        %and3A_217 = arith.andi %bitcast_convert_type3A_211, %and3A_216 : vector<16xi32>
        %eq3A_218 = arith.cmpi eq, %shift_right_logical3A_214, %get3A_4 : vector<16xi32>
        %or3A_219 = arith.ori %lt3A_6, %eq3A_218 : vector<16xi1>
        %add3A_220 = arith.addi %add3A_63, %add3A_207 : i32
        %add3A_221 = vector.broadcast %add3A_220 : i32 to vector<16xi32>
        %add3A_222 = arith.addi %add3A_221, %iota3A : vector<16xi32>
        %and3A_223 = arith.constant 65535 : i32
        %and3A_224 = vector.broadcast %and3A_223 : i32 to vector<16xi32>
        %and3A_225 = arith.andi %add3A_222, %and3A_224 : vector<16xi32>
        %select_n3A_226 = arith.select %lt3A_6, %shift_right_logical3A_214, %and3A_217 : vector<16xi1>, vector<16xi32>
        %select_n3A_227 = arith.select %or3A_219, %select_n3A_226, %and3A_225 : vector<16xi1>, vector<16xi32>
        %add3A_228 = vector.broadcast %mul3A_20 : i32 to vector<16xi32>
        %add3A_229 = arith.addi %select_n3A_227, %add3A_228 : vector<16xi32>
        %swap3A_230 = arith.index_cast %add3A_207 : i32 to index
        %swap3A_231 = tpu.vector_load %arg10[%swap3A_230] {strides = array<i32>} : memref<4096xi32, #tpu.memory_space<vmem>>, vector<16xi32>,
        %swap3A_232 = vector.shape_cast %swap3A_231 : vector<16xi32> to vector<16xi32>
        %swap3A_233 = vector.shape_cast %add3A_229 : vector<16xi32> to vector<16xi32>
        tpu.vector_store %arg10[%swap3A_230], %swap3A_233 {strides = array<i32>} : memref<4096xi32, #tpu.memory_space<vmem>>, vector<16xi32>,
        %jit3A_234 = arith.constant 1.000000e+00 : f32
        %jit3A_235 = arith.constant 0.000000e+00 : f32
        %broadcast_in_dim3A_236 = vector.broadcast %jit3A_234 : f32 to vector<16xf32>
        %broadcast_in_dim3A_237 = vector.broadcast %jit3A_235 : f32 to vector<16xf32>
        %select_n3A_238 = arith.select %or3A_219, %broadcast_in_dim3A_236, %broadcast_in_dim3A_237 : vector<16xi1>, vector<16xf32>
        %swap3A_239 = arith.index_cast %add3A_207 : i32 to index
        %swap3A_240 = tpu.vector_load %arg12[%swap3A_239] {strides = array<i32>} : memref<4096xf32, #tpu.memory_space<vmem>>, vector<16xf32>,
        %swap3A_241 = vector.shape_cast %swap3A_240 : vector<16xf32> to vector<16xf32>
        %swap3A_242 = vector.shape_cast %select_n3A_238 : vector<16xf32> to vector<16xf32>
        tpu.vector_store %arg12[%swap3A_239], %swap3A_242 {strides = array<i32>} : memref<4096xf32, #tpu.memory_space<vmem>>, vector<16xf32>,
        %gt3A_243 = arith.cmpi sgt, %shift_right_logical3A_214, %get3A_4 : vector<16xi32>
        %jit3A_244 = arith.constant 0.000000e+00 : f32
        %broadcast_in_dim3A_245 = vector.broadcast %jit3A_244 : f32 to vector<16xf32>
        %select_n3A_246 = arith.select %gt3A_243, %get3A_210, %broadcast_in_dim3A_245 : vector<16xi1>, vector<16xf32>
        %add3A_247 = arith.addf %add3A_203, %select_n3A_246 : vector<16xf32>
        %mul3A_248 = arith.constant 64 : i32
        %mul3A_249 = arith.muli %scan3A_118, %mul3A_248 : i32
        %add3A_250 = arith.constant 48 : i32
        %add3A_251 = arith.addi %mul3A_249, %add3A_250 : i32
        %get3A_252 = arith.index_cast %add3A_251 : i32 to index
        %get3A_253 = tpu.vector_load %arg8[%get3A_252] {strides = array<i32>} : memref<4096xf32, #tpu.memory_space<vmem>>, vector<16xf32>,
        %get3A_254 = vector.shape_cast %get3A_253 : vector<16xf32> to vector<16xf32>
        %bitcast_convert_type3A_255 = tpu.bitcast %get3A_254 : vector<16xf32> -> vector<16xi32>
        %shift_right_logical3A_256 = arith.constant 16 : i32
        %shift_right_logical3A_257 = vector.broadcast %shift_right_logical3A_256 : i32 to vector<16xi32>
        %shift_right_logical3A_258 = arith.shrui %bitcast_convert_type3A_255, %shift_right_logical3A_257 : vector<16xi32>
        %and3A_259 = arith.constant 65535 : i32
        %and3A_260 = vector.broadcast %and3A_259 : i32 to vector<16xi32>
        %and3A_261 = arith.andi %bitcast_convert_type3A_255, %and3A_260 : vector<16xi32>
        %eq3A_262 = arith.cmpi eq, %shift_right_logical3A_258, %get3A_4 : vector<16xi32>
        %or3A_263 = arith.ori %lt3A_6, %eq3A_262 : vector<16xi1>
        %add3A_264 = arith.addi %add3A_63, %add3A_251 : i32
        %add3A_265 = vector.broadcast %add3A_264 : i32 to vector<16xi32>
        %add3A_266 = arith.addi %add3A_265, %iota3A : vector<16xi32>
        %and3A_267 = arith.constant 65535 : i32
        %and3A_268 = vector.broadcast %and3A_267 : i32 to vector<16xi32>
        %and3A_269 = arith.andi %add3A_266, %and3A_268 : vector<16xi32>
        %select_n3A_270 = arith.select %lt3A_6, %shift_right_logical3A_258, %and3A_261 : vector<16xi1>, vector<16xi32>
        %select_n3A_271 = arith.select %or3A_263, %select_n3A_270, %and3A_269 : vector<16xi1>, vector<16xi32>
        %add3A_272 = vector.broadcast %mul3A_20 : i32 to vector<16xi32>
        %add3A_273 = arith.addi %select_n3A_271, %add3A_272 : vector<16xi32>
        %swap3A_274 = arith.index_cast %add3A_251 : i32 to index
        %swap3A_275 = tpu.vector_load %arg10[%swap3A_274] {strides = array<i32>} : memref<4096xi32, #tpu.memory_space<vmem>>, vector<16xi32>,
        %swap3A_276 = vector.shape_cast %swap3A_275 : vector<16xi32> to vector<16xi32>
        %swap3A_277 = vector.shape_cast %add3A_273 : vector<16xi32> to vector<16xi32>
        tpu.vector_store %arg10[%swap3A_274], %swap3A_277 {strides = array<i32>} : memref<4096xi32, #tpu.memory_space<vmem>>, vector<16xi32>,
        %jit3A_278 = arith.constant 1.000000e+00 : f32
        %jit3A_279 = arith.constant 0.000000e+00 : f32
        %broadcast_in_dim3A_280 = vector.broadcast %jit3A_278 : f32 to vector<16xf32>
        %broadcast_in_dim3A_281 = vector.broadcast %jit3A_279 : f32 to vector<16xf32>
        %select_n3A_282 = arith.select %or3A_263, %broadcast_in_dim3A_280, %broadcast_in_dim3A_281 : vector<16xi1>, vector<16xf32>
        %swap3A_283 = arith.index_cast %add3A_251 : i32 to index
        %swap3A_284 = tpu.vector_load %arg12[%swap3A_283] {strides = array<i32>} : memref<4096xf32, #tpu.memory_space<vmem>>, vector<16xf32>,
        %swap3A_285 = vector.shape_cast %swap3A_284 : vector<16xf32> to vector<16xf32>
        %swap3A_286 = vector.shape_cast %select_n3A_282 : vector<16xf32> to vector<16xf32>
        tpu.vector_store %arg12[%swap3A_283], %swap3A_286 {strides = array<i32>} : memref<4096xf32, #tpu.memory_space<vmem>>, vector<16xf32>,
        %gt3A_287 = arith.cmpi sgt, %shift_right_logical3A_258, %get3A_4 : vector<16xi32>
        %jit3A_288 = arith.constant 0.000000e+00 : f32
        %broadcast_in_dim3A_289 = vector.broadcast %jit3A_288 : f32 to vector<16xf32>
        %select_n3A_290 = arith.select %gt3A_287, %get3A_254, %broadcast_in_dim3A_289 : vector<16xi1>, vector<16xf32>
        %add3A_291 = arith.addf %add3A_247, %select_n3A_290 : vector<16xf32>
        scf.yield %add3A_291 : vector<16xf32>
      }
      %scan3A_71 = arith.constant 64 : i32
      %get3A_72 = arith.constant 0 : index
      %get3A_73 = tpu.vector_load %arg14[%get3A_72] {strides = array<i32>} : memref<16xf32, #tpu.memory_space<vmem>>, vector<16xf32>,
      %get3A_74 = vector.shape_cast %get3A_73 : vector<16xf32> to vector<16xf32>
      %add3A_75 = arith.addf %get3A_74, %scan3A_70 : vector<16xf32>
      %swap3A_76 = arith.constant 0 : index
      %swap3A_77 = tpu.vector_load %arg14[%swap3A_76] {strides = array<i32>} : memref<16xf32, #tpu.memory_space<vmem>>, vector<16xf32>,
      %swap3A_78 = vector.shape_cast %swap3A_77 : vector<16xf32> to vector<16xf32>
      %swap3A_79 = vector.shape_cast %add3A_75 : vector<16xf32> to vector<16xf32>
      tpu.vector_store %arg14[%swap3A_76], %swap3A_79 {strides = array<i32>} : memref<16xf32, #tpu.memory_space<vmem>>, vector<16xf32>,
      "tpu.region"() ({
        %run_scoped3A = tpu.sem_alloc : memref<!tpu.dma_semaphore, #tpu.memory_space<semaphore_mem>>
        %dma_start3A_118 = arith.constant 0 : i32
        %dma_start3A_119 = tpu.memref_slice %arg15[%dma_start3A_118] : memref<65536xf32, #tpu.memory_space<vmem_shared>> -> memref<65536xf32, #tpu.memory_space<vmem_shared>>
        tpu.enqueue_indirect_dma source(%arg12 : memref<4096xf32, #tpu.memory_space<vmem>>) target(%dma_start3A_119 : memref<65536xf32, #tpu.memory_space<vmem_shared>>) offsets(%arg10 : memref<4096xi32, #tpu.memory_space<vmem>>) semaphore(%run_scoped3A : memref<!tpu.dma_semaphore, #tpu.memory_space<semaphore_mem>>) {add = true}
        %dma_wait3A_120 = arith.constant 0 : i32
        %dma_wait3A_121 = tpu.memref_slice %arg15[%dma_wait3A_120] : memref<65536xf32, #tpu.memory_space<vmem_shared>> -> memref<65536xf32, #tpu.memory_space<vmem_shared>>
        tpu.wait_indirect_dma semaphore(%run_scoped3A : memref<!tpu.dma_semaphore, #tpu.memory_space<semaphore_mem>>) src(%arg12 : memref<4096xf32, #tpu.memory_space<vmem>>) dst(%dma_wait3A_121 : memref<65536xf32, #tpu.memory_space<vmem_shared>>)
        tpu.yield
      }) : () -> ()
      %mul3A_80 = arith.constant 2 : i32
      %mul3A_81 = arith.muli %mul3A_80, %scan3A_43 : i32
      %add3A_82 = arith.constant 2 : i32
      %add3A_83 = arith.addi %mul3A_81, %add3A_82 : i32
      %min3A_84 = arith.constant 7 : i32
      %min3A_85 = arith.minsi %add3A_83, %min3A_84 : i32
      %mul3A_86 = arith.constant 4096 : i32
      %mul3A_87 = arith.muli %min3A_85, %mul3A_86 : i32
      %add3A_88 = arith.addi %mul3A_8, %mul3A_87 : i32
      %dma_start3A_89 = tpu.memref_slice %arg2[%add3A_88] : memref<1048576xf32, #tpu.memory_space<hbm>> -> memref<4096xf32, #tpu.memory_space<hbm>>
      %dma_start3A_90 = tpu.memref_slice %arg2[%add3A_88] : memref<1048576xf32, #tpu.memory_space<hbm>> -> memref<4096xf32, #tpu.memory_space<hbm>>
      tpu.enqueue_dma source(%dma_start3A_90 : memref<4096xf32, #tpu.memory_space<hbm>>) target(%arg8 : memref<4096xf32, #tpu.memory_space<vmem>>) target_semaphore(%arg16 : memref<!tpu.dma_semaphore, #tpu.memory_space<semaphore_mem>>)
      %dma_wait3A_91 = arith.constant 0 : i32
      %dma_wait3A_92 = tpu.memref_slice %arg2[%dma_wait3A_91] : memref<1048576xf32, #tpu.memory_space<hbm>> -> memref<4096xf32, #tpu.memory_space<hbm>>
      %dma_wait3A_93 = arith.constant 0 : i32
      %dma_wait3A_94 = tpu.memref_slice %arg2[%dma_wait3A_93] : memref<1048576xf32, #tpu.memory_space<hbm>> -> memref<4096xf32, #tpu.memory_space<hbm>>
      tpu.wait_dma2 semaphore(%arg17 : memref<!tpu.dma_semaphore, #tpu.memory_space<semaphore_mem>>) src(%dma_wait3A_94 : memref<4096xf32, #tpu.memory_space<hbm>>) dst(%arg9 : memref<4096xf32, #tpu.memory_space<vmem>>)
      %mul3A_95 = arith.constant 2 : i32
      %mul3A_96 = arith.muli %mul3A_95, %scan3A_43 : i32
      %add3A_97 = arith.constant 1 : i32
      %add3A_98 = arith.addi %mul3A_96, %add3A_97 : i32
      %mul3A_99 = arith.constant 4096 : i32
      %mul3A_100 = arith.muli %add3A_98, %mul3A_99 : i32
      %add3A_101 = arith.addi %mul3A_8, %mul3A_100 : i32
      %broadcast_in_dim3A_102 = arith.constant 0.000000e+00 : f32
      %broadcast_in_dim3A_103 = vector.broadcast %broadcast_in_dim3A_102 : f32 to vector<16xf32>
      %scan3A_104 = arith.constant 0 : i32
      %scan3A_105 = arith.constant 64 : i32
      %scan3A_106 = arith.addi %scan3A_104, %scan3A_105 : i32
      %scan3A_107 = arith.constant 1 : i32
      %scan3A_108 = scf.for %scan3A_118 = %scan3A_104 to %scan3A_106 step %scan3A_107 iter_args(%scan3A_119 = %broadcast_in_dim3A_103) -> (vector<16xf32>)  : i32 {
        %mul3A_120 = arith.constant 64 : i32
        %mul3A_121 = arith.muli %scan3A_118, %mul3A_120 : i32
        %add3A_122 = arith.constant 0 : i32
        %add3A_123 = arith.addi %mul3A_121, %add3A_122 : i32
        %get3A_124 = arith.index_cast %add3A_123 : i32 to index
        %get3A_125 = tpu.vector_load %arg9[%get3A_124] {strides = array<i32>} : memref<4096xf32, #tpu.memory_space<vmem>>, vector<16xf32>,
        %get3A_126 = vector.shape_cast %get3A_125 : vector<16xf32> to vector<16xf32>
        %bitcast_convert_type3A = tpu.bitcast %get3A_126 : vector<16xf32> -> vector<16xi32>
        %shift_right_logical3A = arith.constant 16 : i32
        %shift_right_logical3A_127 = vector.broadcast %shift_right_logical3A : i32 to vector<16xi32>
        %shift_right_logical3A_128 = arith.shrui %bitcast_convert_type3A, %shift_right_logical3A_127 : vector<16xi32>
        %and3A_129 = arith.constant 65535 : i32
        %and3A_130 = vector.broadcast %and3A_129 : i32 to vector<16xi32>
        %and3A_131 = arith.andi %bitcast_convert_type3A, %and3A_130 : vector<16xi32>
        %eq3A_132 = arith.cmpi eq, %shift_right_logical3A_128, %get3A_4 : vector<16xi32>
        %or3A = arith.ori %lt3A_6, %eq3A_132 : vector<16xi1>
        %add3A_133 = arith.addi %add3A_101, %add3A_123 : i32
        %add3A_134 = vector.broadcast %add3A_133 : i32 to vector<16xi32>
        %add3A_135 = arith.addi %add3A_134, %iota3A : vector<16xi32>
        %and3A_136 = arith.constant 65535 : i32
        %and3A_137 = vector.broadcast %and3A_136 : i32 to vector<16xi32>
        %and3A_138 = arith.andi %add3A_135, %and3A_137 : vector<16xi32>
        %select_n3A_139 = arith.select %lt3A_6, %shift_right_logical3A_128, %and3A_131 : vector<16xi1>, vector<16xi32>
        %select_n3A_140 = arith.select %or3A, %select_n3A_139, %and3A_138 : vector<16xi1>, vector<16xi32>
        %add3A_141 = vector.broadcast %mul3A_20 : i32 to vector<16xi32>
        %add3A_142 = arith.addi %select_n3A_140, %add3A_141 : vector<16xi32>
        %swap3A_143 = arith.index_cast %add3A_123 : i32 to index
        %swap3A_144 = tpu.vector_load %arg11[%swap3A_143] {strides = array<i32>} : memref<4096xi32, #tpu.memory_space<vmem>>, vector<16xi32>,
        %swap3A_145 = vector.shape_cast %swap3A_144 : vector<16xi32> to vector<16xi32>
        %swap3A_146 = vector.shape_cast %add3A_142 : vector<16xi32> to vector<16xi32>
        tpu.vector_store %arg11[%swap3A_143], %swap3A_146 {strides = array<i32>} : memref<4096xi32, #tpu.memory_space<vmem>>, vector<16xi32>,
        %jit3A_147 = arith.constant 1.000000e+00 : f32
        %jit3A_148 = arith.constant 0.000000e+00 : f32
        %broadcast_in_dim3A_149 = vector.broadcast %jit3A_147 : f32 to vector<16xf32>
        %broadcast_in_dim3A_150 = vector.broadcast %jit3A_148 : f32 to vector<16xf32>
        %select_n3A_151 = arith.select %or3A, %broadcast_in_dim3A_149, %broadcast_in_dim3A_150 : vector<16xi1>, vector<16xf32>
        %swap3A_152 = arith.index_cast %add3A_123 : i32 to index
        %swap3A_153 = tpu.vector_load %arg13[%swap3A_152] {strides = array<i32>} : memref<4096xf32, #tpu.memory_space<vmem>>, vector<16xf32>,
        %swap3A_154 = vector.shape_cast %swap3A_153 : vector<16xf32> to vector<16xf32>
        %swap3A_155 = vector.shape_cast %select_n3A_151 : vector<16xf32> to vector<16xf32>
        tpu.vector_store %arg13[%swap3A_152], %swap3A_155 {strides = array<i32>} : memref<4096xf32, #tpu.memory_space<vmem>>, vector<16xf32>,
        %gt3A = arith.cmpi sgt, %shift_right_logical3A_128, %get3A_4 : vector<16xi32>
        %jit3A_156 = arith.constant 0.000000e+00 : f32
        %broadcast_in_dim3A_157 = vector.broadcast %jit3A_156 : f32 to vector<16xf32>
        %select_n3A_158 = arith.select %gt3A, %get3A_126, %broadcast_in_dim3A_157 : vector<16xi1>, vector<16xf32>
        %add3A_159 = arith.addf %scan3A_119, %select_n3A_158 : vector<16xf32>
        %mul3A_160 = arith.constant 64 : i32
        %mul3A_161 = arith.muli %scan3A_118, %mul3A_160 : i32
        %add3A_162 = arith.constant 16 : i32
        %add3A_163 = arith.addi %mul3A_161, %add3A_162 : i32
        %get3A_164 = arith.index_cast %add3A_163 : i32 to index
        %get3A_165 = tpu.vector_load %arg9[%get3A_164] {strides = array<i32>} : memref<4096xf32, #tpu.memory_space<vmem>>, vector<16xf32>,
        %get3A_166 = vector.shape_cast %get3A_165 : vector<16xf32> to vector<16xf32>
        %bitcast_convert_type3A_167 = tpu.bitcast %get3A_166 : vector<16xf32> -> vector<16xi32>
        %shift_right_logical3A_168 = arith.constant 16 : i32
        %shift_right_logical3A_169 = vector.broadcast %shift_right_logical3A_168 : i32 to vector<16xi32>
        %shift_right_logical3A_170 = arith.shrui %bitcast_convert_type3A_167, %shift_right_logical3A_169 : vector<16xi32>
        %and3A_171 = arith.constant 65535 : i32
        %and3A_172 = vector.broadcast %and3A_171 : i32 to vector<16xi32>
        %and3A_173 = arith.andi %bitcast_convert_type3A_167, %and3A_172 : vector<16xi32>
        %eq3A_174 = arith.cmpi eq, %shift_right_logical3A_170, %get3A_4 : vector<16xi32>
        %or3A_175 = arith.ori %lt3A_6, %eq3A_174 : vector<16xi1>
        %add3A_176 = arith.addi %add3A_101, %add3A_163 : i32
        %add3A_177 = vector.broadcast %add3A_176 : i32 to vector<16xi32>
        %add3A_178 = arith.addi %add3A_177, %iota3A : vector<16xi32>
        %and3A_179 = arith.constant 65535 : i32
        %and3A_180 = vector.broadcast %and3A_179 : i32 to vector<16xi32>
        %and3A_181 = arith.andi %add3A_178, %and3A_180 : vector<16xi32>
        %select_n3A_182 = arith.select %lt3A_6, %shift_right_logical3A_170, %and3A_173 : vector<16xi1>, vector<16xi32>
        %select_n3A_183 = arith.select %or3A_175, %select_n3A_182, %and3A_181 : vector<16xi1>, vector<16xi32>
        %add3A_184 = vector.broadcast %mul3A_20 : i32 to vector<16xi32>
        %add3A_185 = arith.addi %select_n3A_183, %add3A_184 : vector<16xi32>
        %swap3A_186 = arith.index_cast %add3A_163 : i32 to index
        %swap3A_187 = tpu.vector_load %arg11[%swap3A_186] {strides = array<i32>} : memref<4096xi32, #tpu.memory_space<vmem>>, vector<16xi32>,
        %swap3A_188 = vector.shape_cast %swap3A_187 : vector<16xi32> to vector<16xi32>
        %swap3A_189 = vector.shape_cast %add3A_185 : vector<16xi32> to vector<16xi32>
        tpu.vector_store %arg11[%swap3A_186], %swap3A_189 {strides = array<i32>} : memref<4096xi32, #tpu.memory_space<vmem>>, vector<16xi32>,
        %jit3A_190 = arith.constant 1.000000e+00 : f32
        %jit3A_191 = arith.constant 0.000000e+00 : f32
        %broadcast_in_dim3A_192 = vector.broadcast %jit3A_190 : f32 to vector<16xf32>
        %broadcast_in_dim3A_193 = vector.broadcast %jit3A_191 : f32 to vector<16xf32>
        %select_n3A_194 = arith.select %or3A_175, %broadcast_in_dim3A_192, %broadcast_in_dim3A_193 : vector<16xi1>, vector<16xf32>
        %swap3A_195 = arith.index_cast %add3A_163 : i32 to index
        %swap3A_196 = tpu.vector_load %arg13[%swap3A_195] {strides = array<i32>} : memref<4096xf32, #tpu.memory_space<vmem>>, vector<16xf32>,
        %swap3A_197 = vector.shape_cast %swap3A_196 : vector<16xf32> to vector<16xf32>
        %swap3A_198 = vector.shape_cast %select_n3A_194 : vector<16xf32> to vector<16xf32>
        tpu.vector_store %arg13[%swap3A_195], %swap3A_198 {strides = array<i32>} : memref<4096xf32, #tpu.memory_space<vmem>>, vector<16xf32>,
        %gt3A_199 = arith.cmpi sgt, %shift_right_logical3A_170, %get3A_4 : vector<16xi32>
        %jit3A_200 = arith.constant 0.000000e+00 : f32
        %broadcast_in_dim3A_201 = vector.broadcast %jit3A_200 : f32 to vector<16xf32>
        %select_n3A_202 = arith.select %gt3A_199, %get3A_166, %broadcast_in_dim3A_201 : vector<16xi1>, vector<16xf32>
        %add3A_203 = arith.addf %add3A_159, %select_n3A_202 : vector<16xf32>
        %mul3A_204 = arith.constant 64 : i32
        %mul3A_205 = arith.muli %scan3A_118, %mul3A_204 : i32
        %add3A_206 = arith.constant 32 : i32
        %add3A_207 = arith.addi %mul3A_205, %add3A_206 : i32
        %get3A_208 = arith.index_cast %add3A_207 : i32 to index
        %get3A_209 = tpu.vector_load %arg9[%get3A_208] {strides = array<i32>} : memref<4096xf32, #tpu.memory_space<vmem>>, vector<16xf32>,
        %get3A_210 = vector.shape_cast %get3A_209 : vector<16xf32> to vector<16xf32>
        %bitcast_convert_type3A_211 = tpu.bitcast %get3A_210 : vector<16xf32> -> vector<16xi32>
        %shift_right_logical3A_212 = arith.constant 16 : i32
        %shift_right_logical3A_213 = vector.broadcast %shift_right_logical3A_212 : i32 to vector<16xi32>
        %shift_right_logical3A_214 = arith.shrui %bitcast_convert_type3A_211, %shift_right_logical3A_213 : vector<16xi32>
        %and3A_215 = arith.constant 65535 : i32
        %and3A_216 = vector.broadcast %and3A_215 : i32 to vector<16xi32>
        %and3A_217 = arith.andi %bitcast_convert_type3A_211, %and3A_216 : vector<16xi32>
        %eq3A_218 = arith.cmpi eq, %shift_right_logical3A_214, %get3A_4 : vector<16xi32>
        %or3A_219 = arith.ori %lt3A_6, %eq3A_218 : vector<16xi1>
        %add3A_220 = arith.addi %add3A_101, %add3A_207 : i32
        %add3A_221 = vector.broadcast %add3A_220 : i32 to vector<16xi32>
        %add3A_222 = arith.addi %add3A_221, %iota3A : vector<16xi32>
        %and3A_223 = arith.constant 65535 : i32
        %and3A_224 = vector.broadcast %and3A_223 : i32 to vector<16xi32>
        %and3A_225 = arith.andi %add3A_222, %and3A_224 : vector<16xi32>
        %select_n3A_226 = arith.select %lt3A_6, %shift_right_logical3A_214, %and3A_217 : vector<16xi1>, vector<16xi32>
        %select_n3A_227 = arith.select %or3A_219, %select_n3A_226, %and3A_225 : vector<16xi1>, vector<16xi32>
        %add3A_228 = vector.broadcast %mul3A_20 : i32 to vector<16xi32>
        %add3A_229 = arith.addi %select_n3A_227, %add3A_228 : vector<16xi32>
        %swap3A_230 = arith.index_cast %add3A_207 : i32 to index
        %swap3A_231 = tpu.vector_load %arg11[%swap3A_230] {strides = array<i32>} : memref<4096xi32, #tpu.memory_space<vmem>>, vector<16xi32>,
        %swap3A_232 = vector.shape_cast %swap3A_231 : vector<16xi32> to vector<16xi32>
        %swap3A_233 = vector.shape_cast %add3A_229 : vector<16xi32> to vector<16xi32>
        tpu.vector_store %arg11[%swap3A_230], %swap3A_233 {strides = array<i32>} : memref<4096xi32, #tpu.memory_space<vmem>>, vector<16xi32>,
        %jit3A_234 = arith.constant 1.000000e+00 : f32
        %jit3A_235 = arith.constant 0.000000e+00 : f32
        %broadcast_in_dim3A_236 = vector.broadcast %jit3A_234 : f32 to vector<16xf32>
        %broadcast_in_dim3A_237 = vector.broadcast %jit3A_235 : f32 to vector<16xf32>
        %select_n3A_238 = arith.select %or3A_219, %broadcast_in_dim3A_236, %broadcast_in_dim3A_237 : vector<16xi1>, vector<16xf32>
        %swap3A_239 = arith.index_cast %add3A_207 : i32 to index
        %swap3A_240 = tpu.vector_load %arg13[%swap3A_239] {strides = array<i32>} : memref<4096xf32, #tpu.memory_space<vmem>>, vector<16xf32>,
        %swap3A_241 = vector.shape_cast %swap3A_240 : vector<16xf32> to vector<16xf32>
        %swap3A_242 = vector.shape_cast %select_n3A_238 : vector<16xf32> to vector<16xf32>
        tpu.vector_store %arg13[%swap3A_239], %swap3A_242 {strides = array<i32>} : memref<4096xf32, #tpu.memory_space<vmem>>, vector<16xf32>,
        %gt3A_243 = arith.cmpi sgt, %shift_right_logical3A_214, %get3A_4 : vector<16xi32>
        %jit3A_244 = arith.constant 0.000000e+00 : f32
        %broadcast_in_dim3A_245 = vector.broadcast %jit3A_244 : f32 to vector<16xf32>
        %select_n3A_246 = arith.select %gt3A_243, %get3A_210, %broadcast_in_dim3A_245 : vector<16xi1>, vector<16xf32>
        %add3A_247 = arith.addf %add3A_203, %select_n3A_246 : vector<16xf32>
        %mul3A_248 = arith.constant 64 : i32
        %mul3A_249 = arith.muli %scan3A_118, %mul3A_248 : i32
        %add3A_250 = arith.constant 48 : i32
        %add3A_251 = arith.addi %mul3A_249, %add3A_250 : i32
        %get3A_252 = arith.index_cast %add3A_251 : i32 to index
        %get3A_253 = tpu.vector_load %arg9[%get3A_252] {strides = array<i32>} : memref<4096xf32, #tpu.memory_space<vmem>>, vector<16xf32>,
        %get3A_254 = vector.shape_cast %get3A_253 : vector<16xf32> to vector<16xf32>
        %bitcast_convert_type3A_255 = tpu.bitcast %get3A_254 : vector<16xf32> -> vector<16xi32>
        %shift_right_logical3A_256 = arith.constant 16 : i32
        %shift_right_logical3A_257 = vector.broadcast %shift_right_logical3A_256 : i32 to vector<16xi32>
        %shift_right_logical3A_258 = arith.shrui %bitcast_convert_type3A_255, %shift_right_logical3A_257 : vector<16xi32>
        %and3A_259 = arith.constant 65535 : i32
        %and3A_260 = vector.broadcast %and3A_259 : i32 to vector<16xi32>
        %and3A_261 = arith.andi %bitcast_convert_type3A_255, %and3A_260 : vector<16xi32>
        %eq3A_262 = arith.cmpi eq, %shift_right_logical3A_258, %get3A_4 : vector<16xi32>
        %or3A_263 = arith.ori %lt3A_6, %eq3A_262 : vector<16xi1>
        %add3A_264 = arith.addi %add3A_101, %add3A_251 : i32
        %add3A_265 = vector.broadcast %add3A_264 : i32 to vector<16xi32>
        %add3A_266 = arith.addi %add3A_265, %iota3A : vector<16xi32>
        %and3A_267 = arith.constant 65535 : i32
        %and3A_268 = vector.broadcast %and3A_267 : i32 to vector<16xi32>
        %and3A_269 = arith.andi %add3A_266, %and3A_268 : vector<16xi32>
        %select_n3A_270 = arith.select %lt3A_6, %shift_right_logical3A_258, %and3A_261 : vector<16xi1>, vector<16xi32>
        %select_n3A_271 = arith.select %or3A_263, %select_n3A_270, %and3A_269 : vector<16xi1>, vector<16xi32>
        %add3A_272 = vector.broadcast %mul3A_20 : i32 to vector<16xi32>
        %add3A_273 = arith.addi %select_n3A_271, %add3A_272 : vector<16xi32>
        %swap3A_274 = arith.index_cast %add3A_251 : i32 to index
        %swap3A_275 = tpu.vector_load %arg11[%swap3A_274] {strides = array<i32>} : memref<4096xi32, #tpu.memory_space<vmem>>, vector<16xi32>,
        %swap3A_276 = vector.shape_cast %swap3A_275 : vector<16xi32> to vector<16xi32>
        %swap3A_277 = vector.shape_cast %add3A_273 : vector<16xi32> to vector<16xi32>
        tpu.vector_store %arg11[%swap3A_274], %swap3A_277 {strides = array<i32>} : memref<4096xi32, #tpu.memory_space<vmem>>, vector<16xi32>,
        %jit3A_278 = arith.constant 1.000000e+00 : f32
        %jit3A_279 = arith.constant 0.000000e+00 : f32
        %broadcast_in_dim3A_280 = vector.broadcast %jit3A_278 : f32 to vector<16xf32>
        %broadcast_in_dim3A_281 = vector.broadcast %jit3A_279 : f32 to vector<16xf32>
        %select_n3A_282 = arith.select %or3A_263, %broadcast_in_dim3A_280, %broadcast_in_dim3A_281 : vector<16xi1>, vector<16xf32>
        %swap3A_283 = arith.index_cast %add3A_251 : i32 to index
        %swap3A_284 = tpu.vector_load %arg13[%swap3A_283] {strides = array<i32>} : memref<4096xf32, #tpu.memory_space<vmem>>, vector<16xf32>,
        %swap3A_285 = vector.shape_cast %swap3A_284 : vector<16xf32> to vector<16xf32>
        %swap3A_286 = vector.shape_cast %select_n3A_282 : vector<16xf32> to vector<16xf32>
        tpu.vector_store %arg13[%swap3A_283], %swap3A_286 {strides = array<i32>} : memref<4096xf32, #tpu.memory_space<vmem>>, vector<16xf32>,
        %gt3A_287 = arith.cmpi sgt, %shift_right_logical3A_258, %get3A_4 : vector<16xi32>
        %jit3A_288 = arith.constant 0.000000e+00 : f32
        %broadcast_in_dim3A_289 = vector.broadcast %jit3A_288 : f32 to vector<16xf32>
        %select_n3A_290 = arith.select %gt3A_287, %get3A_254, %broadcast_in_dim3A_289 : vector<16xi1>, vector<16xf32>
        %add3A_291 = arith.addf %add3A_247, %select_n3A_290 : vector<16xf32>
        scf.yield %add3A_291 : vector<16xf32>
      }
      %scan3A_109 = arith.constant 64 : i32
      %get3A_110 = arith.constant 0 : index
      %get3A_111 = tpu.vector_load %arg14[%get3A_110] {strides = array<i32>} : memref<16xf32, #tpu.memory_space<vmem>>, vector<16xf32>,
      %get3A_112 = vector.shape_cast %get3A_111 : vector<16xf32> to vector<16xf32>
      %add3A_113 = arith.addf %get3A_112, %scan3A_108 : vector<16xf32>
      %swap3A_114 = arith.constant 0 : index
      %swap3A_115 = tpu.vector_load %arg14[%swap3A_114] {strides = array<i32>} : memref<16xf32, #tpu.memory_space<vmem>>, vector<16xf32>,
      %swap3A_116 = vector.shape_cast %swap3A_115 : vector<16xf32> to vector<16xf32>
      %swap3A_117 = vector.shape_cast %add3A_113 : vector<16xf32> to vector<16xf32>
      tpu.vector_store %arg14[%swap3A_114], %swap3A_117 {strides = array<i32>} : memref<16xf32, #tpu.memory_space<vmem>>, vector<16xf32>,
      "tpu.region"() ({
        %run_scoped3A = tpu.sem_alloc : memref<!tpu.dma_semaphore, #tpu.memory_space<semaphore_mem>>
        %dma_start3A_118 = arith.constant 0 : i32
        %dma_start3A_119 = tpu.memref_slice %arg15[%dma_start3A_118] : memref<65536xf32, #tpu.memory_space<vmem_shared>> -> memref<65536xf32, #tpu.memory_space<vmem_shared>>
        tpu.enqueue_indirect_dma source(%arg13 : memref<4096xf32, #tpu.memory_space<vmem>>) target(%dma_start3A_119 : memref<65536xf32, #tpu.memory_space<vmem_shared>>) offsets(%arg11 : memref<4096xi32, #tpu.memory_space<vmem>>) semaphore(%run_scoped3A : memref<!tpu.dma_semaphore, #tpu.memory_space<semaphore_mem>>) {add = true}
        %dma_wait3A_120 = arith.constant 0 : i32
        %dma_wait3A_121 = tpu.memref_slice %arg15[%dma_wait3A_120] : memref<65536xf32, #tpu.memory_space<vmem_shared>> -> memref<65536xf32, #tpu.memory_space<vmem_shared>>
        tpu.wait_indirect_dma semaphore(%run_scoped3A : memref<!tpu.dma_semaphore, #tpu.memory_space<semaphore_mem>>) src(%arg13 : memref<4096xf32, #tpu.memory_space<vmem>>) dst(%dma_wait3A_121 : memref<65536xf32, #tpu.memory_space<vmem_shared>>)
        tpu.yield
      }) : () -> ()
    }
    %scan3A_35 = arith.constant 4 : i32
    %dma_wait3A = arith.constant 0 : i32
    %dma_wait3A_36 = tpu.memref_slice %arg2[%dma_wait3A] : memref<1048576xf32, #tpu.memory_space<hbm>> -> memref<4096xf32, #tpu.memory_space<hbm>>
    %dma_wait3A_37 = arith.constant 0 : i32
    %dma_wait3A_38 = tpu.memref_slice %arg2[%dma_wait3A_37] : memref<1048576xf32, #tpu.memory_space<hbm>> -> memref<4096xf32, #tpu.memory_space<hbm>>
    tpu.wait_dma2 semaphore(%arg16 : memref<!tpu.dma_semaphore, #tpu.memory_space<semaphore_mem>>) src(%dma_wait3A_38 : memref<4096xf32, #tpu.memory_space<hbm>>) dst(%arg8 : memref<4096xf32, #tpu.memory_space<vmem>>)
    "tpu.region"() ({
      %run_scoped3A = tpu.sem_alloc : memref<!tpu.dma_semaphore, #tpu.memory_space<semaphore_mem>>
      %dma_start3A_43 = arith.constant 0 : i32
      %dma_start3A_44 = tpu.memref_slice %arg6[%arg0, %arg1, %dma_start3A_43] : memref<2x16x16xf32, #tpu.memory_space<hbm>> -> memref<1x1x16xf32, #tpu.memory_space<hbm>>
      %dma_start3A_45 = tpu.memref_squeeze %dma_start3A_44 : memref<1x1x16xf32, #tpu.memory_space<hbm>> -> memref<16xf32, #tpu.memory_space<hbm>>
      %dma_start3A_46 = arith.constant 0 : i32
      %dma_start3A_47 = tpu.memref_slice %arg6[%arg0, %arg1, %dma_start3A_46] : memref<2x16x16xf32, #tpu.memory_space<hbm>> -> memref<1x1x16xf32, #tpu.memory_space<hbm>>
      %dma_start3A_48 = tpu.memref_squeeze %dma_start3A_47 : memref<1x1x16xf32, #tpu.memory_space<hbm>> -> memref<16xf32, #tpu.memory_space<hbm>>
      tpu.enqueue_dma source(%arg14 : memref<16xf32, #tpu.memory_space<vmem>>) target(%dma_start3A_48 : memref<16xf32, #tpu.memory_space<hbm>>) target_semaphore(%run_scoped3A : memref<!tpu.dma_semaphore, #tpu.memory_space<semaphore_mem>>)
      %dma_wait3A_49 = arith.constant 0 : i32
      %dma_wait3A_50 = tpu.memref_slice %arg6[%arg0, %arg1, %dma_wait3A_49] : memref<2x16x16xf32, #tpu.memory_space<hbm>> -> memref<1x1x16xf32, #tpu.memory_space<hbm>>
      %dma_wait3A_51 = tpu.memref_squeeze %dma_wait3A_50 : memref<1x1x16xf32, #tpu.memory_space<hbm>> -> memref<16xf32, #tpu.memory_space<hbm>>
      %dma_wait3A_52 = arith.constant 0 : i32
      %dma_wait3A_53 = tpu.memref_slice %arg6[%arg0, %arg1, %dma_wait3A_52] : memref<2x16x16xf32, #tpu.memory_space<hbm>> -> memref<1x1x16xf32, #tpu.memory_space<hbm>>
      %dma_wait3A_54 = tpu.memref_squeeze %dma_wait3A_53 : memref<1x1x16xf32, #tpu.memory_space<hbm>> -> memref<16xf32, #tpu.memory_space<hbm>>
      tpu.wait_dma2 semaphore(%run_scoped3A : memref<!tpu.dma_semaphore, #tpu.memory_space<semaphore_mem>>) src(%arg14 : memref<16xf32, #tpu.memory_space<vmem>>) dst(%dma_wait3A_54 : memref<16xf32, #tpu.memory_space<hbm>>)
      tpu.yield
    }) : () -> ()
    %barrier3A_39 = arith.constant 0 : index
    tpu.barrier barrier_id(%barrier3A_39)
    %eq3A_40 = arith.constant 0 : i32
    %eq3A_41 = arith.cmpi eq, %arg1, %eq3A_40 : i32
    %convert_element_type3A = arith.extui %eq3A_41 : i1 to i32
    %cond3A = arith.constant 0 : i32
    %cond3A_42 = arith.cmpi ne, %convert_element_type3A, %cond3A : i32
    scf.if %cond3A_42 {
      "tpu.region"() ({
        %run_scoped3A = tpu.sem_alloc : memref<!tpu.dma_semaphore, #tpu.memory_space<semaphore_mem>>
        %dma_start3A_43 = arith.constant 0 : i32
        %dma_start3A_44 = tpu.memref_slice %arg5[%arg0, %dma_start3A_43] : memref<2x65536xf32, #tpu.memory_space<hbm>> -> memref<1x65536xf32, #tpu.memory_space<hbm>>
        %dma_start3A_45 = tpu.memref_squeeze %dma_start3A_44 : memref<1x65536xf32, #tpu.memory_space<hbm>> -> memref<65536xf32, #tpu.memory_space<hbm>>
        tpu.enqueue_dma source(%arg15 : memref<65536xf32, #tpu.memory_space<vmem_shared>>) target(%dma_start3A_45 : memref<65536xf32, #tpu.memory_space<hbm>>) target_semaphore(%run_scoped3A : memref<!tpu.dma_semaphore, #tpu.memory_space<semaphore_mem>>)
        %dma_wait3A_46 = arith.constant 0 : i32
        %dma_wait3A_47 = tpu.memref_slice %arg5[%arg0, %dma_wait3A_46] : memref<2x65536xf32, #tpu.memory_space<hbm>> -> memref<1x65536xf32, #tpu.memory_space<hbm>>
        %dma_wait3A_48 = tpu.memref_squeeze %dma_wait3A_47 : memref<1x65536xf32, #tpu.memory_space<hbm>> -> memref<65536xf32, #tpu.memory_space<hbm>>
        tpu.wait_dma2 semaphore(%run_scoped3A : memref<!tpu.dma_semaphore, #tpu.memory_space<semaphore_mem>>) src(%arg15 : memref<65536xf32, #tpu.memory_space<vmem_shared>>) dst(%dma_wait3A_48 : memref<65536xf32, #tpu.memory_space<hbm>>)
        tpu.yield
      }) : () -> ()
    } else {
    }
    return
  }
}

module attributes {stable_mosaic.version = 14 : i64} {
  func.func @_loss_body(%arg0: i32, %arg1: i32, %arg2: memref<1x19x256x512xf32, #tpu.memory_space<vmem>>, %arg3: memref<1x256x512xi32, #tpu.memory_space<vmem>>, %arg4: memref<1x256x512xf32, #tpu.memory_space<vmem>>, %arg5: memref<1x1xf32, #tpu.memory_space<smem>>, %arg6: memref<1x1xf32, #tpu.memory_space<smem>>) attributes {dimension_semantics = [#tpu.dimension_semantics<arbitrary>, #tpu.dimension_semantics<arbitrary>], iteration_bounds = array<i64: 4, 2>, scalar_prefetch = 0 : i64, scratch_operands = 0 : i64, tpu.core_type = #tpu.core_type<tc>, window_params = [{transform_indices = @transform_0, window_bounds = array<i64: 1, 19, 256, 512>}, {transform_indices = @transform_1, window_bounds = array<i64: 1, 256, 512>}, {transform_indices = @transform_2, window_bounds = array<i64: 1, 256, 512>}, {transform_indices = @transform_3, window_bounds = array<i64: 1, 1>}, {transform_indices = @transform_4, window_bounds = array<i64: 1, 1>}]} {
    %get3A = arith.constant 0 : index
    %get3A_0 = arith.constant 0 : index
    %get3A_1 = arith.constant 0 : index
    %get3A_2 = arith.constant 0 : index
    %get3A_3 = vector.load %arg2[%get3A, %get3A_0, %get3A_1, %get3A_2] : memref<1x19x256x512xf32, #tpu.memory_space<vmem>>, vector<1x19x256x512xf32>
    %get3A_4 = vector.shape_cast %get3A_3 : vector<1x19x256x512xf32> to vector<19x256x512xf32>
    %reduce_max3A = arith.constant dense<0xFF800000> : vector<256x512xf32>
    %reduce_max3A_5 = vector.multi_reduction <maximumf>, %get3A_4, %reduce_max3A [0] : vector<19x256x512xf32> to vector<256x512xf32>
    %broadcast_in_dim3A = vector.shape_cast %reduce_max3A_5 : vector<256x512xf32> to vector<1x256x512xf32>
    %sub3A = vector.broadcast %broadcast_in_dim3A : vector<1x256x512xf32> to vector<19x256x512xf32>
    %sub3A_6 = arith.subf %get3A_4, %sub3A : vector<19x256x512xf32>
    %exp3A = math.exp %sub3A_6 : vector<19x256x512xf32>
    %reduce_sum3A = arith.constant dense<0.000000e+00> : vector<256x512xf32>
    %reduce_sum3A_7 = vector.multi_reduction <add>, %exp3A, %reduce_sum3A [0] : vector<19x256x512xf32> to vector<256x512xf32>
    %log3A = math.log %reduce_sum3A_7 : vector<256x512xf32>
    %add3A = arith.addf %reduce_max3A_5, %log3A : vector<256x512xf32>
    %get3A_8 = arith.constant 0 : index
    %get3A_9 = arith.constant 0 : index
    %get3A_10 = arith.constant 0 : index
    %get3A_11 = vector.load %arg3[%get3A_8, %get3A_9, %get3A_10] : memref<1x256x512xi32, #tpu.memory_space<vmem>>, vector<1x256x512xi32>
    %get3A_12 = vector.shape_cast %get3A_11 : vector<1x256x512xi32> to vector<256x512xi32>
    %iota3A = tpu.iota {dimensions = array<i32: 0>} : vector<19x256x512xi32>
    %broadcast_in_dim3A_13 = vector.shape_cast %get3A_12 : vector<256x512xi32> to vector<1x256x512xi32>
    %eq3A = vector.broadcast %broadcast_in_dim3A_13 : vector<1x256x512xi32> to vector<19x256x512xi32>
    %eq3A_14 = arith.cmpi eq, %iota3A, %eq3A : vector<19x256x512xi32>
    %jit3A = arith.constant 0.000000e+00 : f32
    %broadcast_in_dim3A_15 = vector.broadcast %jit3A : f32 to vector<19x256x512xf32>
    %select_n3A = arith.select %eq3A_14, %get3A_4, %broadcast_in_dim3A_15 : vector<19x256x512xi1>, vector<19x256x512xf32>
    %reduce_sum3A_16 = arith.constant dense<0.000000e+00> : vector<256x512xf32>
    %reduce_sum3A_17 = vector.multi_reduction <add>, %select_n3A, %reduce_sum3A_16 [0] : vector<19x256x512xf32> to vector<256x512xf32>
    %sub3A_18 = arith.subf %add3A, %reduce_sum3A_17 : vector<256x512xf32>
    %max3A = arith.constant 0.000000e+00 : f32
    %max3A_19 = vector.broadcast %max3A : f32 to vector<256x512xf32>
    %max3A_20 = arith.maximumf %sub3A_18, %max3A_19 : vector<256x512xf32>
    %swap3A = arith.constant 0 : index
    %swap3A_21 = arith.constant 0 : index
    %swap3A_22 = arith.constant 0 : index
    %swap3A_23 = vector.load %arg4[%swap3A, %swap3A_21, %swap3A_22] : memref<1x256x512xf32, #tpu.memory_space<vmem>>, vector<1x256x512xf32>
    %swap3A_24 = vector.shape_cast %swap3A_23 : vector<1x256x512xf32> to vector<256x512xf32>
    %swap3A_25 = vector.shape_cast %max3A_20 : vector<256x512xf32> to vector<1x256x512xf32>
    tpu.vector_store %arg4[%swap3A, %swap3A_21, %swap3A_22], %swap3A_25 {strides = array<i32>} : memref<1x256x512xf32, #tpu.memory_space<vmem>>, vector<1x256x512xf32>,
    %gt3A = arith.constant 0.356674939 : f32
    %gt3A_26 = vector.broadcast %gt3A : f32 to vector<256x512xf32>
    %gt3A_27 = arith.cmpf ogt, %max3A_20, %gt3A_26 : vector<256x512xf32>
    %convert_element_type3A = arith.extui %gt3A_27 : vector<256x512xi1> to vector<256x512xi32>
    %convert_element_type3A_28 = arith.sitofp %convert_element_type3A : vector<256x512xi32> to vector<256x512xf32>
    %reduce_sum3A_29 = vector.shape_cast %convert_element_type3A_28 : vector<256x512xf32> to vector<1x256x512xf32>
    %reduce_sum3A_30 = arith.constant dense<0.000000e+00> : vector<1xf32>
    %reduce_sum3A_31 = vector.multi_reduction <add>, %reduce_sum3A_29, %reduce_sum3A_30 [1, 2] : vector<1x256x512xf32> to vector<1xf32>
    %reduce_sum3A_32 = vector.shape_cast %reduce_sum3A_31 : vector<1xf32> to vector<1x1x1xf32>
    %reduce_sum3A_33 = vector.extract %reduce_sum3A_32[0, 0, 0] : f32 from vector<1x1x1xf32>
    %jit3A_34 = arith.constant 0.000000e+00 : f32
    %broadcast_in_dim3A_35 = vector.broadcast %jit3A_34 : f32 to vector<256x512xf32>
    %select_n3A_36 = arith.select %gt3A_27, %max3A_20, %broadcast_in_dim3A_35 : vector<256x512xi1>, vector<256x512xf32>
    %reduce_sum3A_37 = vector.shape_cast %select_n3A_36 : vector<256x512xf32> to vector<1x256x512xf32>
    %reduce_sum3A_38 = arith.constant dense<0.000000e+00> : vector<1xf32>
    %reduce_sum3A_39 = vector.multi_reduction <add>, %reduce_sum3A_37, %reduce_sum3A_38 [1, 2] : vector<1x256x512xf32> to vector<1xf32>
    %reduce_sum3A_40 = vector.shape_cast %reduce_sum3A_39 : vector<1xf32> to vector<1x1x1xf32>
    %reduce_sum3A_41 = vector.extract %reduce_sum3A_40[0, 0, 0] : f32 from vector<1x1x1xf32>
    %eq3A_42 = arith.constant 0 : i32
    %eq3A_43 = arith.cmpi eq, %arg0, %eq3A_42 : i32
    %eq3A_44 = arith.constant 0 : i32
    %eq3A_45 = arith.cmpi eq, %arg1, %eq3A_44 : i32
    %and3A = arith.andi %eq3A_43, %eq3A_45 : i1
    %convert_element_type3A_46 = arith.extui %and3A : i1 to i32
    %cond3A = arith.constant 0 : i32
    %cond3A_47 = arith.cmpi ne, %convert_element_type3A_46, %cond3A : i32
    scf.if %cond3A_47 {
      %swap3A_52 = arith.constant 0 : index
      %swap3A_53 = arith.constant 0 : index
      %swap3A_54 = memref.load %arg5[%swap3A_52, %swap3A_53] : memref<1x1xf32, #tpu.memory_space<smem>>
      memref.store %reduce_sum3A_33, %arg5[%swap3A_52, %swap3A_53] : memref<1x1xf32, #tpu.memory_space<smem>>
      %swap3A_55 = arith.constant 0 : index
      %swap3A_56 = arith.constant 0 : index
      %swap3A_57 = memref.load %arg6[%swap3A_55, %swap3A_56] : memref<1x1xf32, #tpu.memory_space<smem>>
      memref.store %reduce_sum3A_41, %arg6[%swap3A_55, %swap3A_56] : memref<1x1xf32, #tpu.memory_space<smem>>
    } else {
    }
    %not3A = arith.constant true
    %not3A_48 = arith.xori %and3A, %not3A : i1
    %convert_element_type3A_49 = arith.extui %not3A_48 : i1 to i32
    %cond3A_50 = arith.constant 0 : i32
    %cond3A_51 = arith.cmpi ne, %convert_element_type3A_49, %cond3A_50 : i32
    scf.if %cond3A_51 {
      %get3A_52 = arith.constant 0 : index
      %get3A_53 = arith.constant 0 : index
      %get3A_54 = memref.load %arg5[%get3A_52, %get3A_53] : memref<1x1xf32, #tpu.memory_space<smem>>
      %add3A_55 = arith.addf %get3A_54, %reduce_sum3A_33 : f32
      %swap3A_56 = arith.constant 0 : index
      %swap3A_57 = arith.constant 0 : index
      %swap3A_58 = memref.load %arg5[%swap3A_56, %swap3A_57] : memref<1x1xf32, #tpu.memory_space<smem>>
      memref.store %add3A_55, %arg5[%swap3A_56, %swap3A_57] : memref<1x1xf32, #tpu.memory_space<smem>>
      %get3A_59 = arith.constant 0 : index
      %get3A_60 = arith.constant 0 : index
      %get3A_61 = memref.load %arg6[%get3A_59, %get3A_60] : memref<1x1xf32, #tpu.memory_space<smem>>
      %add3A_62 = arith.addf %get3A_61, %reduce_sum3A_41 : f32
      %swap3A_63 = arith.constant 0 : index
      %swap3A_64 = arith.constant 0 : index
      %swap3A_65 = memref.load %arg6[%swap3A_63, %swap3A_64] : memref<1x1xf32, #tpu.memory_space<smem>>
      memref.store %add3A_62, %arg6[%swap3A_63, %swap3A_64] : memref<1x1xf32, #tpu.memory_space<smem>>
    } else {
    }
    return
  }
  func.func @transform_0(%arg0: i32, %arg1: i32) -> (i32, i32, i32, i32) {
    %c0_i32 = arith.constant 0 : i32
    %c0_i32_0 = arith.constant 0 : i32
    %c0_i32_1 = arith.constant 0 : i32
    return %arg0, %c0_i32, %arg1, %c0_i32_0 : i32, i32, i32, i32
  }
  func.func @transform_1(%arg0: i32, %arg1: i32) -> (i32, i32, i32) {
    %c0_i32 = arith.constant 0 : i32
    %c0_i32_0 = arith.constant 0 : i32
    return %arg0, %arg1, %c0_i32 : i32, i32, i32
  }
  func.func @transform_2(%arg0: i32, %arg1: i32) -> (i32, i32, i32) {
    %c0_i32 = arith.constant 0 : i32
    %c0_i32_0 = arith.constant 0 : i32
    return %arg0, %arg1, %c0_i32 : i32, i32, i32
  }
  func.func @transform_3(%arg0: i32, %arg1: i32) -> (i32, i32) {
    %c0_i32 = arith.constant 0 : i32
    %c0_i32_0 = arith.constant 0 : i32
    %c0_i32_1 = arith.constant 0 : i32
    return %c0_i32, %c0_i32_0 : i32, i32
  }
  func.func @transform_4(%arg0: i32, %arg1: i32) -> (i32, i32) {
    %c0_i32 = arith.constant 0 : i32
    %c0_i32_0 = arith.constant 0 : i32
    %c0_i32_1 = arith.constant 0 : i32
    return %c0_i32, %c0_i32_0 : i32, i32
  }
}

module attributes {stable_mosaic.version = 14 : i64} {
  func.func @_scan_body(%arg0: memref<2x512x128xf32, #tpu.memory_space<vmem>>, %arg1: memref<1x1xf32, #tpu.memory_space<smem>>, %arg2: memref<1x1xf32, #tpu.memory_space<smem>>, %arg3: memref<1x1xf32, #tpu.memory_space<smem>>) attributes {dimension_semantics = [], scalar_prefetch = 0 : i64, scratch_operands = 0 : i64, tpu.core_type = #tpu.core_type<tc>} {
    %get3A = arith.constant 0 : index
    %get3A_0 = arith.constant 0 : index
    %get3A_1 = arith.constant 0 : index
    %get3A_2 = vector.load %arg0[%get3A, %get3A_0, %get3A_1] : memref<2x512x128xf32, #tpu.memory_space<vmem>>, vector<2x512x128xf32>
    %reduce_sum3A = arith.constant dense<0.000000e+00> : vector<512x128xf32>
    %reduce_sum3A_3 = vector.multi_reduction <add>, %get3A_2, %reduce_sum3A [0] : vector<2x512x128xf32> to vector<512x128xf32>
    %iota3A = tpu.iota {dimensions = array<i32: 0>} : vector<128x128xi32>
    %iota3A_4 = tpu.iota {dimensions = array<i32: 1>} : vector<128x128xi32>
    %lt3A = arith.cmpi slt, %iota3A, %iota3A_4 : vector<128x128xi32>
    %convert_element_type3A = arith.extui %lt3A : vector<128x128xi1> to vector<128x128xi32>
    %convert_element_type3A_5 = arith.sitofp %convert_element_type3A : vector<128x128xi32> to vector<128x128xf32>
    %iota3A_6 = tpu.iota {dimensions = array<i32: 0>} : vector<512x512xi32>
    %iota3A_7 = tpu.iota {dimensions = array<i32: 1>} : vector<512x512xi32>
    %lt3A_8 = arith.cmpi slt, %iota3A_7, %iota3A_6 : vector<512x512xi32>
    %convert_element_type3A_9 = arith.extui %lt3A_8 : vector<512x512xi1> to vector<512x512xi32>
    %convert_element_type3A_10 = arith.sitofp %convert_element_type3A_9 : vector<512x512xi32> to vector<512x512xf32>
    %dot_general3A = arith.constant dense<0.000000e+00> : vector<512x128xf32>
    %dot_general3A_11 = tpu.matmul %convert_element_type3A_10, %reduce_sum3A_3, %dot_general3A {dimension_numbers = #tpu.dot_dimension_numbers<[1], [0], [0], [1], [0, 0, 1, 1], [], []>, precision = #tpu.contract_precision<fp32>, transpose_lhs_hint = false} : vector<512x512xf32>, vector<512x128xf32>, vector<512x128xf32> -> vector<512x128xf32>
    %reduce_sum3A_12 = arith.constant dense<0.000000e+00> : vector<512xf32>
    %reduce_sum3A_13 = vector.multi_reduction <add>, %dot_general3A_11, %reduce_sum3A_12 [1] : vector<512x128xf32> to vector<512xf32>
    %broadcast_in_dim3A = vector.shape_cast %reduce_sum3A_13 : vector<512xf32> to vector<512x1xf32>
    %dot_general3A_14 = arith.constant dense<0.000000e+00> : vector<512x128xf32>
    %dot_general3A_15 = tpu.matmul %reduce_sum3A_3, %convert_element_type3A_5, %dot_general3A_14 {dimension_numbers = #tpu.dot_dimension_numbers<[1], [0], [0], [1], [0, 0, 1, 1], [], []>, precision = #tpu.contract_precision<fp32>, transpose_lhs_hint = false} : vector<512x128xf32>, vector<128x128xf32>, vector<512x128xf32> -> vector<512x128xf32>
    %add3A = vector.broadcast %broadcast_in_dim3A : vector<512x1xf32> to vector<512x128xf32>
    %add3A_16 = arith.addf %add3A, %dot_general3A_15 : vector<512x128xf32>
    %reduce_sum3A_17 = vector.shape_cast %reduce_sum3A_3 : vector<512x128xf32> to vector<1x512x128xf32>
    %reduce_sum3A_18 = arith.constant dense<0.000000e+00> : vector<1xf32>
    %reduce_sum3A_19 = vector.multi_reduction <add>, %reduce_sum3A_17, %reduce_sum3A_18 [1, 2] : vector<1x512x128xf32> to vector<1xf32>
    %reduce_sum3A_20 = vector.shape_cast %reduce_sum3A_19 : vector<1xf32> to vector<1x1x1xf32>
    %reduce_sum3A_21 = vector.extract %reduce_sum3A_20[0, 0, 0] : f32 from vector<1x1x1xf32>
    %get3A_22 = arith.constant 0 : index
    %get3A_23 = arith.constant 0 : index
    %get3A_24 = memref.load %arg1[%get3A_22, %get3A_23] : memref<1x1xf32, #tpu.memory_space<smem>>
    %sub3A = arith.subf %reduce_sum3A_21, %get3A_24 : f32
    %le3A = vector.broadcast %sub3A : f32 to vector<512x128xf32>
    %le3A_25 = arith.cmpf ole, %add3A_16, %le3A : vector<512x128xf32>
    %convert_element_type3A_26 = arith.extui %le3A_25 : vector<512x128xi1> to vector<512x128xi32>
    %convert_element_type3A_27 = arith.sitofp %convert_element_type3A_26 : vector<512x128xi32> to vector<512x128xf32>
    %reduce_sum3A_28 = vector.shape_cast %convert_element_type3A_27 : vector<512x128xf32> to vector<1x512x128xf32>
    %reduce_sum3A_29 = arith.constant dense<0.000000e+00> : vector<1xf32>
    %reduce_sum3A_30 = vector.multi_reduction <add>, %reduce_sum3A_28, %reduce_sum3A_29 [1, 2] : vector<1x512x128xf32> to vector<1xf32>
    %reduce_sum3A_31 = vector.shape_cast %reduce_sum3A_30 : vector<1xf32> to vector<1x1x1xf32>
    %reduce_sum3A_32 = vector.extract %reduce_sum3A_31[0, 0, 0] : f32 from vector<1x1x1xf32>
    %sub3A_33 = arith.constant 1.000000e+00 : f32
    %sub3A_34 = arith.subf %reduce_sum3A_32, %sub3A_33 : f32
    %swap3A = arith.constant 0 : index
    %swap3A_35 = arith.constant 0 : index
    %swap3A_36 = memref.load %arg2[%swap3A, %swap3A_35] : memref<1x1xf32, #tpu.memory_space<smem>>
    memref.store %sub3A_34, %arg2[%swap3A, %swap3A_35] : memref<1x1xf32, #tpu.memory_space<smem>>
    %sub3A_37 = arith.constant 1.000000e+00 : f32
    %sub3A_38 = vector.broadcast %sub3A_37 : f32 to vector<512x128xf32>
    %sub3A_39 = arith.subf %sub3A_38, %convert_element_type3A_27 : vector<512x128xf32>
    %mul3A = arith.mulf %reduce_sum3A_3, %sub3A_39 : vector<512x128xf32>
    %reduce_sum3A_40 = vector.shape_cast %mul3A : vector<512x128xf32> to vector<1x512x128xf32>
    %reduce_sum3A_41 = arith.constant dense<0.000000e+00> : vector<1xf32>
    %reduce_sum3A_42 = vector.multi_reduction <add>, %reduce_sum3A_40, %reduce_sum3A_41 [1, 2] : vector<1x512x128xf32> to vector<1xf32>
    %reduce_sum3A_43 = vector.shape_cast %reduce_sum3A_42 : vector<1xf32> to vector<1x1x1xf32>
    %reduce_sum3A_44 = vector.extract %reduce_sum3A_43[0, 0, 0] : f32 from vector<1x1x1xf32>
    %swap3A_45 = arith.constant 0 : index
    %swap3A_46 = arith.constant 0 : index
    %swap3A_47 = memref.load %arg3[%swap3A_45, %swap3A_46] : memref<1x1xf32, #tpu.memory_space<smem>>
    memref.store %reduce_sum3A_44, %arg3[%swap3A_45, %swap3A_46] : memref<1x1xf32, #tpu.memory_space<smem>>
    return
  }
}

module attributes {stable_mosaic.version = 14 : i64} {
  func.func @_scan_body(%arg0: memref<2x512x128xf32, #tpu.memory_space<vmem>>, %arg1: memref<1x1xf32, #tpu.memory_space<smem>>, %arg2: memref<1x1xf32, #tpu.memory_space<smem>>, %arg3: memref<1x1xf32, #tpu.memory_space<smem>>) attributes {dimension_semantics = [], scalar_prefetch = 0 : i64, scratch_operands = 0 : i64, tpu.core_type = #tpu.core_type<tc>} {
    %get3A = arith.constant 0 : index
    %get3A_0 = arith.constant 0 : index
    %get3A_1 = arith.constant 0 : index
    %get3A_2 = vector.load %arg0[%get3A, %get3A_0, %get3A_1] : memref<2x512x128xf32, #tpu.memory_space<vmem>>, vector<2x512x128xf32>
    %reduce_sum3A = arith.constant dense<0.000000e+00> : vector<512x128xf32>
    %reduce_sum3A_3 = vector.multi_reduction <add>, %get3A_2, %reduce_sum3A [0] : vector<2x512x128xf32> to vector<512x128xf32>
    %iota3A = tpu.iota {dimensions = array<i32: 0>} : vector<128x128xi32>
    %iota3A_4 = tpu.iota {dimensions = array<i32: 1>} : vector<128x128xi32>
    %lt3A = arith.cmpi slt, %iota3A, %iota3A_4 : vector<128x128xi32>
    %convert_element_type3A = arith.extui %lt3A : vector<128x128xi1> to vector<128x128xi32>
    %convert_element_type3A_5 = arith.sitofp %convert_element_type3A : vector<128x128xi32> to vector<128x128xf32>
    %iota3A_6 = tpu.iota {dimensions = array<i32: 0>} : vector<512x512xi32>
    %iota3A_7 = tpu.iota {dimensions = array<i32: 1>} : vector<512x512xi32>
    %lt3A_8 = arith.cmpi slt, %iota3A_7, %iota3A_6 : vector<512x512xi32>
    %convert_element_type3A_9 = arith.extui %lt3A_8 : vector<512x512xi1> to vector<512x512xi32>
    %convert_element_type3A_10 = arith.sitofp %convert_element_type3A_9 : vector<512x512xi32> to vector<512x512xf32>
    %dot_general3A = arith.constant dense<0.000000e+00> : vector<512x128xf32>
    %dot_general3A_11 = tpu.matmul %convert_element_type3A_10, %reduce_sum3A_3, %dot_general3A {dimension_numbers = #tpu.dot_dimension_numbers<[1], [0], [0], [1], [0, 0, 1, 1], [], []>, precision = #tpu.contract_precision<fp32>, transpose_lhs_hint = false} : vector<512x512xf32>, vector<512x128xf32>, vector<512x128xf32> -> vector<512x128xf32>
    %reduce_sum3A_12 = arith.constant dense<0.000000e+00> : vector<512xf32>
    %reduce_sum3A_13 = vector.multi_reduction <add>, %dot_general3A_11, %reduce_sum3A_12 [1] : vector<512x128xf32> to vector<512xf32>
    %broadcast_in_dim3A = vector.shape_cast %reduce_sum3A_13 : vector<512xf32> to vector<512x1xf32>
    %dot_general3A_14 = arith.constant dense<0.000000e+00> : vector<512x128xf32>
    %dot_general3A_15 = tpu.matmul %reduce_sum3A_3, %convert_element_type3A_5, %dot_general3A_14 {dimension_numbers = #tpu.dot_dimension_numbers<[1], [0], [0], [1], [0, 0, 1, 1], [], []>, precision = #tpu.contract_precision<fp32>, transpose_lhs_hint = false} : vector<512x128xf32>, vector<128x128xf32>, vector<512x128xf32> -> vector<512x128xf32>
    %add3A = vector.broadcast %broadcast_in_dim3A : vector<512x1xf32> to vector<512x128xf32>
    %add3A_16 = arith.addf %add3A, %dot_general3A_15 : vector<512x128xf32>
    %reduce_sum3A_17 = vector.shape_cast %reduce_sum3A_3 : vector<512x128xf32> to vector<1x512x128xf32>
    %reduce_sum3A_18 = arith.constant dense<0.000000e+00> : vector<1xf32>
    %reduce_sum3A_19 = vector.multi_reduction <add>, %reduce_sum3A_17, %reduce_sum3A_18 [1, 2] : vector<1x512x128xf32> to vector<1xf32>
    %reduce_sum3A_20 = vector.shape_cast %reduce_sum3A_19 : vector<1xf32> to vector<1x1x1xf32>
    %reduce_sum3A_21 = vector.extract %reduce_sum3A_20[0, 0, 0] : f32 from vector<1x1x1xf32>
    %get3A_22 = arith.constant 0 : index
    %get3A_23 = arith.constant 0 : index
    %get3A_24 = memref.load %arg1[%get3A_22, %get3A_23] : memref<1x1xf32, #tpu.memory_space<smem>>
    %sub3A = arith.subf %reduce_sum3A_21, %get3A_24 : f32
    %le3A = vector.broadcast %sub3A : f32 to vector<512x128xf32>
    %le3A_25 = arith.cmpf ole, %add3A_16, %le3A : vector<512x128xf32>
    %convert_element_type3A_26 = arith.extui %le3A_25 : vector<512x128xi1> to vector<512x128xi32>
    %convert_element_type3A_27 = arith.sitofp %convert_element_type3A_26 : vector<512x128xi32> to vector<512x128xf32>
    %reduce_sum3A_28 = vector.shape_cast %convert_element_type3A_27 : vector<512x128xf32> to vector<1x512x128xf32>
    %reduce_sum3A_29 = arith.constant dense<0.000000e+00> : vector<1xf32>
    %reduce_sum3A_30 = vector.multi_reduction <add>, %reduce_sum3A_28, %reduce_sum3A_29 [1, 2] : vector<1x512x128xf32> to vector<1xf32>
    %reduce_sum3A_31 = vector.shape_cast %reduce_sum3A_30 : vector<1xf32> to vector<1x1x1xf32>
    %reduce_sum3A_32 = vector.extract %reduce_sum3A_31[0, 0, 0] : f32 from vector<1x1x1xf32>
    %sub3A_33 = arith.constant 1.000000e+00 : f32
    %sub3A_34 = arith.subf %reduce_sum3A_32, %sub3A_33 : f32
    %swap3A = arith.constant 0 : index
    %swap3A_35 = arith.constant 0 : index
    %swap3A_36 = memref.load %arg2[%swap3A, %swap3A_35] : memref<1x1xf32, #tpu.memory_space<smem>>
    memref.store %sub3A_34, %arg2[%swap3A, %swap3A_35] : memref<1x1xf32, #tpu.memory_space<smem>>
    %sub3A_37 = arith.constant 1.000000e+00 : f32
    %sub3A_38 = vector.broadcast %sub3A_37 : f32 to vector<512x128xf32>
    %sub3A_39 = arith.subf %sub3A_38, %convert_element_type3A_27 : vector<512x128xf32>
    %mul3A = arith.mulf %reduce_sum3A_3, %sub3A_39 : vector<512x128xf32>
    %reduce_sum3A_40 = vector.shape_cast %mul3A : vector<512x128xf32> to vector<1x512x128xf32>
    %reduce_sum3A_41 = arith.constant dense<0.000000e+00> : vector<1xf32>
    %reduce_sum3A_42 = vector.multi_reduction <add>, %reduce_sum3A_40, %reduce_sum3A_41 [1, 2] : vector<1x512x128xf32> to vector<1xf32>
    %reduce_sum3A_43 = vector.shape_cast %reduce_sum3A_42 : vector<1xf32> to vector<1x1x1xf32>
    %reduce_sum3A_44 = vector.extract %reduce_sum3A_43[0, 0, 0] : f32 from vector<1x1x1xf32>
    %swap3A_45 = arith.constant 0 : index
    %swap3A_46 = arith.constant 0 : index
    %swap3A_47 = memref.load %arg3[%swap3A_45, %swap3A_46] : memref<1x1xf32, #tpu.memory_space<smem>>
    memref.store %reduce_sum3A_44, %arg3[%swap3A_45, %swap3A_46] : memref<1x1xf32, #tpu.memory_space<smem>>
    return
  }
}

</mosaic_0001>

<sc_bundles>
// kernel: kernel.11.cloned.1.call-start
scs
__scs_entry_jumppad:
0x0: {  	(pc) =	sbr.rel $0x88, $3  }
0x1: {  	(tag) =	ssettag $0x0;
	lr =	simm.s32 $0x1  }
0x2: {  	[smem:$0x3F9F] =	sst lr;
	_ =	strace $0xD0000000  }
0x3: {  	_ = 	snop  }
0x4: {  	_ = 	snop  }
0x5: {  	_ = 	snop  }
0x6: {  	_ = 	snop  }
0x7: {  	_ = 	snop  }
__scs_overlays_trampoline_lowered:
0x8: {  	[smem:$0x3FAE] =	sst s0  }
0x9: {  	[smem:$0x3FAF] =	sst s1  }
0xa: {  	[smem:$0x3FB0] =	sst s2  }
0xb: {  	[smem:$0x3FB1] =	sst s3  }
0xc: {  	[smem:$0x3FB2] =	sst s4  }
0xd: {  	[smem:$0x3FB3] =	sst s5  }
0xe: {  	[smem:$0x3FB4] =	sst s6  }
0xf: {  	[smem:$0x3FB5] =	sst s7  }
0x10: {  	[smem:$0x3FB6] =	sst s8  }
0x11: {  	[smem:$0x3FB7] =	sst s9;
	s0 =	simm.s32 @!p0 $0x0  }
0x12: {  	s1 =	sld [smem:$0x3F9D];
	s0 =	simm.s32 @p0 $0x1  }
0x13: {  	[smem:$0x3FB8] =	sst s0;
	s0 =	simm.s32 @!p1 $0x0  }
0x14: {  	s2 =	sld [smem:$0x3F9C];
	s0 =	simm.s32 @p1 $0x1  }
0x15: {  	[smem:$0x3FB9] =	sst s0;
	s0 =	simm.s32 @!p2 $0x0  }
0x16: {  	s3 =	sld [smem:$0x3FDB];
	s0 =	simm.s32 @p2 $0x1  }
0x17: {  	s4 =	simm.s32 $0x1BF5;
	[smem:$0x3FBB] =	sst s0  }
0x18: {  	s0 =	sld [smem:$0x3F9E];
	_ =	swait.ge [sflag:s4], $0x0  }
0x19: {  	s7 =	sld [smem:$0x3F9F]  }
0x1a: {  	s8 =	sadd.s32 $0xFFFFE003, lr  }
0x1b: {  	s9 =	sadd.s32 $0xFFFFFEF7, lr;
	s5 =	simm.s32 $0xFFFFFFFF;
	p2 =	slt.u32 s8, $0xFFFFF086  }
0x1c: {  	p1 =	slt.u32 s9, $0xF7A;
	s5 =	simm.s32 @!p2 $0x0  }
0x1d: {  	s5 =	simm.s32 @p1 $0x1;
	p0 =	seq.s32 s7, s2  }
0x1e: {  	s7 =	smul.u32 @!p0 $0xF7A, s2;
	p2 =	seq.s32 @!p0 s5, $0x0  }
0x1f: {  	s9 =	smul.u32 $0xF7A, s1;
	s8 =	simm.s32 @!p0 $0x1BF5;
	p2 =	por !p2, p0  }
0x20: {  	[sflag:s8] =	ssyncset.s32 @!p0 $0xFFFFF086;
	s6 =	sadd.s32 @!p0 s3, s7;
	s7 =	simm.s32 @!p0 $0x108  }
0x21: {  	s3 =	sadd.s32 s3, s9;
	s6 =	sadd.s32 @!p0 $0x88, s6;
	s7 =	simm.s32 @p2 $0x1082  }
0x22: {  	[simem:s7], [sflag:s8] =	dma.local @!p0 [hbm:s6], $0xF7A  }
0x23: {  	s9 =	sor.u32 $0xD0000000, s2;
	s6 =	simm.s32 $0x108;
	_ =	swait.ge @!p0 [sflag:s8], $0x0  }
0x24: {  	s3 =	sadd.s32 $0x88, s3;
	s6 =	simm.s32 @!p1 $0x1082;
	[sflag:s4] =	ssyncset.s32 $0xFFFFF086  }
0x25: {  	[simem:s6], [sflag:s4] =	dma.local [hbm:s3], $0xF7A  }
0x26: {  	[smem:$0x3F9F] =	sst s1;
	(tag) =	ssettag s2;
	_ =	strace s9  }
0x27: {  	s1 =	sld [smem:$0x3FAF]  }
0x28: {  	s2 =	sld [smem:$0x3FB0]  }
0x29: {  	s4 =	sld [smem:$0x3FB2]  }
0x2a: {  	p0 =	seq.s32 s5, $0x0;
	s5 =	sld [smem:$0x3FB3]  }
0x2b: {  	s6 =	sld [smem:$0x3FB4]  }
0x2c: {  	s7 =	sld [smem:$0x3FB5]  }
0x2d: {  	s3 =	simm.s32 $0x108;
	s8 =	sld [smem:$0x3FB6]  }
0x2e: {  	s3 =	simm.s32 @!p0 $0x1082;
	s9 =	sld [smem:$0x3FB7]  }
0x2f: {  	lr =	sadd.s32 s0, s3;
	s0 =	sld [smem:$0x3FAE]  }
0x30: {  	s3 =	sld [smem:$0x3FB1]  }
0x31: {  	[smem:$0x3FBA] =	sst s10  }
0x32: {  	s10 =	sld [smem:$0x3FB8];
	_ =	sdelay $0x3  }
0x33: {  	p0 =	seq.s32 s10, $0x1;
	s10 =	sld [smem:$0x3FBA];
	_ =	sdelay $0x3  }
0x34: {  	[smem:$0x3FBA] =	sst s10  }
0x35: {  	s10 =	sld [smem:$0x3FB9];
	_ =	sdelay $0x3  }
0x36: {  	p1 =	seq.s32 s10, $0x1;
	s10 =	sld [smem:$0x3FBA];
	_ =	sdelay $0x3  }
0x37: {  	[smem:$0x3FBA] =	sst s10  }
0x38: {  	s10 =	sld [smem:$0x3FBB]  }
0x39: {  	_ = 	snop;
	(pc) =	sbr.ind lr, $3  }
0x3a: {  	_ = 	snop  }
0x3b: {  	_ = 	snop  }
0x3c: {  	p2 =	seq.s32 s10, $0x1;
	s10 =	sld [smem:$0x3FBA]  }
0x3d: {  	_ =	shalt  }
0x3e: {  	_ =	shalt  }
0x3f: {  	_ =	shalt  }
0x40: {  	_ =	shalt  }
0x41: {  	_ =	shalt  }
0x42: {  	_ =	shalt  }
0x43: {  	_ =	shalt  }
0x44: {  	_ =	shalt  }
0x45: {  	_ =	shalt  }
0x46: {  	_ =	shalt  }
0x47: {  	_ =	shalt  }
0x48: {  	_ =	shalt  }
0x49: {  	_ =	shalt  }
0x4a: {  	_ =	shalt  }
0x4b: {  	_ =	shalt  }
0x4c: {  	_ =	shalt  }
0x4d: {  	_ =	shalt  }
0x4e: {  	_ =	shalt  }
0x4f: {  	_ =	shalt  }
0x50: {  	_ =	shalt  }
0x51: {  	_ =	shalt  }
0x52: {  	_ =	shalt  }
0x53: {  	_ =	shalt  }
0x54: {  	_ =	shalt  }
0x55: {  	_ =	shalt  }
0x56: {  	_ =	shalt  }
0x57: {  	_ =	shalt  }
0x58: {  	_ =	shalt  }
0x59: {  	_ =	shalt  }
0x5a: {  	_ =	shalt  }
0x5b: {  	_ =	shalt  }
0x5c: {  	_ =	shalt  }
0x5d: {  	_ =	shalt  }
0x5e: {  	_ =	shalt  }
0x5f: {  	_ =	shalt  }
0x60: {  	_ =	shalt  }
0x61: {  	_ =	shalt  }
0x62: {  	_ =	shalt  }
0x63: {  	_ =	shalt  }
0x64: {  	_ =	shalt  }
0x65: {  	_ =	shalt  }
0x66: {  	_ =	shalt  }
0x67: {  	_ =	shalt  }
0x68: {  	_ =	shalt  }
0x69: {  	_ =	shalt  }
0x6a: {  	_ =	shalt  }
0x6b: {  	_ =	shalt  }
0x6c: {  	_ =	shalt  }
0x6d: {  	_ =	shalt  }
0x6e: {  	_ =	shalt  }
0x6f: {  	_ =	shalt  }
0x70: {  	_ =	shalt  }
0x71: {  	_ =	shalt  }
0x72: {  	_ =	shalt  }
0x73: {  	_ =	shalt  }
0x74: {  	_ =	shalt  }
0x75: {  	_ =	shalt  }
0x76: {  	_ =	shalt  }
0x77: {  	_ =	shalt  }
0x78: {  	_ =	shalt  }
0x79: {  	_ =	shalt  }
0x7a: {  	_ =	shalt  }
0x7b: {  	_ =	shalt  }
0x7c: {  	_ =	shalt  }
0x7d: {  	_ =	shalt  }
0x7e: {  	_ =	shalt  }
0x7f: {  	_ =	shalt  }
0x80: {  	_ =	shalt  }
0x81: {  	_ =	shalt  }
0x82: {  	_ =	shalt  }
0x83: {  	_ =	shalt  }
0x84: {  	_ =	shalt  }
0x85: {  	_ =	shalt  }
0x86: {  	_ =	shalt  }
0x87: {  	_ =	shalt  }
.Lfunc_end0:
.L_simem_size_0:
called_computation.1_lowered:
.L_overlay_start_0:
0x88: {  	s2 =	sld [smem:$0x3FD9]  }
0x89: {  	s3 =	sld [smem:$0x3FFE];
	_ =	sdelay $0x1  }
0x8a: {  	s1 =	srdreg.scid  }
0x8b: {  	s0 =	sand.u32 $0x1, s1  }
0x8c: {  	s16 =	sshll.u32 s0, $0xA;
	s2 =	sadd.s32 s3, s2  }
0x8d: {  	s2 =	sadd.s32 s2, s16  }
0x8e: {  	[smem:$0x3FC6] =	sst s2  }
0x8f: {  	_ = 	snop  }
0x90: {  	(tm) =	ssettm $0x1  }
0x91: {  	s17 =	sld [smem:$0x3FFB];
	_ =	sdelay $0x3  }
0x92: {  	_ =	strace s17  }
0x93: {  	s2 =	sld [smem:$0x3FFC];
	_ =	sdelay $0x3  }
0x94: {  	_ =	strace s2  }
0x95: {  	s2 =	sld [smem:$0x3FFD];
	_ =	sdelay $0x3  }
0x96: {  	_ =	strace s2  }
0x97: {  	_ =	strace $0x8FFFFFFF  }
0x98: {  	s18 =	sld [smem:$0x3FDB];
	_ =	sdelay $0x1  }
0x99: {  	s19 =	simm.s32 $_scs_section_size  }
0x9a: {  	s4 =	simm.s32 $_size__tile_overlayer_lowered;
	s5 =	simm.s32 $_tile_overlayer_lowered  }
0x9b: {  	s22 =	simm.s32 $0x1BFF;
	s21 =	sshll.u32 s5, $0x1;
	s2 =	sadd.s32 s19, s18  }
0x9c: {  	s6 =	simm.s32 $0x0;
	s20 =	sshll.u32 s4, $0x1;
	s4 =	sadd.s32 s21, s2  }
0x9d: {  	[timem:s6], [sflag:s22] =	dma.local [hbm:s4], s20  }
0x9e: {  	_ =	swait.ge [sflag:s22], s20  }
0x9f: {  	s3 =	ssub.s32 $0x0, s20;
	[sflag:s22] =	ssyncset.done $0x0  }
0xa0: {  	[sflag:s22] =	ssyncadd.s32 s3;
	_ =	sdelay $0x1  }
0xa1: {  	s23 =	simm.s32 $0x1B8B  }
0xa2: {  	_ =	swait.ge [sflag:s23], $0x1  }
0xa3: {  	[sflag:s23] =	ssyncset.done $0x0  }
0xa4: {  	s25 =	simm.s32 $0x1B8E;
	s24 =	sld [smem:$0x3FFE];
	[sflag:s23] =	ssyncadd.s32 $0xFFFFFFFF  }
0xa5: {  	s26 =	simm.s32 $execute0_lowered;
	[smem:$0x3FD2] =	sst s25  }
0xa6: {  	s4 =	sshll.u32 s26, $0x1;
	_ =	strace $0x80000049;
	[dreg:$0x1] =	wrdreg $0xFFFFFFFF  }
0xa7: {  	s28 =	simm.s32 $_size_execute0_lowered;
	s2 =	sadd.s32 s2, s4;
	[dreg:$0x0] =	wrdreg $0x0  }
0xa8: {  	s4 =	sshll.u32 s28, $0x1;
	[dreg:$0x2] =	wrdreg s2  }
0xa9: {  	[dreg:$0x3] =	wrdreg s4  }
0xaa: {  	[dreg:$0x4] =	wrdreg $0xC0  }
0xab: {  	_ =	task [dreg:s6], $0x5FFFF  }
0xac: {  	[dreg:$0x1] =	wrdreg $0xFFFFFFFF  }
0xad: {  	[dreg:$0x0] =	wrdreg $0x60  }
0xae: {  	[dreg:$0x2] =	wrdreg s24  }
0xaf: {  	[dreg:$0x3] =	wrdreg $0x61000  }
0xb0: {  	[dreg:$0x4] =	wrdreg $0x9  }
0xb1: {  	_ =	task.clear_ibuf [dreg:s6], $0x5FFFF;
	_ =	strace $0x90000049  }
0xb2: {  	s29 =	simm.s32 $0x9;
	_ =	strace $0x8000004B  }
0xb3: {  	_ =	swait.ge [sflag:s29], $0x1  }
0xb4: {  	[sflag:s29] =	ssyncadd.s32 $0xFFFFFFFF  }
0xb5: {  	_ =	strace $0x9000004B  }
0xb6: {  	_ =	sfence  }
0xb7: {  	s30 =	sld [smem:$0x0];
	_ =	sdelay $0x2  }
0xb8: {  	s31 =	sshll.u32 s1, $0xD;
	s1 =	sshrl.u32 s1, $0x2  }
0xb9: {  	s3 =	sand.u32 $0x4000, s31;
	s1 =	sadd.s32 s1, s30  }
0xba: {  	s0 =	sor.u32 s3, s0;
	s1 =	sshll.u32 s1, $0x11  }
0xbb: {  	s0 =	sor.u32 s1, s0  }
0xbc: {  	s0 =	sadd.s32 $0x8F2B, s0  }
0xbd: {  	[sflag:s0] =	ssyncadd.remote.s32 $0x1  }
0xbe: {  	_ =	sfence.sel $0xFFFF  }
0xbf: {  	[dreg:$0x0] =	wrdreg $0xFFFFFFFF;
	(pc) =	sbr.abs _section_cstart, $3  }
0xc0: {  	[dreg:$0x1] =	wrdreg $0xFFFFFFFF  }
0xc1: {  	_ =	task.clear_ibuf [dreg:s6], $0x2FFFF;
	_ =	strace $0x9FFFFFFF  }
0xc2: {  	(tm) =	ssettm $0x7FFFFFFF  }
0xc3: {  	_ =	shalt  }
tec
execute0_lowered:
.L_overlay_start_1:
0x0: {  	(tag) =	ssettag $0x1  }
0x1: {  	s0 =	rddreg [dreg:$0x0]  }
0x2: {  	s1 =	rddreg [dreg:$0x1]  }
0x3: {  	s2 =	simm.s32 $0x0;
	s4 =	stileid.u32;
	s5 =	srdreg.scid  }
0x4: {  	s15 =	simm.s32 $0x3;
	s16 =	simm.s32 $0x80;
	s17 =	simm.s32 $0x1080  }
0x5: {  	s18 =	simm.s32 $0x1;
	s19 =	simm.s32 $0x1000;
	s20 =	simm.s32 $0x2080  }
0x6: {  	[smem:$0x7FF] =	sst s2;
	s3 =	sadd.s32 $0x1800, s0;
	s6 =	sadd.s32 $0x21800, s0  }
0x7: {  	s21 =	sshll.u32 s4, $0x9;
	s8 =	sand.u32 $0x1, s5;
	s24 =	sshll.u32 s4, $0x4  }
0x8: {  	s25 =	sshll.u32 s4, $0xC;
	s26 =	sshll.u32 s4, $0x10;
	s29 =	sshll.u32 s4, $0x6  }
0x9: {  	p0 =	sne.s32 s4, $0x0;
	_ =	strace $0x8000004A;
	[dreg:$0x3] =	wrdreg s6  }
0xa: {  	s22 =	sadd.s32 s21, s0;
	s23 =	sshll.u32 s8, $0x4;
	s7 =	ssub.s32 $0x2, s8  }
0xb: {  	s14 =	sadd.s32 s25, s1;
	s28 =	sshll.u32 s8, $0xF;
	s10 =	sshll.u32 s8, $0x8  }
0xc: {  	s21 =	simm.s32 $0x4080;
	s12 =	sadd.s32 s23, s0;
	s9 =	sshrl.u32 s7, $0x1  }
0xd: {  	s0 =	sadd.s32 s24, s0;
	s5 =	sadd.s32 $0x21A00, s22;
	s6 =	sor.u32 s28, s26  }
0xe: {  	s14 =	sshrl.u32 s14, $0x3;
	s22 =	simm.s32 $0x2;
	s23 =	simm.s32 $0x3080  }
0xf: {  	s24 =	simm.s32 $0x5080;
	s26 =	simm.s32 $0x0;
	s13 =	ssub.s32 s7, s9  }
0x10: {  	[dreg:$0x4] =	wrdreg s5;
	s7 =	sor.u32 $0x1C03, s29;
	s30 =	sshrl.u32 s6, $0x3  }
0x11: {  	s9 =	sor.u32 $0x1000, s6;
	s0 =	sadd.s32 s10, s0;
	s31 =	sadd.s32 s3, s30  }
0x12: {  	s10 =	sor.u32 $0x2000, s6;
	s0 =	sadd.s32 $0x27E00, s0;
	[dreg:$0x5] =	wrdreg s31  }
0x13: {  	v0 =	vimm.f32 $0.0e+00;
	v1 =	vlaneseq.u32;
	s12 =	sadd.s32 $0x23E00, s12;
	s13 =	smax.u32 s13, $0x1;
	[dreg:$0x6] =	wrdreg s0  }
.LBB2_1:
0x14: {  	s0 =	rddreg [dreg:$0x4]  }
0x15: {  	[spmem:s14], [sflag:s7] =	dma.local [hbm:s0], $0x200  }
0x16: {  	_ =	swait.ge [sflag:s15], $0x200  }
0x17: {  	[sflag:s15] =	ssyncset.done $0x0  }
0x18: {  	s30 =	rddreg [dreg:$0x3];
	[sflag:s15] =	ssyncadd.s32 $0xFFFFFE00  }
0x19: {  	[tilespmem:s2], [sflag:$0x3] =	stream.linear.gather [hbm4b:s30+s2], $0x80, $0x38;
	[tilespmem:$0x7100] =	vst v63  }
0x1a: {  	_ =	swait.ge [sflag:s15], $0x80  }
0x1b: {  	[sflag:s15] =	ssyncset.done $0x0  }
0x1c: {  	[sflag:s15] =	ssyncadd.s32 $0xFFFFFF80  }
0x1d: {  	[bflag:$0x0] =	sbarrier.arrive $0xFFFF  }
0x1e: {  	v2 =	vld [tilespmem:$0x0];
	_ =	sdelay $0x3  }
0x1f: {  	s28 =	smov.u32 s6;
	s29 =	simm.s32 $0x0;
	[tilespmem:$0x6080] =	vst v0;
	s31 =	rddreg [dreg:$0x5]  }
0x20: {  	[tilespmem:s16], [sflag:$0x1] =	stream.linear.gather [hbm4b:s31+s2], $0x1000, $0x38;
	vm0 =	vlt.s32 v2, $0x0;
	[tilespmem:$0x7100] =	vst v63  }
.LBB2_2:
0x21: {  	s0 =	sshll.u32 s29, $0xD  }
0x22: {  	s0 =	sadd.s32 s9, s0  }
0x23: {  	s0 =	sshrl.u32 s0, $0x3  }
0x24: {  	s4 =	simm.s32 $0x0;
	s0 =	sadd.s32 s3, s0  }
0x25: {  	[tilespmem:s17], [sflag:$0x2] =	stream.linear.gather [hbm4b:s0+s4], $0x1000, $0x38;
	[tilespmem:$0x7100] =	vst v63  }
0x26: {  	_ =	swait.ge [sflag:s18], $0x1000  }
0x27: {  	[sflag:s18] =	ssyncset.done $0x0  }
0x28: {  	s30 =	simm.s32 $0xA0;
	[sflag:s18] =	ssyncadd.s32 $0xFFFFF000  }
0x29: {  	v3 =	vld [tilespmem:s30+$0xFFFFFFE0];
	_ =	sdelay $0x4  }
0x2a: {  	s8 =	sadd.s32 $0x0, s28;
	v4 =	vshrl.u32 v3, $0x10  }
0x2b: {  	v5 =	vor.u32 s8, v1;
	vm1 =	veq.s32 v4, v2  }
0x2c: {  	v5 =	vsel vm1, v3, v5  }
0x2d: {  	v5 =	vand.u32 $0xFFFF, v5  }
0x2e: {  	s31 =	simm.s32 $0x20A0;
	vm1 =	vmor vm0, vm1;
	v5 =	vsel vm0, v4, v5  }
0x2f: {  	s0 =	simm.s32 $0x40A0;
	[tilespmem:s31+$0xFFFFFFE0] =	vst v5;
	v5 =	vsel vm1, $0x3F800000, v0  }
0x30: {  	[tilespmem:s0+$0xFFFFFFE0] =	vst v5  }
0x31: {  	v5 =	vld [tilespmem:s30+$0xFFFFFFF0];
	_ =	sdelay $0x4  }
0x32: {  	s25 =	sadd.s32 $0x10, s8;
	v6 =	vshrl.u32 v5, $0x10  }
0x33: {  	v7 =	vor.u32 s25, v1;
	vm1 =	veq.s32 v6, v2  }
0x34: {  	v7 =	vsel vm1, v5, v7  }
0x35: {  	v7 =	vand.u32 $0xFFFF, v7  }
0x36: {  	vm1 =	vmor vm0, vm1;
	v7 =	vsel vm0, v6, v7  }
0x37: {  	[tilespmem:s31+$0xFFFFFFF0] =	vst v7;
	v7 =	vsel vm1, $0x3F800000, v0  }
0x38: {  	[tilespmem:s0+$0xFFFFFFF0] =	vst v7  }
0x39: {  	v7 =	vld [tilespmem:s30+$0x0];
	_ =	sdelay $0x4  }
0x3a: {  	s11 =	sadd.s32 $0x20, s8;
	v8 =	vshrl.u32 v7, $0x10  }
0x3b: {  	v9 =	vor.u32 s11, v1;
	vm1 =	veq.s32 v8, v2  }
0x3c: {  	v9 =	vsel vm1, v7, v9  }
0x3d: {  	v9 =	vand.u32 $0xFFFF, v9  }
0x3e: {  	vm1 =	vmor vm0, vm1;
	v9 =	vsel vm0, v8, v9  }
0x3f: {  	v63 =	vsel vm1, $0x3F800000, v0;
	[tilespmem:s31+$0x0] =	vst v9  }
0x40: {  	[tilespmem:s0+$0x0] =	vst v63  }
0x41: {  	v9 =	vld [tilespmem:s30+$0x10];
	_ =	sdelay $0x1  }
0x42: {  	vm1 =	vgt.s32 v4, v2  }
0x43: {  	v4 =	vimm.f32 $0.0e+00;
	v3 =	vnsel vm1, $0x0, v3  }
0x44: {  	vm1 =	vgt.s32 v6, v2;
	v3 =	vadd.f32 v3, v4  }
0x45: {  	s4 =	sadd.s32 $0x30, s8;
	v4 =	vnsel vm1, $0x0, v5;
	vm1 =	vgt.s32 v8, v2;
	v5 =	vshrl.u32 v9, $0x10  }
0x46: {  	v3 =	vadd.f32 v4, v3;
	v4 =	vor.u32 s4, v1;
	vm2 =	veq.s32 v5, v2  }
0x47: {  	v6 =	vnsel vm1, $0x0, v7;
	v4 =	vsel vm2, v9, v4  }
0x48: {  	v3 =	vadd.f32 v6, v3;
	vm1 =	vgt.s32 v5, v2;
	v4 =	vand.u32 $0xFFFF, v4  }
0x49: {  	vm2 =	vmor vm0, vm2;
	v6 =	vnsel vm1, $0x0, v9;
	v4 =	vsel vm0, v5, v4  }
0x4a: {  	s25 =	simm.s32 $0x40;
	v3 =	vadd.f32 v6, v3;
	[tilespmem:s31+$0x10] =	vst v4;
	v4 =	vsel vm2, $0x3F800000, v0  }
.LBB2_3:
0x4b: {  	[tilespmem:s0+$0x10] =	vst v4;
	s31 =	sadd.s32 $0x40, s31;
	s0 =	sadd.s32 $0x40, s0;
	s30 =	sadd.s32 $0x40, s30  }
0x4c: {  	p1 =	sne.s32 s25, $0xFC0;
	s4 =	smov.u32 s25;
	s25 =	sadd.s32 $0x40, s25;
	v4 =	vld [tilespmem:s30+$0xFFFFFFE0]  }
0x4d: {  	_ =	sdelay $0x3  }
0x4e: {  	s4 =	sadd.s32 s4, s28;
	v5 =	vshrl.u32 v4, $0x10  }
0x4f: {  	v6 =	vor.u32 s4, v1;
	s5 =	sadd.s32 $0x10, s4;
	s8 =	sadd.s32 $0x20, s4;
	s4 =	sadd.s32 $0x30, s4;
	vm1 =	veq.s32 v5, v2;
	vm2 =	vgt.s32 v5, v2  }
0x50: {  	vm3 =	vmor vm0, vm1;
	v6 =	vsel vm1, v4, v6;
	v4 =	vnsel vm2, $0x0, v4  }
0x51: {  	v6 =	vand.u32 $0xFFFF, v6  }
0x52: {  	v5 =	vsel vm0, v5, v6  }
0x53: {  	[tilespmem:s31+$0xFFFFFFE0] =	vst v5;
	v5 =	vsel vm3, $0x3F800000, v0  }
0x54: {  	[tilespmem:s0+$0xFFFFFFE0] =	vst v5  }
0x55: {  	v5 =	vld [tilespmem:s30+$0xFFFFFFF0];
	_ =	sdelay $0x4  }
0x56: {  	v6 =	vshrl.u32 v5, $0x10  }
0x57: {  	v7 =	vor.u32 s5, v1;
	vm1 =	veq.s32 v6, v2;
	vm2 =	vgt.s32 v6, v2  }
0x58: {  	vm3 =	vmor vm0, vm1;
	v7 =	vsel vm1, v5, v7;
	v5 =	vnsel vm2, $0x0, v5  }
0x59: {  	v7 =	vand.u32 $0xFFFF, v7  }
0x5a: {  	v6 =	vsel vm0, v6, v7  }
0x5b: {  	[tilespmem:s31+$0xFFFFFFF0] =	vst v6;
	v6 =	vsel vm3, $0x3F800000, v0  }
0x5c: {  	[tilespmem:s0+$0xFFFFFFF0] =	vst v6  }
0x5d: {  	v6 =	vld [tilespmem:s30+$0x0];
	_ =	sdelay $0x4  }
0x5e: {  	v7 =	vshrl.u32 v6, $0x10  }
0x5f: {  	v8 =	vor.u32 s8, v1;
	vm1 =	veq.s32 v7, v2;
	vm2 =	vgt.s32 v7, v2  }
0x60: {  	vm3 =	vmor vm0, vm1;
	v8 =	vsel vm1, v6, v8;
	v6 =	vnsel vm2, $0x0, v6  }
0x61: {  	v8 =	vand.u32 $0xFFFF, v8  }
0x62: {  	v7 =	vsel vm0, v7, v8  }
0x63: {  	[tilespmem:s31+$0x0] =	vst v7;
	v7 =	vsel vm3, $0x3F800000, v0  }
0x64: {  	[tilespmem:s0+$0x0] =	vst v7  }
0x65: {  	v7 =	vld [tilespmem:s30+$0x10];
	_ =	sdelay $0x1  }
0x66: {  	v3 =	vadd.f32 v4, v3;
	_ =	sdelay $0x1  }
0x67: {  	v3 =	vadd.f32 v5, v3  }
0x68: {  	v5 =	vor.u32 s4, v1;
	v4 =	vshrl.u32 v7, $0x10  }
.Ltmp0:
0x69: {  	v3 =	vadd.f32 v6, v3;
	vm1 =	veq.s32 v4, v2;
	vm2 =	vgt.s32 v4, v2;
	(pc) =	sbr.rel @p1 .LBB2_3-.Ltmp0, $4  }
0x6a: {  	vm3 =	vmor vm0, vm1;
	v5 =	vsel vm1, v7, v5;
	v6 =	vnsel vm2, $0x0, v7  }
0x6b: {  	v5 =	vand.u32 $0xFFFF, v5;
	v3 =	vadd.f32 v6, v3  }
0x6c: {  	v4 =	vsel vm0, v4, v5  }
0x6d: {  	[tilespmem:s31+$0x10] =	vst v4;
	v4 =	vsel vm3, $0x3F800000, v0  }
0x6e: {  	[tilespmem:s0+$0x10] =	vst v4  }
0x6f: {  	v4 =	vld [tilespmem:$0x6080];
	_ =	sdelay $0x4  }
0x70: {  	s5 =	sshll.u32 s29, $0x1;
	v3 =	vadd.f32 v4, v3  }
0x71: {  	s0 =	smin.u32 s5, $0x5  }
0x72: {  	s0 =	sshll.u32 s0, $0xC;
	[tilespmem:$0x6080] =	vst v3  }
0x73: {  	[spmem:s1] =	stream.indirect.scatter.add.f32 [tilespmem:s21], [sflag:$0x3], $0x1, s20, s19, $0xb8;
	[tilespmem:$0x7100] =	vst v63  }
0x74: {  	s0 =	sadd.s32 s0, s10;
	_ =	swait.ge [sflag:s15], $0x1000  }
0x75: {  	s0 =	sshrl.u32 s0, $0x3;
	[sflag:s15] =	ssyncset.done $0x0  }
0x76: {  	s4 =	simm.s32 $0x0;
	s0 =	sadd.s32 s3, s0;
	[sflag:s15] =	ssyncadd.s32 $0xFFFFF000  }
0x77: {  	[tilespmem:s16], [sflag:$0x1] =	stream.linear.gather [hbm4b:s0+s4], $0x1000, $0x38;
	[tilespmem:$0x7100] =	vst v63  }
0x78: {  	_ =	swait.ge [sflag:s22], $0x1000  }
0x79: {  	[sflag:s22] =	ssyncset.done $0x0  }
0x7a: {  	s30 =	simm.s32 $0x10A0;
	[sflag:s22] =	ssyncadd.s32 $0xFFFFF000  }
0x7b: {  	v3 =	vld [tilespmem:s30+$0xFFFFFFE0];
	_ =	sdelay $0x3  }
0x7c: {  	s8 =	sadd.s32 $0x0, s28  }
0x7d: {  	s11 =	sadd.s32 $0x1000, s8;
	v4 =	vshrl.u32 v3, $0x10  }
0x7e: {  	v5 =	vor.u32 s11, v1;
	vm1 =	veq.s32 v4, v2  }
0x7f: {  	v5 =	vsel vm1, v3, v5  }
0x80: {  	v5 =	vand.u32 $0xFFFF, v5  }
0x81: {  	s31 =	simm.s32 $0x30A0;
	vm1 =	vmor vm0, vm1;
	v5 =	vsel vm0, v4, v5  }
0x82: {  	s0 =	simm.s32 $0x50A0;
	[tilespmem:s31+$0xFFFFFFE0] =	vst v5;
	v5 =	vsel vm1, $0x3F800000, v0  }
0x83: {  	[tilespmem:s0+$0xFFFFFFE0] =	vst v5  }
0x84: {  	v5 =	vld [tilespmem:s30+$0xFFFFFFF0];
	_ =	sdelay $0x4  }
0x85: {  	s5 =	sadd.s32 $0x1010, s8;
	v6 =	vshrl.u32 v5, $0x10  }
0x86: {  	v7 =	vor.u32 s5, v1;
	vm1 =	veq.s32 v6, v2  }
0x87: {  	v7 =	vsel vm1, v5, v7  }
0x88: {  	v7 =	vand.u32 $0xFFFF, v7  }
0x89: {  	vm1 =	vmor vm0, vm1;
	v7 =	vsel vm0, v6, v7  }
0x8a: {  	[tilespmem:s31+$0xFFFFFFF0] =	vst v7;
	v7 =	vsel vm1, $0x3F800000, v0  }
0x8b: {  	[tilespmem:s0+$0xFFFFFFF0] =	vst v7  }
0x8c: {  	v7 =	vld [tilespmem:s30+$0x0];
	_ =	sdelay $0x4  }
0x8d: {  	s25 =	sadd.s32 $0x1020, s8;
	v8 =	vshrl.u32 v7, $0x10  }
0x8e: {  	v9 =	vor.u32 s25, v1;
	vm1 =	veq.s32 v8, v2  }
0x8f: {  	v9 =	vsel vm1, v7, v9  }
0x90: {  	v9 =	vand.u32 $0xFFFF, v9  }
0x91: {  	vm1 =	vmor vm0, vm1;
	v9 =	vsel vm0, v8, v9  }
0x92: {  	v63 =	vsel vm1, $0x3F800000, v0;
	[tilespmem:s31+$0x0] =	vst v9  }
0x93: {  	[tilespmem:s0+$0x0] =	vst v63  }
0x94: {  	v9 =	vld [tilespmem:s30+$0x10];
	_ =	sdelay $0x1  }
0x95: {  	vm1 =	vgt.s32 v4, v2  }
0x96: {  	v4 =	vimm.f32 $0.0e+00;
	v3 =	vnsel vm1, $0x0, v3  }
0x97: {  	vm1 =	vgt.s32 v6, v2;
	v3 =	vadd.f32 v3, v4  }
0x98: {  	s4 =	sadd.s32 $0x1030, s8;
	v4 =	vnsel vm1, $0x0, v5;
	vm1 =	vgt.s32 v8, v2;
	v5 =	vshrl.u32 v9, $0x10  }
0x99: {  	v3 =	vadd.f32 v4, v3;
	v4 =	vor.u32 s4, v1;
	vm2 =	veq.s32 v5, v2  }
0x9a: {  	v6 =	vnsel vm1, $0x0, v7;
	v4 =	vsel vm2, v9, v4  }
0x9b: {  	v3 =	vadd.f32 v6, v3;
	vm1 =	vgt.s32 v5, v2;
	v4 =	vand.u32 $0xFFFF, v4  }
0x9c: {  	vm2 =	vmor vm0, vm2;
	v6 =	vnsel vm1, $0x0, v9;
	v4 =	vsel vm0, v5, v4  }
0x9d: {  	s25 =	simm.s32 $0x40;
	v3 =	vadd.f32 v6, v3;
	[tilespmem:s31+$0x10] =	vst v4;
	v4 =	vsel vm2, $0x3F800000, v0  }
.LBB2_5:
0x9e: {  	[tilespmem:s0+$0x10] =	vst v4;
	s31 =	sadd.s32 $0x40, s31;
	s0 =	sadd.s32 $0x40, s0;
	s30 =	sadd.s32 $0x40, s30  }
0x9f: {  	p1 =	sne.s32 s25, $0xFC0;
	s4 =	smov.u32 s25;
	s25 =	sadd.s32 $0x40, s25;
	v4 =	vld [tilespmem:s30+$0xFFFFFFE0]  }
0xa0: {  	_ =	sdelay $0x2  }
0xa1: {  	s4 =	sadd.s32 s4, s28  }
0xa2: {  	s5 =	sadd.s32 $0x1000, s4;
	s8 =	sadd.s32 $0x1010, s4;
	s11 =	sadd.s32 $0x1020, s4;
	v5 =	vshrl.u32 v4, $0x10  }
0xa3: {  	s4 =	sadd.s32 $0x1030, s4;
	v6 =	vor.u32 s5, v1;
	vm1 =	veq.s32 v5, v2;
	vm2 =	vgt.s32 v5, v2  }
0xa4: {  	vm3 =	vmor vm0, vm1;
	v6 =	vsel vm1, v4, v6;
	v4 =	vnsel vm2, $0x0, v4  }
0xa5: {  	v6 =	vand.u32 $0xFFFF, v6  }
0xa6: {  	v5 =	vsel vm0, v5, v6  }
0xa7: {  	[tilespmem:s31+$0xFFFFFFE0] =	vst v5;
	v5 =	vsel vm3, $0x3F800000, v0  }
0xa8: {  	[tilespmem:s0+$0xFFFFFFE0] =	vst v5  }
0xa9: {  	v5 =	vld [tilespmem:s30+$0xFFFFFFF0];
	_ =	sdelay $0x4  }
0xaa: {  	v6 =	vshrl.u32 v5, $0x10  }
0xab: {  	v7 =	vor.u32 s8, v1;
	vm1 =	veq.s32 v6, v2;
	vm2 =	vgt.s32 v6, v2  }
0xac: {  	vm3 =	vmor vm0, vm1;
	v7 =	vsel vm1, v5, v7;
	v5 =	vnsel vm2, $0x0, v5  }
0xad: {  	v7 =	vand.u32 $0xFFFF, v7  }
0xae: {  	v6 =	vsel vm0, v6, v7  }
0xaf: {  	[tilespmem:s31+$0xFFFFFFF0] =	vst v6;
	v6 =	vsel vm3, $0x3F800000, v0  }
0xb0: {  	[tilespmem:s0+$0xFFFFFFF0] =	vst v6  }
0xb1: {  	v6 =	vld [tilespmem:s30+$0x0];
	_ =	sdelay $0x4  }
0xb2: {  	v7 =	vshrl.u32 v6, $0x10  }
0xb3: {  	v8 =	vor.u32 s11, v1;
	vm1 =	veq.s32 v7, v2;
	vm2 =	vgt.s32 v7, v2  }
0xb4: {  	vm3 =	vmor vm0, vm1;
	v8 =	vsel vm1, v6, v8;
	v6 =	vnsel vm2, $0x0, v6  }
0xb5: {  	v8 =	vand.u32 $0xFFFF, v8  }
0xb6: {  	v7 =	vsel vm0, v7, v8  }
0xb7: {  	[tilespmem:s31+$0x0] =	vst v7;
	v7 =	vsel vm3, $0x3F800000, v0  }
0xb8: {  	[tilespmem:s0+$0x0] =	vst v7  }
0xb9: {  	v7 =	vld [tilespmem:s30+$0x10];
	_ =	sdelay $0x1  }
0xba: {  	v3 =	vadd.f32 v4, v3;
	_ =	sdelay $0x1  }
0xbb: {  	v3 =	vadd.f32 v5, v3  }
0xbc: {  	v5 =	vor.u32 s4, v1;
	v4 =	vshrl.u32 v7, $0x10  }
.Ltmp1:
0xbd: {  	v3 =	vadd.f32 v6, v3;
	vm1 =	veq.s32 v4, v2;
	vm2 =	vgt.s32 v4, v2;
	(pc) =	sbr.rel @p1 .LBB2_5-.Ltmp1, $4  }
0xbe: {  	vm3 =	vmor vm0, vm1;
	v5 =	vsel vm1, v7, v5;
	v6 =	vnsel vm2, $0x0, v7  }
0xbf: {  	v5 =	vand.u32 $0xFFFF, v5;
	v3 =	vadd.f32 v6, v3  }
0xc0: {  	v4 =	vsel vm0, v4, v5  }
0xc1: {  	[tilespmem:s31+$0x10] =	vst v4;
	v4 =	vsel vm3, $0x3F800000, v0  }
0xc2: {  	[tilespmem:s0+$0x10] =	vst v4  }
0xc3: {  	v4 =	vld [tilespmem:$0x6080];
	_ =	sdelay $0x4  }
0xc4: {  	s29 =	sadd.s32 $0x1, s29;
	v3 =	vadd.f32 v4, v3  }
0xc5: {  	p1 =	sne.s32 s29, $0x4  }
.Ltmp2:
0xc6: {  	[tilespmem:$0x6080] =	vst v3;
	(pc) =	sbr.rel @p1 .LBB2_2-.Ltmp2, $4  }
0xc7: {  	[spmem:s1] =	stream.indirect.scatter.add.f32 [tilespmem:s24], [sflag:$0x3], $0x1, s23, s19, $0xb8;
	[tilespmem:$0x7100] =	vst v63  }
0xc8: {  	_ =	swait.ge [sflag:s15], $0x1000  }
0xc9: {  	[sflag:s15] =	ssyncset.done $0x0  }
0xca: {  	s28 =	sadd.s32 $0x2000, s28;
	[sflag:s15] =	ssyncadd.s32 $0xFFFFF000  }
0xcb: {  	_ =	swait.ge [sflag:s18], $0x1000  }
0xcc: {  	[sflag:s18] =	ssyncset.done $0x0  }
0xcd: {  	s4 =	simm.s32 $0x6080;
	s0 =	rddreg [dreg:$0x6];
	[sflag:s18] =	ssyncadd.s32 $0xFFFFF000  }
0xce: {  	[hbm4b:s0+s2] =	stream.linear.scatter [tilespmem:s4], [sflag:$0x3], $0x80, $0x38;
	[tilespmem:$0x7100] =	vst v63  }
0xcf: {  	_ =	swait.ge [sflag:s15], $0x80  }
0xd0: {  	s5 =	simm.s32 @!p0 $0x20;
	s26 =	sadd.s32 $0x1, s26;
	[sflag:s15] =	ssyncset.done $0x0  }
0xd1: {  	s8 =	simm.s32 @!p0 $0x10;
	p1 =	sne.s32 s26, s13;
	[sflag:s15] =	ssyncadd.s32 $0xFFFFFF80  }
0xd2: {  	s0 =	sshrl.u32 @!p0 s1, $0x3;
	s4 =	simm.s32 @!p0 $0x1;
	[bflag:$0x0] =	sbarrier.arrive $0xFFFF  }
0xd3: {  	[hbm:s12@s5], [sflag:s7] =	dma.strided @!p0 [spmem:s0@s8], $0x2000, s4, $0x10   }
.Ltmp3:
0xd4: {  	_ = 	snop;
	(pc) =	sbr.rel @p1 .LBB2_1-.Ltmp3, $4  }
0xd5: {  	s0 =	simm.s32 @!p0 $0x3  }
0xd6: {  	_ =	swait.ge @!p0 [sflag:s0], $0x2000  }
0xd7: {  	[sflag:s0] =	ssyncset.done @!p0 $0x0  }
0xd8: {  	[sflag:s0] =	ssyncadd.s32 @!p0 $0xFFFFE000  }
0xd9: {  	_ =	sfence.sel $0x180000  }
0xda: {  	[bflag:$0x0] =	sbarrier.arrive $0xFFFF  }
0xdb: {  	_ =	strace $0x9000004A  }
0xdc: {  	[bflag:$0x2] =	sbarrier.arrive $0xFFFF  }
0xdd: {  	s0 =	rddreg [dreg:$0x2]  }
0xde: {  	s0 =	sadd.s32 @!p0 $0x100000, s0  }
0xdf: {  	[sflag:s0] =	ssyncadd.tile.s32 @!p0 $0x1;
	_ =	shalt  }
.Lfunc_end2:
_tile_overlayer_lowered:
.L_overlay_start_2:
0xe0: {  	(tag) =	ssettag $0x2  }
0xe1: {  	s0 =	rddreg [dreg:$0x0];
	s2 =	stileid.u32  }
0xe2: {  	s1 =	rddreg [dreg:$0x1];
	p0 =	sne.s32 s2, $0x0  }
0xe3: {  	s3 =	rddreg [dreg:$0x2];
	[bflag:$0x3] =	sbarrier.arrive $0xFFFF;
	s2 =	simm.s32 @!p0 $0x1C03  }
0xe4: {  	[timem:s3], [sflag:s2] =	dma.local @!p0 [hbm:s0], s1  }
0xe5: {  	s0 =	simm.s32 @!p0 $0x3  }
0xe6: {  	_ =	swait.ge @!p0 [sflag:s0], s1  }
0xe7: {  	s1 =	ssub.s32 @!p0 $0x0, s1;
	[sflag:s0] =	ssyncset.done @!p0 $0x0  }
0xe8: {  	[sflag:s0] =	ssyncadd.s32 @!p0 s1  }
0xe9: {  	[bflag:$0x3] =	sbarrier.arrive $0xFFFF  }
0xea: {  	_ =	shalt  }

// kernel: kernel.14.cloned.1.call-start
scs
__scs_entry_jumppad:
0x0: {  	(pc) =	sbr.rel $0x88, $3  }
0x1: {  	(tag) =	ssettag $0x0;
	lr =	simm.s32 $0x1  }
0x2: {  	[smem:$0x3F9F] =	sst lr;
	_ =	strace $0xD0000000  }
0x3: {  	_ = 	snop  }
0x4: {  	_ = 	snop  }
0x5: {  	_ = 	snop  }
0x6: {  	_ = 	snop  }
0x7: {  	_ = 	snop  }
__scs_overlays_trampoline_lowered:
0x8: {  	[smem:$0x3FAE] =	sst s0  }
0x9: {  	[smem:$0x3FAF] =	sst s1  }
0xa: {  	[smem:$0x3FB0] =	sst s2  }
0xb: {  	[smem:$0x3FB1] =	sst s3  }
0xc: {  	[smem:$0x3FB2] =	sst s4  }
0xd: {  	[smem:$0x3FB3] =	sst s5  }
0xe: {  	[smem:$0x3FB4] =	sst s6  }
0xf: {  	[smem:$0x3FB5] =	sst s7  }
0x10: {  	[smem:$0x3FB6] =	sst s8  }
0x11: {  	[smem:$0x3FB7] =	sst s9;
	s0 =	simm.s32 @!p0 $0x0  }
0x12: {  	s1 =	sld [smem:$0x3F9D];
	s0 =	simm.s32 @p0 $0x1  }
0x13: {  	[smem:$0x3FB8] =	sst s0;
	s0 =	simm.s32 @!p1 $0x0  }
0x14: {  	s2 =	sld [smem:$0x3F9C];
	s0 =	simm.s32 @p1 $0x1  }
0x15: {  	[smem:$0x3FB9] =	sst s0;
	s0 =	simm.s32 @!p2 $0x0  }
0x16: {  	s3 =	sld [smem:$0x3FDB];
	s0 =	simm.s32 @p2 $0x1  }
0x17: {  	s4 =	simm.s32 $0x1BF5;
	[smem:$0x3FBB] =	sst s0  }
0x18: {  	s0 =	sld [smem:$0x3F9E];
	_ =	swait.ge [sflag:s4], $0x0  }
0x19: {  	s7 =	sld [smem:$0x3F9F]  }
0x1a: {  	s8 =	sadd.s32 $0xFFFFE003, lr  }
0x1b: {  	s9 =	sadd.s32 $0xFFFFFEF7, lr;
	s5 =	simm.s32 $0xFFFFFFFF;
	p2 =	slt.u32 s8, $0xFFFFF086  }
0x1c: {  	p1 =	slt.u32 s9, $0xF7A;
	s5 =	simm.s32 @!p2 $0x0  }
0x1d: {  	s5 =	simm.s32 @p1 $0x1;
	p0 =	seq.s32 s7, s2  }
0x1e: {  	s7 =	smul.u32 @!p0 $0xF7A, s2;
	p2 =	seq.s32 @!p0 s5, $0x0  }
0x1f: {  	s9 =	smul.u32 $0xF7A, s1;
	s8 =	simm.s32 @!p0 $0x1BF5;
	p2 =	por !p2, p0  }
0x20: {  	[sflag:s8] =	ssyncset.s32 @!p0 $0xFFFFF086;
	s6 =	sadd.s32 @!p0 s3, s7;
	s7 =	simm.s32 @!p0 $0x108  }
0x21: {  	s3 =	sadd.s32 s3, s9;
	s6 =	sadd.s32 @!p0 $0x88, s6;
	s7 =	simm.s32 @p2 $0x1082  }
0x22: {  	[simem:s7], [sflag:s8] =	dma.local @!p0 [hbm:s6], $0xF7A  }
0x23: {  	s9 =	sor.u32 $0xD0000000, s2;
	s6 =	simm.s32 $0x108;
	_ =	swait.ge @!p0 [sflag:s8], $0x0  }
0x24: {  	s3 =	sadd.s32 $0x88, s3;
	s6 =	simm.s32 @!p1 $0x1082;
	[sflag:s4] =	ssyncset.s32 $0xFFFFF086  }
0x25: {  	[simem:s6], [sflag:s4] =	dma.local [hbm:s3], $0xF7A  }
0x26: {  	[smem:$0x3F9F] =	sst s1;
	(tag) =	ssettag s2;
	_ =	strace s9  }
0x27: {  	s1 =	sld [smem:$0x3FAF]  }
0x28: {  	s2 =	sld [smem:$0x3FB0]  }
0x29: {  	s4 =	sld [smem:$0x3FB2]  }
0x2a: {  	p0 =	seq.s32 s5, $0x0;
	s5 =	sld [smem:$0x3FB3]  }
0x2b: {  	s6 =	sld [smem:$0x3FB4]  }
0x2c: {  	s7 =	sld [smem:$0x3FB5]  }
0x2d: {  	s3 =	simm.s32 $0x108;
	s8 =	sld [smem:$0x3FB6]  }
0x2e: {  	s3 =	simm.s32 @!p0 $0x1082;
	s9 =	sld [smem:$0x3FB7]  }
0x2f: {  	lr =	sadd.s32 s0, s3;
	s0 =	sld [smem:$0x3FAE]  }
0x30: {  	s3 =	sld [smem:$0x3FB1]  }
0x31: {  	[smem:$0x3FBA] =	sst s10  }
0x32: {  	s10 =	sld [smem:$0x3FB8];
	_ =	sdelay $0x3  }
0x33: {  	p0 =	seq.s32 s10, $0x1;
	s10 =	sld [smem:$0x3FBA];
	_ =	sdelay $0x3  }
0x34: {  	[smem:$0x3FBA] =	sst s10  }
0x35: {  	s10 =	sld [smem:$0x3FB9];
	_ =	sdelay $0x3  }
0x36: {  	p1 =	seq.s32 s10, $0x1;
	s10 =	sld [smem:$0x3FBA];
	_ =	sdelay $0x3  }
0x37: {  	[smem:$0x3FBA] =	sst s10  }
0x38: {  	s10 =	sld [smem:$0x3FBB]  }
0x39: {  	_ = 	snop;
	(pc) =	sbr.ind lr, $3  }
0x3a: {  	_ = 	snop  }
0x3b: {  	_ = 	snop  }
0x3c: {  	p2 =	seq.s32 s10, $0x1;
	s10 =	sld [smem:$0x3FBA]  }
0x3d: {  	_ =	shalt  }
0x3e: {  	_ =	shalt  }
0x3f: {  	_ =	shalt  }
0x40: {  	_ =	shalt  }
0x41: {  	_ =	shalt  }
0x42: {  	_ =	shalt  }
0x43: {  	_ =	shalt  }
0x44: {  	_ =	shalt  }
0x45: {  	_ =	shalt  }
0x46: {  	_ =	shalt  }
0x47: {  	_ =	shalt  }
0x48: {  	_ =	shalt  }
0x49: {  	_ =	shalt  }
0x4a: {  	_ =	shalt  }
0x4b: {  	_ =	shalt  }
0x4c: {  	_ =	shalt  }
0x4d: {  	_ =	shalt  }
0x4e: {  	_ =	shalt  }
0x4f: {  	_ =	shalt  }
0x50: {  	_ =	shalt  }
0x51: {  	_ =	shalt  }
0x52: {  	_ =	shalt  }
0x53: {  	_ =	shalt  }
0x54: {  	_ =	shalt  }
0x55: {  	_ =	shalt  }
0x56: {  	_ =	shalt  }
0x57: {  	_ =	shalt  }
0x58: {  	_ =	shalt  }
0x59: {  	_ =	shalt  }
0x5a: {  	_ =	shalt  }
0x5b: {  	_ =	shalt  }
0x5c: {  	_ =	shalt  }
0x5d: {  	_ =	shalt  }
0x5e: {  	_ =	shalt  }
0x5f: {  	_ =	shalt  }
0x60: {  	_ =	shalt  }
0x61: {  	_ =	shalt  }
0x62: {  	_ =	shalt  }
0x63: {  	_ =	shalt  }
0x64: {  	_ =	shalt  }
0x65: {  	_ =	shalt  }
0x66: {  	_ =	shalt  }
0x67: {  	_ =	shalt  }
0x68: {  	_ =	shalt  }
0x69: {  	_ =	shalt  }
0x6a: {  	_ =	shalt  }
0x6b: {  	_ =	shalt  }
0x6c: {  	_ =	shalt  }
0x6d: {  	_ =	shalt  }
0x6e: {  	_ =	shalt  }
0x6f: {  	_ =	shalt  }
0x70: {  	_ =	shalt  }
0x71: {  	_ =	shalt  }
0x72: {  	_ =	shalt  }
0x73: {  	_ =	shalt  }
0x74: {  	_ =	shalt  }
0x75: {  	_ =	shalt  }
0x76: {  	_ =	shalt  }
0x77: {  	_ =	shalt  }
0x78: {  	_ =	shalt  }
0x79: {  	_ =	shalt  }
0x7a: {  	_ =	shalt  }
0x7b: {  	_ =	shalt  }
0x7c: {  	_ =	shalt  }
0x7d: {  	_ =	shalt  }
0x7e: {  	_ =	shalt  }
0x7f: {  	_ =	shalt  }
0x80: {  	_ =	shalt  }
0x81: {  	_ =	shalt  }
0x82: {  	_ =	shalt  }
0x83: {  	_ =	shalt  }
0x84: {  	_ =	shalt  }
0x85: {  	_ =	shalt  }
0x86: {  	_ =	shalt  }
0x87: {  	_ =	shalt  }
.Lfunc_end0:
.L_simem_size_0:
called_computation.2_lowered:
.L_overlay_start_0:
0x88: {  	s2 =	sld [smem:$0x3FD9]  }
0x89: {  	s3 =	sld [smem:$0x3FFE];
	_ =	sdelay $0x1  }
0x8a: {  	s1 =	srdreg.scid  }
0x8b: {  	s0 =	sand.u32 $0x1, s1  }
0x8c: {  	s16 =	sshll.u32 s0, $0xA;
	s2 =	sadd.s32 s3, s2  }
0x8d: {  	s2 =	sadd.s32 s2, s16  }
0x8e: {  	[smem:$0x3FC6] =	sst s2  }
0x8f: {  	_ = 	snop  }
0x90: {  	(tm) =	ssettm $0x1  }
0x91: {  	s17 =	sld [smem:$0x3FFB];
	_ =	sdelay $0x3  }
0x92: {  	_ =	strace s17  }
0x93: {  	s2 =	sld [smem:$0x3FFC];
	_ =	sdelay $0x3  }
0x94: {  	_ =	strace s2  }
0x95: {  	s2 =	sld [smem:$0x3FFD];
	_ =	sdelay $0x3  }
0x96: {  	_ =	strace s2  }
0x97: {  	_ =	strace $0x8FFFFFFF  }
0x98: {  	s18 =	sld [smem:$0x3FDB];
	_ =	sdelay $0x1  }
0x99: {  	s19 =	simm.s32 $_scs_section_size  }
0x9a: {  	s4 =	simm.s32 $_size__tile_overlayer_lowered;
	s5 =	simm.s32 $_tile_overlayer_lowered  }
0x9b: {  	s22 =	simm.s32 $0x1BFF;
	s21 =	sshll.u32 s5, $0x1;
	s2 =	sadd.s32 s19, s18  }
0x9c: {  	s6 =	simm.s32 $0x0;
	s20 =	sshll.u32 s4, $0x1;
	s4 =	sadd.s32 s21, s2  }
0x9d: {  	[timem:s6], [sflag:s22] =	dma.local [hbm:s4], s20  }
0x9e: {  	_ =	swait.ge [sflag:s22], s20  }
0x9f: {  	s3 =	ssub.s32 $0x0, s20;
	[sflag:s22] =	ssyncset.done $0x0  }
0xa0: {  	[sflag:s22] =	ssyncadd.s32 s3;
	_ =	sdelay $0x1  }
0xa1: {  	s23 =	simm.s32 $0x1B8B  }
0xa2: {  	_ =	swait.ge [sflag:s23], $0x1  }
0xa3: {  	[sflag:s23] =	ssyncset.done $0x0  }
0xa4: {  	s25 =	simm.s32 $0x1B8E;
	s24 =	sld [smem:$0x3FFE];
	[sflag:s23] =	ssyncadd.s32 $0xFFFFFFFF  }
0xa5: {  	s26 =	simm.s32 $execute0_lowered;
	[smem:$0x3FD2] =	sst s25  }
0xa6: {  	s4 =	sshll.u32 s26, $0x1;
	_ =	strace $0x8000004C;
	[dreg:$0x1] =	wrdreg $0xFFFFFFFF  }
0xa7: {  	s28 =	simm.s32 $_size_execute0_lowered;
	s2 =	sadd.s32 s2, s4;
	[dreg:$0x0] =	wrdreg $0x0  }
0xa8: {  	s4 =	sshll.u32 s28, $0x1;
	[dreg:$0x2] =	wrdreg s2  }
0xa9: {  	[dreg:$0x3] =	wrdreg s4  }
0xaa: {  	[dreg:$0x4] =	wrdreg $0xC0  }
0xab: {  	_ =	task [dreg:s6], $0x5FFFF  }
0xac: {  	[dreg:$0x1] =	wrdreg $0xFFFFFFFF  }
0xad: {  	[dreg:$0x0] =	wrdreg $0x60  }
0xae: {  	[dreg:$0x2] =	wrdreg s24  }
0xaf: {  	[dreg:$0x3] =	wrdreg $0x9  }
0xb0: {  	_ =	task.clear_ibuf [dreg:s6], $0x4FFFF;
	_ =	strace $0x9000004C  }
0xb1: {  	s29 =	simm.s32 $0x9;
	_ =	strace $0x8000004E  }
0xb2: {  	_ =	swait.ge [sflag:s29], $0x1  }
0xb3: {  	[sflag:s29] =	ssyncadd.s32 $0xFFFFFFFF  }
0xb4: {  	_ =	strace $0x9000004E  }
0xb5: {  	_ =	sfence  }
0xb6: {  	s30 =	sld [smem:$0x0];
	_ =	sdelay $0x2  }
0xb7: {  	s31 =	sshll.u32 s1, $0xD;
	s1 =	sshrl.u32 s1, $0x2  }
0xb8: {  	s3 =	sand.u32 $0x4000, s31;
	s1 =	sadd.s32 s1, s30  }
0xb9: {  	s0 =	sor.u32 s3, s0;
	s1 =	sshll.u32 s1, $0x11  }
0xba: {  	s0 =	sor.u32 s1, s0  }
0xbb: {  	s0 =	sadd.s32 $0x8F2B, s0  }
0xbc: {  	[sflag:s0] =	ssyncadd.remote.s32 $0x1  }
0xbd: {  	_ =	sfence.sel $0xFFFF  }
0xbe: {  	[dreg:$0x0] =	wrdreg $0xFFFFFFFF;
	(pc) =	sbr.abs _section_cstart, $3  }
0xbf: {  	[dreg:$0x1] =	wrdreg $0xFFFFFFFF  }
0xc0: {  	_ =	task.clear_ibuf [dreg:s6], $0x2FFFF;
	_ =	strace $0x9FFFFFFF  }
0xc1: {  	(tm) =	ssettm $0x7FFFFFFF  }
tec
execute0_lowered:
.L_overlay_start_1:
0x0: {  	(tag) =	ssettag $0x1  }
0x1: {  	s5 =	rddreg [dreg:$0x0]  }
0x2: {  	s0 =	rddreg [dreg:$0x1];
	s1 =	simm.s32 $0x0  }
0x3: {  	s4 =	srdreg.scid;
	s2 =	stileid.u32;
	s11 =	simm.s32 $0x80  }
0x4: {  	s12 =	simm.s32 $0x1080;
	s13 =	simm.s32 $0x1;
	s14 =	simm.s32 $0x2  }
0x5: {  	s15 =	simm.s32 $0x2080;
	s16 =	simm.s32 $0x0;
	[smem:$0x7FF] =	sst s1  }
0x6: {  	s3 =	sadd.s32 $0x1800, s5;
	s6 =	sand.u32 $0x1, s4;
	s4 =	sadd.s32 $0x21800, s5  }
0x7: {  	s7 =	sshll.u32 s2, $0x10;
	s9 =	sshll.u32 s2, $0x4;
	_ =	strace $0x8000004D  }
0x8: {  	s8 =	sshll.u32 s6, $0xF;
	s10 =	ssub.s32 $0x2, s6;
	s28 =	sadd.s32 s9, s5  }
0x9: {  	s31 =	sshll.u32 s6, $0x8;
	s7 =	sor.u32 s8, s7;
	s29 =	sshrl.u32 s10, $0x1  }
0xa: {  	s8 =	sadd.s32 s31, s28;
	s30 =	sshrl.u32 s7, $0x3;
	s10 =	ssub.s32 s10, s29  }
0xb: {  	s6 =	sor.u32 $0x1000, s7;
	s7 =	sor.u32 $0x2000, s7;
	s8 =	sadd.s32 $0x22000, s8  }
0xc: {  	s5 =	sadd.s32 s3, s30;
	s9 =	smax.u32 s10, $0x1;
	s10 =	simm.s32 $0x3  }
.LBB2_1:
0xd: {  	[tilespmem:s1], [sflag:$0x3] =	stream.linear.gather [hbm4b:s4+s1], $0x80, $0x38;
	[tilespmem:$0x2100] =	vst v63  }
0xe: {  	_ =	swait.ge [sflag:s10], $0x80  }
0xf: {  	[sflag:s10] =	ssyncset.done $0x0  }
0x10: {  	[sflag:s10] =	ssyncadd.s32 $0xFFFFFF80  }
0x11: {  	v0 =	vld [tilespmem:$0x0]  }
0x12: {  	v1 =	vld [tilespmem:$0x10];
	_ =	sdelay $0x2  }
0x13: {  	s17 =	simm.s32 $0x0  }
0x14: {  	v8 =	vimm.f32 $0.0e+00;
	[tilespmem:s11], [sflag:$0x1] =	stream.linear.gather [hbm4b:s5+s1], $0x1000, $0x38;
	[tilespmem:$0x2100] =	vst v63  }
.LBB2_2:
0x15: {  	s18 =	sshll.u32 s17, $0xD  }
0x16: {  	s18 =	sadd.s32 s6, s18  }
0x17: {  	s18 =	sshrl.u32 s18, $0x3  }
0x18: {  	s19 =	simm.s32 $0x0;
	s18 =	sadd.s32 s3, s18  }
0x19: {  	[tilespmem:s12], [sflag:$0x2] =	stream.linear.gather [hbm4b:s18+s19], $0x1000, $0x38;
	[tilespmem:$0x2100] =	vst v63  }
0x1a: {  	_ =	swait.ge [sflag:s13], $0x1000  }
0x1b: {  	[sflag:s13] =	ssyncset.done $0x0  }
0x1c: {  	s31 =	simm.s32 $0x0;
	[sflag:s13] =	ssyncadd.s32 $0xFFFFF000  }
0x1d: {  	v2 =	vld [tilespmem:s31+$0xB0]  }
0x1e: {  	v3 =	vld [tilespmem:s31+$0x80]  }
0x1f: {  	v6 =	vld [tilespmem:s31+$0x90]  }
0x20: {  	v5 =	vld [tilespmem:s31+$0xA0];
	_ =	sdelay $0x2  }
0x21: {  	v4 =	vshrl.u32 v2, $0x10;
	v7 =	vshrl.u32 v3, $0x10;
	v9 =	vand.u32 $0xFFFF, v3  }
0x22: {  	v10 =	vand.u32 $0xFFFF, v6;
	vm0 =	veq.s32 v7, v0;
	vm1 =	vgt.s32 v9, v1  }
0x23: {  	v7 =	vshrl.u32 v5, $0x10;
	v9 =	vshrl.u32 v6, $0x10;
	vm0 =	vmand vm0, vm1  }
0x24: {  	s19 =	simm.s32 $0x40;
	vm1 =	vgt.s32 v10, v1;
	v11 =	vnsel vm0, $0x0, v3;
	vm0 =	veq.s32 v9, v0  }
0x25: {  	s18 =	simm.s32 $0x200;
	v3 =	vld [tilespmem:s19+$0xB0];
	v9 =	vand.u32 $0xFFFF, v5;
	v8 =	vadd.f32 v11, v8;
	vm0 =	vmand vm0, vm1  }
.LBB2_3:
0x26: {  	p0 =	sne.s32 s18, $0x3F00;
	v10 =	vld [tilespmem:s19+$0x80];
	v6 =	vnsel vm0, $0x0, v6;
	vm0 =	veq.s32 v7, v0;
	vm1 =	vgt.s32 v9, v1  }
0x27: {  	v9 =	vld [tilespmem:s19+$0xA0];
	v7 =	vadd.f32 v6, v8;
	vm0 =	vmand vm0, vm1;
	v8 =	vand.u32 $0xFFFF, v2  }
0x28: {  	v6 =	vld [tilespmem:s19+$0x90];
	v5 =	vnsel vm0, $0x0, v5;
	vm0 =	veq.s32 v4, v0;
	vm1 =	vgt.s32 v8, v1  }
0x29: {  	v12 =	vadd.f32 v5, v7;
	vm0 =	vmand vm0, vm1  }
0x2a: {  	v4 =	vshrl.u32 v3, $0x10;
	v7 =	vnsel vm0, $0x0, v2;
	v2 =	vmov v3  }
.Ltmp0:
0x2b: {  	v3 =	vshrl.u32 v10, $0x10;
	v8 =	vand.u32 $0xFFFF, v10;
	v11 =	vadd.f32 v7, v12;
	(pc) =	sbr.rel @p0 .LBB2_3-.Ltmp0, $4  }
0x2c: {  	vm0 =	veq.s32 v3, v0;
	vm1 =	vgt.s32 v8, v1;
	v7 =	vshrl.u32 v9, $0x10;
	v5 =	vmovc v9  }
0x2d: {  	vm0 =	vmand vm0, vm1;
	v3 =	vshrl.u32 v6, $0x10;
	v8 =	vand.u32 $0xFFFF, v6  }
0x2e: {  	s19 =	sshra.s32 s18, $0x2;
	v9 =	vnsel vm0, $0x0, v10;
	vm0 =	veq.s32 v3, v0;
	vm1 =	vgt.s32 v8, v1  }
0x2f: {  	s18 =	sadd.s32 $0x100, s18;
	v3 =	vld [tilespmem:s19+$0xB0];
	v8 =	vadd.f32 v9, v11;
	vm0 =	vmand vm0, vm1;
	v9 =	vand.u32 $0xFFFF, v5  }
0x30: {  	v10 =	vld [tilespmem:s19+$0x80];
	v6 =	vnsel vm0, $0x0, v6;
	vm0 =	veq.s32 v7, v0;
	vm1 =	vgt.s32 v9, v1;
	s18 =	sshll.u32 s17, $0x1  }
0x31: {  	v7 =	vld [tilespmem:s19+$0xA0];
	v6 =	vadd.f32 v6, v8;
	vm0 =	vmand vm0, vm1;
	v8 =	vand.u32 $0xFFFF, v2;
	s18 =	smin.u32 s18, $0x5  }
0x32: {  	v9 =	vld [tilespmem:s19+$0x90];
	v5 =	vnsel vm0, $0x0, v5;
	vm0 =	veq.s32 v4, v0;
	vm1 =	vgt.s32 v8, v1;
	s18 =	sshll.u32 s18, $0xC  }
0x33: {  	v4 =	vadd.f32 v5, v6;
	vm0 =	vmand vm0, vm1;
	s18 =	sadd.s32 s18, s7  }
0x34: {  	v5 =	vshrl.u32 v3, $0x10;
	v2 =	vnsel vm0, $0x0, v2;
	s18 =	sshrl.u32 s18, $0x3  }
0x35: {  	s30 =	simm.s32 $0x0;
	v6 =	vshrl.u32 v10, $0x10;
	v8 =	vand.u32 $0xFFFF, v10;
	v2 =	vadd.f32 v2, v4;
	s18 =	sadd.s32 s3, s18  }
0x36: {  	v4 =	vshrl.u32 v7, $0x10;
	vm0 =	veq.s32 v6, v0;
	vm1 =	vgt.s32 v8, v1;
	[tilespmem:s11], [sflag:$0x1] =	stream.linear.gather [hbm4b:s18+s30], $0x1000, $0x38;
	[tilespmem:$0x2100] =	vst v63  }
0x37: {  	v6 =	vshrl.u32 v9, $0x10;
	v8 =	vand.u32 $0xFFFF, v9;
	vm0 =	vmand vm0, vm1;
	_ =	swait.ge [sflag:s14], $0x1000  }
0x38: {  	vm1 =	vgt.s32 v8, v1;
	v10 =	vnsel vm0, $0x0, v10;
	vm0 =	veq.s32 v6, v0;
	[sflag:s14] =	ssyncset.done $0x0  }
0x39: {  	s31 =	simm.s32 $0x0;
	v6 =	vadd.f32 v10, v2;
	vm0 =	vmand vm0, vm1;
	v2 =	vand.u32 $0xFFFF, v7;
	[sflag:s14] =	ssyncadd.s32 $0xFFFFF000  }
0x3a: {  	v8 =	vnsel vm0, $0x0, v9;
	vm0 =	veq.s32 v4, v0;
	vm1 =	vgt.s32 v2, v1;
	v2 =	vld [tilespmem:s31+$0x10B0]  }
0x3b: {  	v4 =	vadd.f32 v8, v6;
	vm0 =	vmand vm0, vm1;
	v6 =	vand.u32 $0xFFFF, v3;
	v8 =	vld [tilespmem:s31+$0x1080]  }
0x3c: {  	v7 =	vnsel vm0, $0x0, v7;
	vm0 =	veq.s32 v5, v0;
	vm1 =	vgt.s32 v6, v1;
	v5 =	vld [tilespmem:s31+$0x10A0]  }
0x3d: {  	v6 =	vld [tilespmem:s31+$0x1090];
	v4 =	vadd.f32 v7, v4;
	vm0 =	vmand vm0, vm1  }
0x3e: {  	v3 =	vnsel vm0, $0x0, v3  }
0x3f: {  	v9 =	vadd.f32 v3, v4  }
0x40: {  	v4 =	vshrl.u32 v2, $0x10;
	v3 =	vshrl.u32 v8, $0x10;
	v7 =	vand.u32 $0xFFFF, v8  }
0x41: {  	vm0 =	veq.s32 v3, v0;
	vm1 =	vgt.s32 v7, v1;
	v7 =	vshrl.u32 v5, $0x10  }
0x42: {  	v3 =	vshrl.u32 v6, $0x10;
	v10 =	vand.u32 $0xFFFF, v6;
	vm0 =	vmand vm0, vm1  }
0x43: {  	s19 =	simm.s32 $0x40;
	vm1 =	vgt.s32 v10, v1;
	v8 =	vnsel vm0, $0x0, v8;
	vm0 =	veq.s32 v3, v0  }
0x44: {  	s18 =	simm.s32 $0x200;
	v3 =	vld [tilespmem:s19+$0x10B0];
	v8 =	vadd.f32 v8, v9;
	vm0 =	vmand vm0, vm1;
	v9 =	vand.u32 $0xFFFF, v5  }
.LBB2_5:
0x45: {  	p0 =	sne.s32 s18, $0x3F00;
	v10 =	vld [tilespmem:s19+$0x1080];
	v6 =	vnsel vm0, $0x0, v6;
	vm0 =	veq.s32 v7, v0;
	vm1 =	vgt.s32 v9, v1  }
0x46: {  	v9 =	vld [tilespmem:s19+$0x10A0];
	v7 =	vadd.f32 v6, v8;
	vm0 =	vmand vm0, vm1;
	v8 =	vand.u32 $0xFFFF, v2  }
0x47: {  	v6 =	vld [tilespmem:s19+$0x1090];
	v5 =	vnsel vm0, $0x0, v5;
	vm0 =	veq.s32 v4, v0;
	vm1 =	vgt.s32 v8, v1  }
0x48: {  	v12 =	vadd.f32 v5, v7;
	vm0 =	vmand vm0, vm1  }
0x49: {  	v4 =	vshrl.u32 v3, $0x10;
	v7 =	vnsel vm0, $0x0, v2;
	v2 =	vmov v3  }
.Ltmp1:
0x4a: {  	v3 =	vshrl.u32 v10, $0x10;
	v8 =	vand.u32 $0xFFFF, v10;
	v11 =	vadd.f32 v7, v12;
	(pc) =	sbr.rel @p0 .LBB2_5-.Ltmp1, $4  }
0x4b: {  	vm0 =	veq.s32 v3, v0;
	vm1 =	vgt.s32 v8, v1;
	v7 =	vshrl.u32 v9, $0x10;
	v5 =	vmovc v9  }
0x4c: {  	vm0 =	vmand vm0, vm1;
	v3 =	vshrl.u32 v6, $0x10;
	v8 =	vand.u32 $0xFFFF, v6  }
0x4d: {  	s19 =	sshra.s32 s18, $0x2;
	v9 =	vnsel vm0, $0x0, v10;
	vm0 =	veq.s32 v3, v0;
	vm1 =	vgt.s32 v8, v1  }
0x4e: {  	s18 =	sadd.s32 $0x100, s18;
	v3 =	vld [tilespmem:s19+$0x10B0];
	v8 =	vadd.f32 v9, v11;
	vm0 =	vmand vm0, vm1;
	v9 =	vand.u32 $0xFFFF, v5  }
0x4f: {  	v10 =	vld [tilespmem:s19+$0x1080];
	v6 =	vnsel vm0, $0x0, v6;
	vm5 =	veq.s32 v7, v0;
	vm1 =	vgt.s32 v9, v1  }
0x50: {  	v7 =	vld [tilespmem:s19+$0x10A0];
	v6 =	vadd.f32 v6, v8;
	vm0 =	vmand vm5, vm1;
	v8 =	vand.u32 $0xFFFF, v2  }
0x51: {  	v9 =	vld [tilespmem:s19+$0x1090];
	vm6 =	veq.s32 v4, v0;
	v5 =	vnsel vm0, $0x0, v5;
	vm7 =	vgt.s32 v8, v1  }
0x52: {  	v60 =	vadd.f32 v5, v6;
	vm0 =	vmand vm6, vm7  }
0x53: {  	v61 =	vshrl.u32 v3, $0x10;
	v2 =	vnsel vm0, $0x0, v2  }
0x54: {  	v6 =	vshrl.u32 v10, $0x10;
	v8 =	vand.u32 $0xFFFF, v10;
	v2 =	vadd.f32 v2, v60  }
0x55: {  	v62 =	vshrl.u32 v7, $0x10;
	vm8 =	veq.s32 v6, v0;
	vm9 =	vgt.s32 v8, v1  }
0x56: {  	v6 =	vshrl.u32 v9, $0x10;
	v8 =	vand.u32 $0xFFFF, v9;
	vm0 =	vmand vm8, vm9  }
0x57: {  	vm10 =	veq.s32 v6, v0;
	vm11 =	vgt.s32 v8, v1;
	v10 =	vnsel vm0, $0x0, v10  }
0x58: {  	s17 =	sadd.s32 $0x1, s17;
	v6 =	vand.u32 $0xFFFF, v7;
	vm0 =	vmand vm10, vm11;
	v2 =	vadd.f32 v10, v2  }
0x59: {  	p0 =	sne.s32 s17, $0x4;
	vm12 =	veq.s32 v62, v0;
	vm13 =	vgt.s32 v6, v1;
	v8 =	vnsel vm0, $0x0, v9  }
.Ltmp2:
0x5a: {  	v63 =	vand.u32 $0xFFFF, v3;
	vm0 =	vmand vm12, vm13;
	v2 =	vadd.f32 v8, v2;
	(pc) =	sbr.rel @p0 .LBB2_2-.Ltmp2, $4  }
0x5b: {  	vm14 =	veq.s32 v61, v0;
	vm15 =	vgt.s32 v63, v1;
	v6 =	vnsel vm0, $0x0, v7  }
0x5c: {  	vm0 =	vmand vm14, vm15;
	v2 =	vadd.f32 v6, v2  }
0x5d: {  	v3 =	vnsel vm0, $0x0, v3  }
0x5e: {  	v8 =	vadd.f32 v3, v2  }
0x5f: {  	_ =	swait.ge [sflag:s13], $0x1000  }
0x60: {  	s16 =	sadd.s32 $0x1, s16;
	[sflag:s13] =	ssyncset.done $0x0  }
0x61: {  	p0 =	sne.s32 s16, s9;
	[sflag:s13] =	ssyncadd.s32 $0xFFFFF000  }
.Ltmp3:
0x62: {  	[tilespmem:$0x2080] =	vst v8;
	(pc) =	sbr.rel @p0 .LBB2_1-.Ltmp3, $4  }
0x63: {  	[hbm4b:s8+s1] =	stream.linear.scatter [tilespmem:s15], [sflag:$0x3], $0x80, $0x38;
	[tilespmem:$0x2100] =	vst v63  }
0x64: {  	_ =	swait.ge [sflag:s10], $0x80  }
0x65: {  	[sflag:s10] =	ssyncset.done $0x0  }
0x66: {  	[sflag:s10] =	ssyncadd.s32 $0xFFFFFF80  }
0x67: {  	_ =	sfence.sel $0x180000  }
0x68: {  	[bflag:$0x0] =	sbarrier.arrive $0xFFFF  }
0x69: {  	p0 =	sne.s32 s2, $0x0;
	_ =	strace $0x9000004D  }
0x6a: {  	s0 =	sadd.s32 @!p0 $0x100000, s0;
	[bflag:$0x2] =	sbarrier.arrive $0xFFFF  }
0x6b: {  	[sflag:s0] =	ssyncadd.tile.s32 @!p0 $0x1;
	_ =	shalt  }
.Lfunc_end2:
_tile_overlayer_lowered:
.L_overlay_start_2:
0x6c: {  	(tag) =	ssettag $0x2  }
0x6d: {  	s0 =	rddreg [dreg:$0x0];
	s2 =	stileid.u32  }
0x6e: {  	s1 =	rddreg [dreg:$0x1];
	p0 =	sne.s32 s2, $0x0  }
0x6f: {  	s3 =	rddreg [dreg:$0x2];
	[bflag:$0x3] =	sbarrier.arrive $0xFFFF;
	s2 =	simm.s32 @!p0 $0x1C03  }
0x70: {  	[timem:s3], [sflag:s2] =	dma.local @!p0 [hbm:s0], s1  }
0x71: {  	s0 =	simm.s32 @!p0 $0x3  }
0x72: {  	_ =	swait.ge @!p0 [sflag:s0], s1  }
0x73: {  	s1 =	ssub.s32 @!p0 $0x0, s1;
	[sflag:s0] =	ssyncset.done @!p0 $0x0  }
0x74: {  	[sflag:s0] =	ssyncadd.s32 @!p0 s1  }
0x75: {  	[bflag:$0x3] =	sbarrier.arrive $0xFFFF  }
0x76: {  	_ =	shalt  }

// kernel: kernel.8.cloned.1.call-start
scs
__scs_entry_jumppad:
0x0: {  	(pc) =	sbr.rel $0x88, $3  }
0x1: {  	(tag) =	ssettag $0x0;
	lr =	simm.s32 $0x1  }
0x2: {  	[smem:$0x3F9F] =	sst lr;
	_ =	strace $0xD0000000  }
0x3: {  	_ = 	snop  }
0x4: {  	_ = 	snop  }
0x5: {  	_ = 	snop  }
0x6: {  	_ = 	snop  }
0x7: {  	_ = 	snop  }
__scs_overlays_trampoline_lowered:
0x8: {  	[smem:$0x3FAE] =	sst s0  }
0x9: {  	[smem:$0x3FAF] =	sst s1  }
0xa: {  	[smem:$0x3FB0] =	sst s2  }
0xb: {  	[smem:$0x3FB1] =	sst s3  }
0xc: {  	[smem:$0x3FB2] =	sst s4  }
0xd: {  	[smem:$0x3FB3] =	sst s5  }
0xe: {  	[smem:$0x3FB4] =	sst s6  }
0xf: {  	[smem:$0x3FB5] =	sst s7  }
0x10: {  	[smem:$0x3FB6] =	sst s8  }
0x11: {  	[smem:$0x3FB7] =	sst s9;
	s0 =	simm.s32 @!p0 $0x0  }
0x12: {  	s1 =	sld [smem:$0x3F9D];
	s0 =	simm.s32 @p0 $0x1  }
0x13: {  	[smem:$0x3FB8] =	sst s0;
	s0 =	simm.s32 @!p1 $0x0  }
0x14: {  	s2 =	sld [smem:$0x3F9C];
	s0 =	simm.s32 @p1 $0x1  }
0x15: {  	[smem:$0x3FB9] =	sst s0;
	s0 =	simm.s32 @!p2 $0x0  }
0x16: {  	s3 =	sld [smem:$0x3FDB];
	s0 =	simm.s32 @p2 $0x1  }
0x17: {  	s4 =	simm.s32 $0x1BF5;
	[smem:$0x3FBB] =	sst s0  }
0x18: {  	s0 =	sld [smem:$0x3F9E];
	_ =	swait.ge [sflag:s4], $0x0  }
0x19: {  	s7 =	sld [smem:$0x3F9F]  }
0x1a: {  	s8 =	sadd.s32 $0xFFFFE003, lr  }
0x1b: {  	s9 =	sadd.s32 $0xFFFFFEF7, lr;
	s5 =	simm.s32 $0xFFFFFFFF;
	p2 =	slt.u32 s8, $0xFFFFF086  }
0x1c: {  	p1 =	slt.u32 s9, $0xF7A;
	s5 =	simm.s32 @!p2 $0x0  }
0x1d: {  	s5 =	simm.s32 @p1 $0x1;
	p0 =	seq.s32 s7, s2  }
0x1e: {  	s7 =	smul.u32 @!p0 $0xF7A, s2;
	p2 =	seq.s32 @!p0 s5, $0x0  }
0x1f: {  	s9 =	smul.u32 $0xF7A, s1;
	s8 =	simm.s32 @!p0 $0x1BF5;
	p2 =	por !p2, p0  }
0x20: {  	[sflag:s8] =	ssyncset.s32 @!p0 $0xFFFFF086;
	s6 =	sadd.s32 @!p0 s3, s7;
	s7 =	simm.s32 @!p0 $0x108  }
0x21: {  	s3 =	sadd.s32 s3, s9;
	s6 =	sadd.s32 @!p0 $0x88, s6;
	s7 =	simm.s32 @p2 $0x1082  }
0x22: {  	[simem:s7], [sflag:s8] =	dma.local @!p0 [hbm:s6], $0xF7A  }
0x23: {  	s9 =	sor.u32 $0xD0000000, s2;
	s6 =	simm.s32 $0x108;
	_ =	swait.ge @!p0 [sflag:s8], $0x0  }
0x24: {  	s3 =	sadd.s32 $0x88, s3;
	s6 =	simm.s32 @!p1 $0x1082;
	[sflag:s4] =	ssyncset.s32 $0xFFFFF086  }
0x25: {  	[simem:s6], [sflag:s4] =	dma.local [hbm:s3], $0xF7A  }
0x26: {  	[smem:$0x3F9F] =	sst s1;
	(tag) =	ssettag s2;
	_ =	strace s9  }
0x27: {  	s1 =	sld [smem:$0x3FAF]  }
0x28: {  	s2 =	sld [smem:$0x3FB0]  }
0x29: {  	s4 =	sld [smem:$0x3FB2]  }
0x2a: {  	p0 =	seq.s32 s5, $0x0;
	s5 =	sld [smem:$0x3FB3]  }
0x2b: {  	s6 =	sld [smem:$0x3FB4]  }
0x2c: {  	s7 =	sld [smem:$0x3FB5]  }
0x2d: {  	s3 =	simm.s32 $0x108;
	s8 =	sld [smem:$0x3FB6]  }
0x2e: {  	s3 =	simm.s32 @!p0 $0x1082;
	s9 =	sld [smem:$0x3FB7]  }
0x2f: {  	lr =	sadd.s32 s0, s3;
	s0 =	sld [smem:$0x3FAE]  }
0x30: {  	s3 =	sld [smem:$0x3FB1]  }
0x31: {  	[smem:$0x3FBA] =	sst s10  }
0x32: {  	s10 =	sld [smem:$0x3FB8];
	_ =	sdelay $0x3  }
0x33: {  	p0 =	seq.s32 s10, $0x1;
	s10 =	sld [smem:$0x3FBA];
	_ =	sdelay $0x3  }
0x34: {  	[smem:$0x3FBA] =	sst s10  }
0x35: {  	s10 =	sld [smem:$0x3FB9];
	_ =	sdelay $0x3  }
0x36: {  	p1 =	seq.s32 s10, $0x1;
	s10 =	sld [smem:$0x3FBA];
	_ =	sdelay $0x3  }
0x37: {  	[smem:$0x3FBA] =	sst s10  }
0x38: {  	s10 =	sld [smem:$0x3FBB]  }
0x39: {  	_ = 	snop;
	(pc) =	sbr.ind lr, $3  }
0x3a: {  	_ = 	snop  }
0x3b: {  	_ = 	snop  }
0x3c: {  	p2 =	seq.s32 s10, $0x1;
	s10 =	sld [smem:$0x3FBA]  }
0x3d: {  	_ =	shalt  }
0x3e: {  	_ =	shalt  }
0x3f: {  	_ =	shalt  }
0x40: {  	_ =	shalt  }
0x41: {  	_ =	shalt  }
0x42: {  	_ =	shalt  }
0x43: {  	_ =	shalt  }
0x44: {  	_ =	shalt  }
0x45: {  	_ =	shalt  }
0x46: {  	_ =	shalt  }
0x47: {  	_ =	shalt  }
0x48: {  	_ =	shalt  }
0x49: {  	_ =	shalt  }
0x4a: {  	_ =	shalt  }
0x4b: {  	_ =	shalt  }
0x4c: {  	_ =	shalt  }
0x4d: {  	_ =	shalt  }
0x4e: {  	_ =	shalt  }
0x4f: {  	_ =	shalt  }
0x50: {  	_ =	shalt  }
0x51: {  	_ =	shalt  }
0x52: {  	_ =	shalt  }
0x53: {  	_ =	shalt  }
0x54: {  	_ =	shalt  }
0x55: {  	_ =	shalt  }
0x56: {  	_ =	shalt  }
0x57: {  	_ =	shalt  }
0x58: {  	_ =	shalt  }
0x59: {  	_ =	shalt  }
0x5a: {  	_ =	shalt  }
0x5b: {  	_ =	shalt  }
0x5c: {  	_ =	shalt  }
0x5d: {  	_ =	shalt  }
0x5e: {  	_ =	shalt  }
0x5f: {  	_ =	shalt  }
0x60: {  	_ =	shalt  }
0x61: {  	_ =	shalt  }
0x62: {  	_ =	shalt  }
0x63: {  	_ =	shalt  }
0x64: {  	_ =	shalt  }
0x65: {  	_ =	shalt  }
0x66: {  	_ =	shalt  }
0x67: {  	_ =	shalt  }
0x68: {  	_ =	shalt  }
0x69: {  	_ =	shalt  }
0x6a: {  	_ =	shalt  }
0x6b: {  	_ =	shalt  }
0x6c: {  	_ =	shalt  }
0x6d: {  	_ =	shalt  }
0x6e: {  	_ =	shalt  }
0x6f: {  	_ =	shalt  }
0x70: {  	_ =	shalt  }
0x71: {  	_ =	shalt  }
0x72: {  	_ =	shalt  }
0x73: {  	_ =	shalt  }
0x74: {  	_ =	shalt  }
0x75: {  	_ =	shalt  }
0x76: {  	_ =	shalt  }
0x77: {  	_ =	shalt  }
0x78: {  	_ =	shalt  }
0x79: {  	_ =	shalt  }
0x7a: {  	_ =	shalt  }
0x7b: {  	_ =	shalt  }
0x7c: {  	_ =	shalt  }
0x7d: {  	_ =	shalt  }
0x7e: {  	_ =	shalt  }
0x7f: {  	_ =	shalt  }
0x80: {  	_ =	shalt  }
0x81: {  	_ =	shalt  }
0x82: {  	_ =	shalt  }
0x83: {  	_ =	shalt  }
0x84: {  	_ =	shalt  }
0x85: {  	_ =	shalt  }
0x86: {  	_ =	shalt  }
0x87: {  	_ =	shalt  }
.Lfunc_end0:
.L_simem_size_0:
called_computation_lowered:
.L_overlay_start_0:
0x88: {  	s2 =	sld [smem:$0x3FD9]  }
0x89: {  	s3 =	sld [smem:$0x3FFE];
	_ =	sdelay $0x1  }
0x8a: {  	s1 =	srdreg.scid  }
0x8b: {  	s0 =	sand.u32 $0x1, s1  }
0x8c: {  	s16 =	sshll.u32 s0, $0xA;
	s2 =	sadd.s32 s3, s2  }
0x8d: {  	s2 =	sadd.s32 s2, s16  }
0x8e: {  	[smem:$0x3FC6] =	sst s2  }
0x8f: {  	_ = 	snop  }
0x90: {  	(tm) =	ssettm $0x1  }
0x91: {  	s17 =	sld [smem:$0x3FFB];
	_ =	sdelay $0x3  }
0x92: {  	_ =	strace s17  }
0x93: {  	s2 =	sld [smem:$0x3FFC];
	_ =	sdelay $0x3  }
0x94: {  	_ =	strace s2  }
0x95: {  	s2 =	sld [smem:$0x3FFD];
	_ =	sdelay $0x3  }
0x96: {  	_ =	strace s2  }
0x97: {  	_ =	strace $0x8FFFFFFF  }
0x98: {  	s18 =	sld [smem:$0x3FDB];
	_ =	sdelay $0x1  }
0x99: {  	s19 =	simm.s32 $_scs_section_size  }
0x9a: {  	s4 =	simm.s32 $_size__tile_overlayer_lowered;
	s5 =	simm.s32 $_tile_overlayer_lowered  }
0x9b: {  	s22 =	simm.s32 $0x1BFF;
	s21 =	sshll.u32 s5, $0x1;
	s2 =	sadd.s32 s19, s18  }
0x9c: {  	s6 =	simm.s32 $0x0;
	s20 =	sshll.u32 s4, $0x1;
	s4 =	sadd.s32 s21, s2  }
0x9d: {  	[timem:s6], [sflag:s22] =	dma.local [hbm:s4], s20  }
0x9e: {  	_ =	swait.ge [sflag:s22], s20  }
0x9f: {  	s3 =	ssub.s32 $0x0, s20;
	[sflag:s22] =	ssyncset.done $0x0  }
0xa0: {  	[sflag:s22] =	ssyncadd.s32 s3;
	_ =	sdelay $0x1  }
0xa1: {  	s23 =	simm.s32 $0x1B8B  }
0xa2: {  	_ =	swait.ge [sflag:s23], $0x1  }
0xa3: {  	[sflag:s23] =	ssyncset.done $0x0  }
0xa4: {  	s25 =	simm.s32 $0x1B8E;
	s24 =	sld [smem:$0x3FFE];
	[sflag:s23] =	ssyncadd.s32 $0xFFFFFFFF  }
0xa5: {  	s26 =	simm.s32 $execute0_lowered;
	[smem:$0x3FD2] =	sst s25  }
0xa6: {  	s4 =	sshll.u32 s26, $0x1;
	_ =	strace $0x80000046;
	[dreg:$0x1] =	wrdreg $0xFFFFFFFF  }
0xa7: {  	s28 =	simm.s32 $_size_execute0_lowered;
	s2 =	sadd.s32 s2, s4;
	[dreg:$0x0] =	wrdreg $0x0  }
0xa8: {  	s4 =	sshll.u32 s28, $0x1;
	[dreg:$0x2] =	wrdreg s2  }
0xa9: {  	[dreg:$0x3] =	wrdreg s4  }
0xaa: {  	[dreg:$0x4] =	wrdreg $0xC0  }
0xab: {  	_ =	task [dreg:s6], $0x5FFFF  }
0xac: {  	[dreg:$0x1] =	wrdreg $0xFFFFFFFF  }
0xad: {  	[dreg:$0x0] =	wrdreg $0x60  }
0xae: {  	[dreg:$0x2] =	wrdreg s24  }
0xaf: {  	[dreg:$0x3] =	wrdreg $0x61000  }
0xb0: {  	[dreg:$0x4] =	wrdreg $0x9  }
0xb1: {  	_ =	task.clear_ibuf [dreg:s6], $0x5FFFF;
	_ =	strace $0x90000046  }
0xb2: {  	s29 =	simm.s32 $0x9;
	_ =	strace $0x80000048  }
0xb3: {  	_ =	swait.ge [sflag:s29], $0x1  }
0xb4: {  	[sflag:s29] =	ssyncadd.s32 $0xFFFFFFFF  }
0xb5: {  	_ =	strace $0x90000048  }
0xb6: {  	_ =	sfence  }
0xb7: {  	s30 =	sld [smem:$0x0];
	_ =	sdelay $0x2  }
0xb8: {  	s31 =	sshll.u32 s1, $0xD;
	s1 =	sshrl.u32 s1, $0x2  }
0xb9: {  	s3 =	sand.u32 $0x4000, s31;
	s1 =	sadd.s32 s1, s30  }
0xba: {  	s0 =	sor.u32 s3, s0;
	s1 =	sshll.u32 s1, $0x11  }
0xbb: {  	s0 =	sor.u32 s1, s0  }
0xbc: {  	s0 =	sadd.s32 $0x8F2B, s0  }
0xbd: {  	[sflag:s0] =	ssyncadd.remote.s32 $0x1  }
0xbe: {  	_ =	sfence.sel $0xFFFF  }
0xbf: {  	[dreg:$0x0] =	wrdreg $0xFFFFFFFF;
	(pc) =	sbr.abs _section_cstart, $3  }
0xc0: {  	[dreg:$0x1] =	wrdreg $0xFFFFFFFF  }
0xc1: {  	_ =	task.clear_ibuf [dreg:s6], $0x2FFFF;
	_ =	strace $0x9FFFFFFF  }
0xc2: {  	(tm) =	ssettm $0x7FFFFFFF  }
0xc3: {  	_ =	shalt  }
tec
execute0_lowered:
.L_overlay_start_1:
0x0: {  	(tag) =	ssettag $0x1  }
0x1: {  	s0 =	rddreg [dreg:$0x0]  }
0x2: {  	s1 =	rddreg [dreg:$0x1]  }
0x3: {  	s2 =	simm.s32 $0x0;
	s4 =	stileid.u32;
	s5 =	srdreg.scid  }
0x4: {  	s15 =	simm.s32 $0x3;
	s16 =	simm.s32 $0x80;
	s17 =	simm.s32 $0x1080  }
0x5: {  	s18 =	simm.s32 $0x1;
	s19 =	simm.s32 $0x1000;
	s20 =	simm.s32 $0x2080  }
0x6: {  	[smem:$0x7FF] =	sst s2;
	s3 =	sadd.s32 $0x1800, s0;
	s6 =	sadd.s32 $0x21800, s0  }
0x7: {  	s21 =	sshll.u32 s4, $0x9;
	s8 =	sand.u32 $0x1, s5;
	s24 =	sshll.u32 s4, $0x4  }
0x8: {  	s25 =	sshll.u32 s4, $0xC;
	s26 =	sshll.u32 s4, $0x10;
	s29 =	sshll.u32 s4, $0x6  }
0x9: {  	p0 =	sne.s32 s4, $0x0;
	_ =	strace $0x80000047;
	[dreg:$0x3] =	wrdreg s6  }
0xa: {  	s22 =	sadd.s32 s21, s0;
	s23 =	sshll.u32 s8, $0x4;
	s7 =	ssub.s32 $0x2, s8  }
0xb: {  	s14 =	sadd.s32 s25, s1;
	s28 =	sshll.u32 s8, $0xF;
	s10 =	sshll.u32 s8, $0x8  }
0xc: {  	s21 =	simm.s32 $0x4080;
	s12 =	sadd.s32 s23, s0;
	s9 =	sshrl.u32 s7, $0x1  }
0xd: {  	s0 =	sadd.s32 s24, s0;
	s5 =	sadd.s32 $0x21A00, s22;
	s6 =	sor.u32 s28, s26  }
0xe: {  	s14 =	sshrl.u32 s14, $0x3;
	s22 =	simm.s32 $0x2;
	s23 =	simm.s32 $0x3080  }
0xf: {  	s24 =	simm.s32 $0x5080;
	s26 =	simm.s32 $0x0;
	s13 =	ssub.s32 s7, s9  }
0x10: {  	[dreg:$0x4] =	wrdreg s5;
	s7 =	sor.u32 $0x1C03, s29;
	s30 =	sshrl.u32 s6, $0x3  }
0x11: {  	s9 =	sor.u32 $0x1000, s6;
	s0 =	sadd.s32 s10, s0;
	s31 =	sadd.s32 s3, s30  }
0x12: {  	s10 =	sor.u32 $0x2000, s6;
	s0 =	sadd.s32 $0x23A00, s0;
	[dreg:$0x5] =	wrdreg s31  }
0x13: {  	v0 =	vimm.f32 $0.0e+00;
	v1 =	vlaneseq.u32;
	s12 =	sadd.s32 $0x23C00, s12;
	s13 =	smax.u32 s13, $0x1;
	[dreg:$0x6] =	wrdreg s0  }
.LBB2_1:
0x14: {  	s0 =	rddreg [dreg:$0x4]  }
0x15: {  	[spmem:s14], [sflag:s7] =	dma.local [hbm:s0], $0x200  }
0x16: {  	_ =	swait.ge [sflag:s15], $0x200  }
0x17: {  	[sflag:s15] =	ssyncset.done $0x0  }
0x18: {  	s30 =	rddreg [dreg:$0x3];
	[sflag:s15] =	ssyncadd.s32 $0xFFFFFE00  }
0x19: {  	[tilespmem:s2], [sflag:$0x3] =	stream.linear.gather [hbm4b:s30+s2], $0x80, $0x38;
	[tilespmem:$0x7100] =	vst v63  }
0x1a: {  	_ =	swait.ge [sflag:s15], $0x80  }
0x1b: {  	[sflag:s15] =	ssyncset.done $0x0  }
0x1c: {  	[sflag:s15] =	ssyncadd.s32 $0xFFFFFF80  }
0x1d: {  	[bflag:$0x0] =	sbarrier.arrive $0xFFFF  }
0x1e: {  	v2 =	vld [tilespmem:$0x0];
	_ =	sdelay $0x3  }
0x1f: {  	s28 =	smov.u32 s6;
	s29 =	simm.s32 $0x0;
	[tilespmem:$0x6080] =	vst v0;
	s31 =	rddreg [dreg:$0x5]  }
0x20: {  	[tilespmem:s16], [sflag:$0x1] =	stream.linear.gather [hbm4b:s31+s2], $0x1000, $0x38;
	vm0 =	vlt.s32 v2, $0x0;
	[tilespmem:$0x7100] =	vst v63  }
.LBB2_2:
0x21: {  	s0 =	sshll.u32 s29, $0xD  }
0x22: {  	s0 =	sadd.s32 s9, s0  }
0x23: {  	s0 =	sshrl.u32 s0, $0x3  }
0x24: {  	s4 =	simm.s32 $0x0;
	s0 =	sadd.s32 s3, s0  }
0x25: {  	[tilespmem:s17], [sflag:$0x2] =	stream.linear.gather [hbm4b:s0+s4], $0x1000, $0x38;
	[tilespmem:$0x7100] =	vst v63  }
0x26: {  	_ =	swait.ge [sflag:s18], $0x1000  }
0x27: {  	[sflag:s18] =	ssyncset.done $0x0  }
0x28: {  	s30 =	simm.s32 $0xA0;
	[sflag:s18] =	ssyncadd.s32 $0xFFFFF000  }
0x29: {  	v3 =	vld [tilespmem:s30+$0xFFFFFFE0];
	_ =	sdelay $0x4  }
0x2a: {  	s8 =	sadd.s32 $0x0, s28;
	v4 =	vshrl.u32 v3, $0x10  }
0x2b: {  	v5 =	vor.u32 s8, v1;
	vm1 =	veq.s32 v4, v2  }
0x2c: {  	v5 =	vsel vm1, v3, v5  }
0x2d: {  	v5 =	vand.u32 $0xFFFF, v5  }
0x2e: {  	s31 =	simm.s32 $0x20A0;
	vm1 =	vmor vm0, vm1;
	v5 =	vsel vm0, v4, v5  }
0x2f: {  	s0 =	simm.s32 $0x40A0;
	[tilespmem:s31+$0xFFFFFFE0] =	vst v5;
	v5 =	vsel vm1, $0x3F800000, v0  }
0x30: {  	[tilespmem:s0+$0xFFFFFFE0] =	vst v5  }
0x31: {  	v5 =	vld [tilespmem:s30+$0xFFFFFFF0];
	_ =	sdelay $0x4  }
0x32: {  	s25 =	sadd.s32 $0x10, s8;
	v6 =	vshrl.u32 v5, $0x10  }
0x33: {  	v7 =	vor.u32 s25, v1;
	vm1 =	veq.s32 v6, v2  }
0x34: {  	v7 =	vsel vm1, v5, v7  }
0x35: {  	v7 =	vand.u32 $0xFFFF, v7  }
0x36: {  	vm1 =	vmor vm0, vm1;
	v7 =	vsel vm0, v6, v7  }
0x37: {  	[tilespmem:s31+$0xFFFFFFF0] =	vst v7;
	v7 =	vsel vm1, $0x3F800000, v0  }
0x38: {  	[tilespmem:s0+$0xFFFFFFF0] =	vst v7  }
0x39: {  	v7 =	vld [tilespmem:s30+$0x0];
	_ =	sdelay $0x4  }
0x3a: {  	s11 =	sadd.s32 $0x20, s8;
	v8 =	vshrl.u32 v7, $0x10  }
0x3b: {  	v9 =	vor.u32 s11, v1;
	vm1 =	veq.s32 v8, v2  }
0x3c: {  	v9 =	vsel vm1, v7, v9  }
0x3d: {  	v9 =	vand.u32 $0xFFFF, v9  }
0x3e: {  	vm1 =	vmor vm0, vm1;
	v9 =	vsel vm0, v8, v9  }
0x3f: {  	v63 =	vsel vm1, $0x3F800000, v0;
	[tilespmem:s31+$0x0] =	vst v9  }
0x40: {  	[tilespmem:s0+$0x0] =	vst v63  }
0x41: {  	v9 =	vld [tilespmem:s30+$0x10];
	_ =	sdelay $0x1  }
0x42: {  	vm1 =	vgt.s32 v4, v2  }
0x43: {  	v4 =	vimm.f32 $0.0e+00;
	v3 =	vnsel vm1, $0x0, v3  }
0x44: {  	vm1 =	vgt.s32 v6, v2;
	v3 =	vadd.f32 v3, v4  }
0x45: {  	s4 =	sadd.s32 $0x30, s8;
	v4 =	vnsel vm1, $0x0, v5;
	vm1 =	vgt.s32 v8, v2;
	v5 =	vshrl.u32 v9, $0x10  }
0x46: {  	v3 =	vadd.f32 v4, v3;
	v4 =	vor.u32 s4, v1;
	vm2 =	veq.s32 v5, v2  }
0x47: {  	v6 =	vnsel vm1, $0x0, v7;
	v4 =	vsel vm2, v9, v4  }
0x48: {  	v3 =	vadd.f32 v6, v3;
	vm1 =	vgt.s32 v5, v2;
	v4 =	vand.u32 $0xFFFF, v4  }
0x49: {  	vm2 =	vmor vm0, vm2;
	v6 =	vnsel vm1, $0x0, v9;
	v4 =	vsel vm0, v5, v4  }
0x4a: {  	s25 =	simm.s32 $0x40;
	v3 =	vadd.f32 v6, v3;
	[tilespmem:s31+$0x10] =	vst v4;
	v4 =	vsel vm2, $0x3F800000, v0  }
.LBB2_3:
0x4b: {  	[tilespmem:s0+$0x10] =	vst v4;
	s31 =	sadd.s32 $0x40, s31;
	s0 =	sadd.s32 $0x40, s0;
	s30 =	sadd.s32 $0x40, s30  }
0x4c: {  	p1 =	sne.s32 s25, $0xFC0;
	s4 =	smov.u32 s25;
	s25 =	sadd.s32 $0x40, s25;
	v4 =	vld [tilespmem:s30+$0xFFFFFFE0]  }
0x4d: {  	_ =	sdelay $0x3  }
0x4e: {  	s4 =	sadd.s32 s4, s28;
	v5 =	vshrl.u32 v4, $0x10  }
0x4f: {  	v6 =	vor.u32 s4, v1;
	s5 =	sadd.s32 $0x10, s4;
	s8 =	sadd.s32 $0x20, s4;
	s4 =	sadd.s32 $0x30, s4;
	vm1 =	veq.s32 v5, v2;
	vm2 =	vgt.s32 v5, v2  }
0x50: {  	vm3 =	vmor vm0, vm1;
	v6 =	vsel vm1, v4, v6;
	v4 =	vnsel vm2, $0x0, v4  }
0x51: {  	v6 =	vand.u32 $0xFFFF, v6  }
0x52: {  	v5 =	vsel vm0, v5, v6  }
0x53: {  	[tilespmem:s31+$0xFFFFFFE0] =	vst v5;
	v5 =	vsel vm3, $0x3F800000, v0  }
0x54: {  	[tilespmem:s0+$0xFFFFFFE0] =	vst v5  }
0x55: {  	v5 =	vld [tilespmem:s30+$0xFFFFFFF0];
	_ =	sdelay $0x4  }
0x56: {  	v6 =	vshrl.u32 v5, $0x10  }
0x57: {  	v7 =	vor.u32 s5, v1;
	vm1 =	veq.s32 v6, v2;
	vm2 =	vgt.s32 v6, v2  }
0x58: {  	vm3 =	vmor vm0, vm1;
	v7 =	vsel vm1, v5, v7;
	v5 =	vnsel vm2, $0x0, v5  }
0x59: {  	v7 =	vand.u32 $0xFFFF, v7  }
0x5a: {  	v6 =	vsel vm0, v6, v7  }
0x5b: {  	[tilespmem:s31+$0xFFFFFFF0] =	vst v6;
	v6 =	vsel vm3, $0x3F800000, v0  }
0x5c: {  	[tilespmem:s0+$0xFFFFFFF0] =	vst v6  }
0x5d: {  	v6 =	vld [tilespmem:s30+$0x0];
	_ =	sdelay $0x4  }
0x5e: {  	v7 =	vshrl.u32 v6, $0x10  }
0x5f: {  	v8 =	vor.u32 s8, v1;
	vm1 =	veq.s32 v7, v2;
	vm2 =	vgt.s32 v7, v2  }
0x60: {  	vm3 =	vmor vm0, vm1;
	v8 =	vsel vm1, v6, v8;
	v6 =	vnsel vm2, $0x0, v6  }
0x61: {  	v8 =	vand.u32 $0xFFFF, v8  }
0x62: {  	v7 =	vsel vm0, v7, v8  }
0x63: {  	[tilespmem:s31+$0x0] =	vst v7;
	v7 =	vsel vm3, $0x3F800000, v0  }
0x64: {  	[tilespmem:s0+$0x0] =	vst v7  }
0x65: {  	v7 =	vld [tilespmem:s30+$0x10];
	_ =	sdelay $0x1  }
0x66: {  	v3 =	vadd.f32 v4, v3;
	_ =	sdelay $0x1  }
0x67: {  	v3 =	vadd.f32 v5, v3  }
0x68: {  	v5 =	vor.u32 s4, v1;
	v4 =	vshrl.u32 v7, $0x10  }
.Ltmp0:
0x69: {  	v3 =	vadd.f32 v6, v3;
	vm1 =	veq.s32 v4, v2;
	vm2 =	vgt.s32 v4, v2;
	(pc) =	sbr.rel @p1 .LBB2_3-.Ltmp0, $4  }
0x6a: {  	vm3 =	vmor vm0, vm1;
	v5 =	vsel vm1, v7, v5;
	v6 =	vnsel vm2, $0x0, v7  }
0x6b: {  	v5 =	vand.u32 $0xFFFF, v5;
	v3 =	vadd.f32 v6, v3  }
0x6c: {  	v4 =	vsel vm0, v4, v5  }
0x6d: {  	[tilespmem:s31+$0x10] =	vst v4;
	v4 =	vsel vm3, $0x3F800000, v0  }
0x6e: {  	[tilespmem:s0+$0x10] =	vst v4  }
0x6f: {  	v4 =	vld [tilespmem:$0x6080];
	_ =	sdelay $0x4  }
0x70: {  	s5 =	sshll.u32 s29, $0x1;
	v3 =	vadd.f32 v4, v3  }
0x71: {  	s0 =	smin.u32 s5, $0x5  }
0x72: {  	s0 =	sshll.u32 s0, $0xC;
	[tilespmem:$0x6080] =	vst v3  }
0x73: {  	[spmem:s1] =	stream.indirect.scatter.add.f32 [tilespmem:s21], [sflag:$0x3], $0x1, s20, s19, $0xb8;
	[tilespmem:$0x7100] =	vst v63  }
0x74: {  	s0 =	sadd.s32 s0, s10;
	_ =	swait.ge [sflag:s15], $0x1000  }
0x75: {  	s0 =	sshrl.u32 s0, $0x3;
	[sflag:s15] =	ssyncset.done $0x0  }
0x76: {  	s4 =	simm.s32 $0x0;
	s0 =	sadd.s32 s3, s0;
	[sflag:s15] =	ssyncadd.s32 $0xFFFFF000  }
0x77: {  	[tilespmem:s16], [sflag:$0x1] =	stream.linear.gather [hbm4b:s0+s4], $0x1000, $0x38;
	[tilespmem:$0x7100] =	vst v63  }
0x78: {  	_ =	swait.ge [sflag:s22], $0x1000  }
0x79: {  	[sflag:s22] =	ssyncset.done $0x0  }
0x7a: {  	s30 =	simm.s32 $0x10A0;
	[sflag:s22] =	ssyncadd.s32 $0xFFFFF000  }
0x7b: {  	v3 =	vld [tilespmem:s30+$0xFFFFFFE0];
	_ =	sdelay $0x3  }
0x7c: {  	s8 =	sadd.s32 $0x0, s28  }
0x7d: {  	s11 =	sadd.s32 $0x1000, s8;
	v4 =	vshrl.u32 v3, $0x10  }
0x7e: {  	v5 =	vor.u32 s11, v1;
	vm1 =	veq.s32 v4, v2  }
0x7f: {  	v5 =	vsel vm1, v3, v5  }
0x80: {  	v5 =	vand.u32 $0xFFFF, v5  }
0x81: {  	s31 =	simm.s32 $0x30A0;
	vm1 =	vmor vm0, vm1;
	v5 =	vsel vm0, v4, v5  }
0x82: {  	s0 =	simm.s32 $0x50A0;
	[tilespmem:s31+$0xFFFFFFE0] =	vst v5;
	v5 =	vsel vm1, $0x3F800000, v0  }
0x83: {  	[tilespmem:s0+$0xFFFFFFE0] =	vst v5  }
0x84: {  	v5 =	vld [tilespmem:s30+$0xFFFFFFF0];
	_ =	sdelay $0x4  }
0x85: {  	s5 =	sadd.s32 $0x1010, s8;
	v6 =	vshrl.u32 v5, $0x10  }
0x86: {  	v7 =	vor.u32 s5, v1;
	vm1 =	veq.s32 v6, v2  }
0x87: {  	v7 =	vsel vm1, v5, v7  }
0x88: {  	v7 =	vand.u32 $0xFFFF, v7  }
0x89: {  	vm1 =	vmor vm0, vm1;
	v7 =	vsel vm0, v6, v7  }
0x8a: {  	[tilespmem:s31+$0xFFFFFFF0] =	vst v7;
	v7 =	vsel vm1, $0x3F800000, v0  }
0x8b: {  	[tilespmem:s0+$0xFFFFFFF0] =	vst v7  }
0x8c: {  	v7 =	vld [tilespmem:s30+$0x0];
	_ =	sdelay $0x4  }
0x8d: {  	s25 =	sadd.s32 $0x1020, s8;
	v8 =	vshrl.u32 v7, $0x10  }
0x8e: {  	v9 =	vor.u32 s25, v1;
	vm1 =	veq.s32 v8, v2  }
0x8f: {  	v9 =	vsel vm1, v7, v9  }
0x90: {  	v9 =	vand.u32 $0xFFFF, v9  }
0x91: {  	vm1 =	vmor vm0, vm1;
	v9 =	vsel vm0, v8, v9  }
0x92: {  	v63 =	vsel vm1, $0x3F800000, v0;
	[tilespmem:s31+$0x0] =	vst v9  }
0x93: {  	[tilespmem:s0+$0x0] =	vst v63  }
0x94: {  	v9 =	vld [tilespmem:s30+$0x10];
	_ =	sdelay $0x1  }
0x95: {  	vm1 =	vgt.s32 v4, v2  }
0x96: {  	v4 =	vimm.f32 $0.0e+00;
	v3 =	vnsel vm1, $0x0, v3  }
0x97: {  	vm1 =	vgt.s32 v6, v2;
	v3 =	vadd.f32 v3, v4  }
0x98: {  	s4 =	sadd.s32 $0x1030, s8;
	v4 =	vnsel vm1, $0x0, v5;
	vm1 =	vgt.s32 v8, v2;
	v5 =	vshrl.u32 v9, $0x10  }
0x99: {  	v3 =	vadd.f32 v4, v3;
	v4 =	vor.u32 s4, v1;
	vm2 =	veq.s32 v5, v2  }
0x9a: {  	v6 =	vnsel vm1, $0x0, v7;
	v4 =	vsel vm2, v9, v4  }
0x9b: {  	v3 =	vadd.f32 v6, v3;
	vm1 =	vgt.s32 v5, v2;
	v4 =	vand.u32 $0xFFFF, v4  }
0x9c: {  	vm2 =	vmor vm0, vm2;
	v6 =	vnsel vm1, $0x0, v9;
	v4 =	vsel vm0, v5, v4  }
0x9d: {  	s25 =	simm.s32 $0x40;
	v3 =	vadd.f32 v6, v3;
	[tilespmem:s31+$0x10] =	vst v4;
	v4 =	vsel vm2, $0x3F800000, v0  }
.LBB2_5:
0x9e: {  	[tilespmem:s0+$0x10] =	vst v4;
	s31 =	sadd.s32 $0x40, s31;
	s0 =	sadd.s32 $0x40, s0;
	s30 =	sadd.s32 $0x40, s30  }
0x9f: {  	p1 =	sne.s32 s25, $0xFC0;
	s4 =	smov.u32 s25;
	s25 =	sadd.s32 $0x40, s25;
	v4 =	vld [tilespmem:s30+$0xFFFFFFE0]  }
0xa0: {  	_ =	sdelay $0x2  }
0xa1: {  	s4 =	sadd.s32 s4, s28  }
0xa2: {  	s5 =	sadd.s32 $0x1000, s4;
	s8 =	sadd.s32 $0x1010, s4;
	s11 =	sadd.s32 $0x1020, s4;
	v5 =	vshrl.u32 v4, $0x10  }
0xa3: {  	s4 =	sadd.s32 $0x1030, s4;
	v6 =	vor.u32 s5, v1;
	vm1 =	veq.s32 v5, v2;
	vm2 =	vgt.s32 v5, v2  }
0xa4: {  	vm3 =	vmor vm0, vm1;
	v6 =	vsel vm1, v4, v6;
	v4 =	vnsel vm2, $0x0, v4  }
0xa5: {  	v6 =	vand.u32 $0xFFFF, v6  }
0xa6: {  	v5 =	vsel vm0, v5, v6  }
0xa7: {  	[tilespmem:s31+$0xFFFFFFE0] =	vst v5;
	v5 =	vsel vm3, $0x3F800000, v0  }
0xa8: {  	[tilespmem:s0+$0xFFFFFFE0] =	vst v5  }
0xa9: {  	v5 =	vld [tilespmem:s30+$0xFFFFFFF0];
	_ =	sdelay $0x4  }
0xaa: {  	v6 =	vshrl.u32 v5, $0x10  }
0xab: {  	v7 =	vor.u32 s8, v1;
	vm1 =	veq.s32 v6, v2;
	vm2 =	vgt.s32 v6, v2  }
0xac: {  	vm3 =	vmor vm0, vm1;
	v7 =	vsel vm1, v5, v7;
	v5 =	vnsel vm2, $0x0, v5  }
0xad: {  	v7 =	vand.u32 $0xFFFF, v7  }
0xae: {  	v6 =	vsel vm0, v6, v7  }
0xaf: {  	[tilespmem:s31+$0xFFFFFFF0] =	vst v6;
	v6 =	vsel vm3, $0x3F800000, v0  }
0xb0: {  	[tilespmem:s0+$0xFFFFFFF0] =	vst v6  }
0xb1: {  	v6 =	vld [tilespmem:s30+$0x0];
	_ =	sdelay $0x4  }
0xb2: {  	v7 =	vshrl.u32 v6, $0x10  }
0xb3: {  	v8 =	vor.u32 s11, v1;
	vm1 =	veq.s32 v7, v2;
	vm2 =	vgt.s32 v7, v2  }
0xb4: {  	vm3 =	vmor vm0, vm1;
	v8 =	vsel vm1, v6, v8;
	v6 =	vnsel vm2, $0x0, v6  }
0xb5: {  	v8 =	vand.u32 $0xFFFF, v8  }
0xb6: {  	v7 =	vsel vm0, v7, v8  }
0xb7: {  	[tilespmem:s31+$0x0] =	vst v7;
	v7 =	vsel vm3, $0x3F800000, v0  }
0xb8: {  	[tilespmem:s0+$0x0] =	vst v7  }
0xb9: {  	v7 =	vld [tilespmem:s30+$0x10];
	_ =	sdelay $0x1  }
0xba: {  	v3 =	vadd.f32 v4, v3;
	_ =	sdelay $0x1  }
0xbb: {  	v3 =	vadd.f32 v5, v3  }
0xbc: {  	v5 =	vor.u32 s4, v1;
	v4 =	vshrl.u32 v7, $0x10  }
.Ltmp1:
0xbd: {  	v3 =	vadd.f32 v6, v3;
	vm1 =	veq.s32 v4, v2;
	vm2 =	vgt.s32 v4, v2;
	(pc) =	sbr.rel @p1 .LBB2_5-.Ltmp1, $4  }
0xbe: {  	vm3 =	vmor vm0, vm1;
	v5 =	vsel vm1, v7, v5;
	v6 =	vnsel vm2, $0x0, v7  }
0xbf: {  	v5 =	vand.u32 $0xFFFF, v5;
	v3 =	vadd.f32 v6, v3  }
0xc0: {  	v4 =	vsel vm0, v4, v5  }
0xc1: {  	[tilespmem:s31+$0x10] =	vst v4;
	v4 =	vsel vm3, $0x3F800000, v0  }
0xc2: {  	[tilespmem:s0+$0x10] =	vst v4  }
0xc3: {  	v4 =	vld [tilespmem:$0x6080];
	_ =	sdelay $0x4  }
0xc4: {  	s29 =	sadd.s32 $0x1, s29;
	v3 =	vadd.f32 v4, v3  }
0xc5: {  	p1 =	sne.s32 s29, $0x4  }
.Ltmp2:
0xc6: {  	[tilespmem:$0x6080] =	vst v3;
	(pc) =	sbr.rel @p1 .LBB2_2-.Ltmp2, $4  }
0xc7: {  	[spmem:s1] =	stream.indirect.scatter.add.f32 [tilespmem:s24], [sflag:$0x3], $0x1, s23, s19, $0xb8;
	[tilespmem:$0x7100] =	vst v63  }
0xc8: {  	_ =	swait.ge [sflag:s15], $0x1000  }
0xc9: {  	[sflag:s15] =	ssyncset.done $0x0  }
0xca: {  	s28 =	sadd.s32 $0x2000, s28;
	[sflag:s15] =	ssyncadd.s32 $0xFFFFF000  }
0xcb: {  	_ =	swait.ge [sflag:s18], $0x1000  }
0xcc: {  	[sflag:s18] =	ssyncset.done $0x0  }
0xcd: {  	s4 =	simm.s32 $0x6080;
	s0 =	rddreg [dreg:$0x6];
	[sflag:s18] =	ssyncadd.s32 $0xFFFFF000  }
0xce: {  	[hbm4b:s0+s2] =	stream.linear.scatter [tilespmem:s4], [sflag:$0x3], $0x80, $0x38;
	[tilespmem:$0x7100] =	vst v63  }
0xcf: {  	_ =	swait.ge [sflag:s15], $0x80  }
0xd0: {  	s5 =	simm.s32 @!p0 $0x20;
	s26 =	sadd.s32 $0x1, s26;
	[sflag:s15] =	ssyncset.done $0x0  }
0xd1: {  	s8 =	simm.s32 @!p0 $0x10;
	p1 =	sne.s32 s26, s13;
	[sflag:s15] =	ssyncadd.s32 $0xFFFFFF80  }
0xd2: {  	s0 =	sshrl.u32 @!p0 s1, $0x3;
	s4 =	simm.s32 @!p0 $0x1;
	[bflag:$0x0] =	sbarrier.arrive $0xFFFF  }
0xd3: {  	[hbm:s12@s5], [sflag:s7] =	dma.strided @!p0 [spmem:s0@s8], $0x2000, s4, $0x10   }
.Ltmp3:
0xd4: {  	_ = 	snop;
	(pc) =	sbr.rel @p1 .LBB2_1-.Ltmp3, $4  }
0xd5: {  	s0 =	simm.s32 @!p0 $0x3  }
0xd6: {  	_ =	swait.ge @!p0 [sflag:s0], $0x2000  }
0xd7: {  	[sflag:s0] =	ssyncset.done @!p0 $0x0  }
0xd8: {  	[sflag:s0] =	ssyncadd.s32 @!p0 $0xFFFFE000  }
0xd9: {  	_ =	sfence.sel $0x180000  }
0xda: {  	[bflag:$0x0] =	sbarrier.arrive $0xFFFF  }
0xdb: {  	_ =	strace $0x90000047  }
0xdc: {  	[bflag:$0x2] =	sbarrier.arrive $0xFFFF  }
0xdd: {  	s0 =	rddreg [dreg:$0x2]  }
0xde: {  	s0 =	sadd.s32 @!p0 $0x100000, s0  }
0xdf: {  	[sflag:s0] =	ssyncadd.tile.s32 @!p0 $0x1;
	_ =	shalt  }
.Lfunc_end2:
_tile_overlayer_lowered:
.L_overlay_start_2:
0xe0: {  	(tag) =	ssettag $0x2  }
0xe1: {  	s0 =	rddreg [dreg:$0x0];
	s2 =	stileid.u32  }
0xe2: {  	s1 =	rddreg [dreg:$0x1];
	p0 =	sne.s32 s2, $0x0  }
0xe3: {  	s3 =	rddreg [dreg:$0x2];
	[bflag:$0x3] =	sbarrier.arrive $0xFFFF;
	s2 =	simm.s32 @!p0 $0x1C03  }
0xe4: {  	[timem:s3], [sflag:s2] =	dma.local @!p0 [hbm:s0], s1  }
0xe5: {  	s0 =	simm.s32 @!p0 $0x3  }
0xe6: {  	_ =	swait.ge @!p0 [sflag:s0], s1  }
0xe7: {  	s1 =	ssub.s32 @!p0 $0x0, s1;
	[sflag:s0] =	ssyncset.done @!p0 $0x0  }
0xe8: {  	[sflag:s0] =	ssyncadd.s32 @!p0 s1  }
0xe9: {  	[bflag:$0x3] =	sbarrier.arrive $0xFFFF  }
0xea: {  	_ =	shalt  }

</sc_bundles>
